<compile_context>
chip_gen: v7x
topology: tpu7x:2x2x1
jax: 0.10.2.dev20260603
libtpu: 0.0.44.dev20260713+nightly
codegen_flags: <defaults>
</compile_context>

<pallas_src>
import functools

import jax
import jax.numpy as jnp
from jax import lax
from jax.experimental import pallas as pl
from jax.experimental.pallas import tpu as pltpu
from jax.experimental.pallas import tpu_sc as plsc

N = 10000
E = 320000
D = 128

NC = 2
NS = 16
L = 16

EDGES_PER_CORE = E // NC
EDGES_PER_TILE = E // (NC * NS)
CHUNK = 200
NCHUNKS = EDGES_PER_TILE // CHUNK
ZROWS = 104
ROWS_PER_TILE = 624

_TC_BLK = 1000



def _tc_pre_body(h_ref, wr_ref, wt_ref, b_ref, y_ref, z_ref):
    h = h_ref[...]
    y_ref[...] = jnp.dot(h, wr_ref[...], preferred_element_type=jnp.float32)
    z_ref[...] = jnp.dot(h, wt_ref[...], preferred_element_type=jnp.float32) + b_ref[...]


def _tc_pre(h, wr, wt, b):
    grid = (N // _TC_BLK,)
    return pl.pallas_call(
        _tc_pre_body,
        grid=grid,
        in_specs=[
            pl.BlockSpec((_TC_BLK, D), lambda i: (i, 0)),
            pl.BlockSpec((D, D), lambda i: (0, 0)),
            pl.BlockSpec((D, D), lambda i: (0, 0)),
            pl.BlockSpec((1, D), lambda i: (0, 0)),
        ],
        out_specs=[
            pl.BlockSpec((_TC_BLK, D), lambda i: (i, 0)),
            pl.BlockSpec((_TC_BLK, D), lambda i: (i, 0)),
        ],
        out_shape=[
            jax.ShapeDtypeStruct((N, D), jnp.float32),
            jax.ShapeDtypeStruct((N, D), jnp.float32),
        ],
    )(h, wr, wt, b.reshape(1, D))


def _tc_mid_body(p_ref, z_ref, wr_ref, wt_ref, b_ref, y_ref, z2_ref):
    h = jax.nn.relu(p_ref[0] + p_ref[1] + z_ref[...])
    y_ref[...] = jnp.dot(h, wr_ref[...], preferred_element_type=jnp.float32)
    z2_ref[...] = jnp.dot(h, wt_ref[...], preferred_element_type=jnp.float32) + b_ref[...]


def _tc_mid(p, z, wr, wt, b):
    grid = (N // _TC_BLK,)
    return pl.pallas_call(
        _tc_mid_body,
        grid=grid,
        in_specs=[
            pl.BlockSpec((2, _TC_BLK, D), lambda i: (0, i, 0)),
            pl.BlockSpec((_TC_BLK, D), lambda i: (i, 0)),
            pl.BlockSpec((D, D), lambda i: (0, 0)),
            pl.BlockSpec((D, D), lambda i: (0, 0)),
            pl.BlockSpec((1, D), lambda i: (0, 0)),
        ],
        out_specs=[
            pl.BlockSpec((_TC_BLK, D), lambda i: (i, 0)),
            pl.BlockSpec((_TC_BLK, D), lambda i: (i, 0)),
        ],
        out_shape=[
            jax.ShapeDtypeStruct((N, D), jnp.float32),
            jax.ShapeDtypeStruct((N, D), jnp.float32),
        ],
    )(p, z, wr, wt, b.reshape(1, D))


def _tc_post_body(p_ref, z_ref, o_ref):
    o_ref[...] = jax.nn.relu(p_ref[0] + p_ref[1] + z_ref[...])


def _tc_post(p, z):
    grid = (N // _TC_BLK,)
    return pl.pallas_call(
        _tc_post_body,
        grid=grid,
        in_specs=[
            pl.BlockSpec((2, _TC_BLK, D), lambda i: (0, i, 0)),
            pl.BlockSpec((_TC_BLK, D), lambda i: (i, 0)),
        ],
        out_specs=pl.BlockSpec((_TC_BLK, D), lambda i: (i, 0)),
        out_shape=jax.ShapeDtypeStruct((N, D), jnp.float32),
    )(p, z)



def _sc_agg_body(y_hbm, src_hbm, dst_hbm, w_hbm, out_hbm,
                 src_v, dst_v, w_v, rows_v, zbuf_v, acc_sh, sem):
    c = lax.axis_index("c")
    s = lax.axis_index("s")

    def zb_body(i, _):
        for g in range(D // L):
            zbuf_v[i, pl.ds(g * L, L)] = jnp.zeros((L,), jnp.float32)
        return 0
    lax.fori_loop(0, ZROWS, zb_body, 0)

    r0 = s * ROWS_PER_TILE
    for k in range(6):
        pltpu.sync_copy(zbuf_v, acc_sh.at[pl.ds(r0 + k * ZROWS, ZROWS)])

    @pl.when(s == NS - 1)
    def _():
        pltpu.sync_copy(zbuf_v.at[pl.ds(0, 16)], acc_sh.at[pl.ds(r0 + 624, 16)])

    plsc.subcore_barrier()

    ebase = c * EDGES_PER_CORE + s * EDGES_PER_TILE

    def chunk_body(k, _):
        b = ebase + k * CHUNK
        pltpu.sync_copy(src_hbm.at[pl.ds(b, CHUNK)], src_v)
        pltpu.sync_copy(dst_hbm.at[pl.ds(b, CHUNK)], dst_v)
        pltpu.sync_copy(w_hbm.at[pl.ds(b, CHUNK)], w_v.at[pl.ds(0, CHUNK)])
        pltpu.async_copy(y_hbm.at[src_v], rows_v, sem).wait()

        def grp_body(gi, _):
            w16 = w_v[pl.ds(gi * L, L)]
            for i in range(L):
                wb = jnp.full((L,), w16[i], dtype=jnp.float32)
                r = gi * L + i
                for g in range(D // L):
                    rows_v[r, pl.ds(g * L, L)] = rows_v[r, pl.ds(g * L, L)] * wb
            return 0
        lax.fori_loop(0, CHUNK // L, grp_body, 0)
        w16t = w_v[pl.ds((CHUNK // L) * L, L)]
        for i in range(CHUNK - (CHUNK // L) * L):
            wb = jnp.full((L,), w16t[i], dtype=jnp.float32)
            r = (CHUNK // L) * L + i
            for g in range(D // L):
                rows_v[r, pl.ds(g * L, L)] = rows_v[r, pl.ds(g * L, L)] * wb

        pltpu.sync_copy(rows_v, acc_sh.at[dst_v], add=True)
        return 0

    lax.fori_loop(0, NCHUNKS, chunk_body, 0)

    plsc.subcore_barrier()

    ob = c * N + r0

    @pl.when(s == NS - 1)
    def _():
        pltpu.sync_copy(acc_sh.at[pl.ds(r0, 640)], out_hbm.at[pl.ds(ob, 640)])

    @pl.when(s < NS - 1)
    def _():
        pltpu.sync_copy(acc_sh.at[pl.ds(r0, ROWS_PER_TILE)],
                        out_hbm.at[pl.ds(ob, ROWS_PER_TILE)])


@functools.partial(jax.jit, static_argnames=())
def _sc_agg(y, src, dst, w):
    mesh = plsc.VectorSubcoreMesh(core_axis_name="c", subcore_axis_name="s",
                                  num_cores=NC, num_subcores=NS)
    k = pl.kernel(
        _sc_agg_body,
        out_type=jax.ShapeDtypeStruct((2 * N, D), jnp.float32),
        mesh=mesh,
        scratch_types=[
            pltpu.VMEM((CHUNK,), jnp.int32),
            pltpu.VMEM((CHUNK,), jnp.int32),
            pltpu.VMEM((CHUNK + 8,), jnp.float32),
            pltpu.VMEM((CHUNK, D), jnp.float32),
            pltpu.VMEM((ZROWS, D), jnp.float32),
            pltpu.VMEM_SHARED((N, D), jnp.float32),
            pltpu.SemaphoreType.DMA,
        ],
    )
    return k(y, src, dst, w).reshape(2, N, D)



def kernel(x, edge_index, edge_attr, batch,
           W_rel0, b_rel0, W_root0,
           W_rel1, b_rel1, W_root1,
           W_rel2, b_rel2, W_root2):
    src = edge_index[0]
    dst = edge_index[1]

    y0, z0 = _tc_pre(x, W_rel0, W_root0, b_rel0)
    p0 = _sc_agg(y0, src, dst, edge_attr)
    y1, z1 = _tc_mid(p0, z0, W_rel1, W_root1, b_rel1)
    p1 = _sc_agg(y1, src, dst, edge_attr)
    y2, z2 = _tc_mid(p1, z1, W_rel2, W_root2, b_rel2)
    p2 = _sc_agg(y2, src, dst, edge_attr)
    return _tc_post(p2, z2)

# --- scband reference (transcript-rebuilt; emitter-appended) ---
"""Pipeline reference for scband-graph-encoder-25116968747096 (READ-ONLY COPY).

The authoritative reference and input builder live on the scoring server;
editing this copy changes nothing except your own understanding.
"""

import jax, jax.numpy as jnp
import numpy as np

N = 10000
E = 320000
D = 128
NUM_LAYERS = 3


def setup_inputs(seed: int = 0) -> dict:
    key = jax.random.key(seed)
    ks = jax.random.split(key, 16)
    inp = {}
    inp["x"] = jax.random.normal(ks[0], (N, D), dtype=jnp.float32)
    inp["edge_index"] = jax.random.randint(ks[1], (2, E), 0, N, dtype=jnp.int32)
    inp["edge_attr"] = jax.random.uniform(ks[2], (E,), dtype=jnp.float32)
    inp["batch"] = jnp.zeros((N,), dtype=jnp.int32)
    # GraphConv params per layer: lin_rel (Linear(in,out,bias=True)) applied to aggregated
    # neighbor messages, lin_root (Linear(in,out,bias=False)) applied to self features.
    scale = 1.0 / np.sqrt(D)
    for i in range(NUM_LAYERS):
        inp[f"W_rel{i}"] = jax.random.normal(ks[3 + 3 * i], (D, D), dtype=jnp.float32) * scale
        inp[f"b_rel{i}"] = jnp.zeros((D,), dtype=jnp.float32)
        inp[f"W_root{i}"] = jax.random.normal(ks[4 + 3 * i], (D, D), dtype=jnp.float32) * scale
    return inp


def _graph_conv(x, edge_index, edge_weight, W_rel, b_rel, W_root):
    # PyG GraphConv (aggr='add'): out = lin_rel(sum_{j in N(i)} w_ij * x_j) + lin_root(x_i)
    src = edge_index[0]
    dst = edge_index[1]
    msg = edge_weight[:, None] * jnp.take(x, src, axis=0)  # gather x_j
    agg = jax.ops.segment_sum(msg, dst, num_segments=x.shape[0])  # scatter-add to dst
    return agg @ W_rel + b_rel + x @ W_root


def reference(x, edge_index, edge_attr, batch,
              W_rel0, b_rel0, W_root0,
              W_rel1, b_rel1, W_root1,
              W_rel2, b_rel2, W_root2):
    # norm_type=None, act_type='relu', enc_concat=False -> relu after every conv block,
    # return last layer output. `batch` is unused (only consumed by GraphNorm/LayerNorm).
    params = ((W_rel0, b_rel0, W_root0),
              (W_rel1, b_rel1, W_root1),
              (W_rel2, b_rel2, W_root2))
    h = x
    for (Wr, br, Wt) in params:
        h = jax.nn.relu(_graph_conv(h, edge_index, edge_attr, Wr, br, Wt))
    return h

if __name__ == "__main__":
    import jax
    _d = setup_inputs()
    print(jax.jit(kernel)(*tuple(_d.values())))

</pallas_src>

<mosaic_0001>
#map = affine_map<(d0, d1) -> (0, 0)>
#map1 = affine_map<(d0, d1) -> (0)>
module attributes {stable_mosaic.version = 14 : i64} {
  func.func @_sc_agg_body(%arg0: i32, %arg1: i32, %arg2: memref<10000x128xf32, #tpu.memory_space<hbm>>, %arg3: memref<320000xi32, #tpu.memory_space<hbm>>, %arg4: memref<320000xi32, #tpu.memory_space<hbm>>, %arg5: memref<320000xf32, #tpu.memory_space<hbm>>, %arg6: memref<20000x128xf32, #tpu.memory_space<hbm>>, %arg7: memref<200xi32, #tpu.memory_space<vmem>>, %arg8: memref<200xi32, #tpu.memory_space<vmem>>, %arg9: memref<208xf32, #tpu.memory_space<vmem>>, %arg10: memref<200x128xf32, #tpu.memory_space<vmem>>, %arg11: memref<104x128xf32, #tpu.memory_space<vmem>>, %arg12: memref<10000x128xf32, #tpu.memory_space<vmem_shared>>, %arg13: memref<!tpu.dma_semaphore, #tpu.memory_space<semaphore_mem>>) attributes {dimension_semantics = [#tpu.dimension_semantics<core_parallel>, #tpu.dimension_semantics<subcore_parallel>], iteration_bounds = array<i64: 2, 16>, scalar_prefetch = 0 : i64, scratch_operands = 7 : i64, tpu.core_type = #tpu.core_type<sc_vector_subcore>, window_params = [{transform_indices = #map}, {transform_indices = #map1}, {transform_indices = #map1}, {transform_indices = #map1}, {transform_indices = #map}]} {
    %scan3A = arith.constant 0 : i32
    %scan3A_0 = arith.constant 0 : i32
    %scan3A_1 = arith.constant 104 : i32
    %scan3A_2 = arith.addi %scan3A_0, %scan3A_1 : i32
    %scan3A_3 = arith.constant 1 : i32
    %scan3A_4 = scf.for %scan3A_45 = %scan3A_0 to %scan3A_2 step %scan3A_3 iter_args(%scan3A_46 = %scan3A) -> (i32)  : i32 {
      %broadcast_in_dim3A = arith.constant 0.000000e+00 : f32
      %broadcast_in_dim3A_47 = vector.broadcast %broadcast_in_dim3A : f32 to vector<16xf32>
      %swap3A = arith.index_cast %scan3A_45 : i32 to index
      %swap3A_48 = arith.constant 0 : index
      %swap3A_49 = tpu.vector_load %arg11[%swap3A, %swap3A_48] {strides = array<i32>} : memref<104x128xf32, #tpu.memory_space<vmem>>, vector<1x16xf32>,
      %swap3A_50 = vector.shape_cast %swap3A_49 : vector<1x16xf32> to vector<16xf32>
      %swap3A_51 = vector.shape_cast %broadcast_in_dim3A_47 : vector<16xf32> to vector<1x16xf32>
      tpu.vector_store %arg11[%swap3A, %swap3A_48], %swap3A_51 {strides = array<i32>} : memref<104x128xf32, #tpu.memory_space<vmem>>, vector<1x16xf32>,
      %broadcast_in_dim3A_52 = arith.constant 0.000000e+00 : f32
      %broadcast_in_dim3A_53 = vector.broadcast %broadcast_in_dim3A_52 : f32 to vector<16xf32>
      %swap3A_54 = arith.index_cast %scan3A_45 : i32 to index
      %swap3A_55 = arith.constant 16 : index
      %swap3A_56 = tpu.vector_load %arg11[%swap3A_54, %swap3A_55] {strides = array<i32>} : memref<104x128xf32, #tpu.memory_space<vmem>>, vector<1x16xf32>,
      %swap3A_57 = vector.shape_cast %swap3A_56 : vector<1x16xf32> to vector<16xf32>
      %swap3A_58 = vector.shape_cast %broadcast_in_dim3A_53 : vector<16xf32> to vector<1x16xf32>
      tpu.vector_store %arg11[%swap3A_54, %swap3A_55], %swap3A_58 {strides = array<i32>} : memref<104x128xf32, #tpu.memory_space<vmem>>, vector<1x16xf32>,
      %broadcast_in_dim3A_59 = arith.constant 0.000000e+00 : f32
      %broadcast_in_dim3A_60 = vector.broadcast %broadcast_in_dim3A_59 : f32 to vector<16xf32>
      %swap3A_61 = arith.index_cast %scan3A_45 : i32 to index
      %swap3A_62 = arith.constant 32 : index
      %swap3A_63 = tpu.vector_load %arg11[%swap3A_61, %swap3A_62] {strides = array<i32>} : memref<104x128xf32, #tpu.memory_space<vmem>>, vector<1x16xf32>,
      %swap3A_64 = vector.shape_cast %swap3A_63 : vector<1x16xf32> to vector<16xf32>
      %swap3A_65 = vector.shape_cast %broadcast_in_dim3A_60 : vector<16xf32> to vector<1x16xf32>
      tpu.vector_store %arg11[%swap3A_61, %swap3A_62], %swap3A_65 {strides = array<i32>} : memref<104x128xf32, #tpu.memory_space<vmem>>, vector<1x16xf32>,
      %broadcast_in_dim3A_66 = arith.constant 0.000000e+00 : f32
      %broadcast_in_dim3A_67 = vector.broadcast %broadcast_in_dim3A_66 : f32 to vector<16xf32>
      %swap3A_68 = arith.index_cast %scan3A_45 : i32 to index
      %swap3A_69 = arith.constant 48 : index
      %swap3A_70 = tpu.vector_load %arg11[%swap3A_68, %swap3A_69] {strides = array<i32>} : memref<104x128xf32, #tpu.memory_space<vmem>>, vector<1x16xf32>,
      %swap3A_71 = vector.shape_cast %swap3A_70 : vector<1x16xf32> to vector<16xf32>
      %swap3A_72 = vector.shape_cast %broadcast_in_dim3A_67 : vector<16xf32> to vector<1x16xf32>
      tpu.vector_store %arg11[%swap3A_68, %swap3A_69], %swap3A_72 {strides = array<i32>} : memref<104x128xf32, #tpu.memory_space<vmem>>, vector<1x16xf32>,
      %broadcast_in_dim3A_73 = arith.constant 0.000000e+00 : f32
      %broadcast_in_dim3A_74 = vector.broadcast %broadcast_in_dim3A_73 : f32 to vector<16xf32>
      %swap3A_75 = arith.index_cast %scan3A_45 : i32 to index
      %swap3A_76 = arith.constant 64 : index
      %swap3A_77 = tpu.vector_load %arg11[%swap3A_75, %swap3A_76] {strides = array<i32>} : memref<104x128xf32, #tpu.memory_space<vmem>>, vector<1x16xf32>,
      %swap3A_78 = vector.shape_cast %swap3A_77 : vector<1x16xf32> to vector<16xf32>
      %swap3A_79 = vector.shape_cast %broadcast_in_dim3A_74 : vector<16xf32> to vector<1x16xf32>
      tpu.vector_store %arg11[%swap3A_75, %swap3A_76], %swap3A_79 {strides = array<i32>} : memref<104x128xf32, #tpu.memory_space<vmem>>, vector<1x16xf32>,
      %broadcast_in_dim3A_80 = arith.constant 0.000000e+00 : f32
      %broadcast_in_dim3A_81 = vector.broadcast %broadcast_in_dim3A_80 : f32 to vector<16xf32>
      %swap3A_82 = arith.index_cast %scan3A_45 : i32 to index
      %swap3A_83 = arith.constant 80 : index
      %swap3A_84 = tpu.vector_load %arg11[%swap3A_82, %swap3A_83] {strides = array<i32>} : memref<104x128xf32, #tpu.memory_space<vmem>>, vector<1x16xf32>,
      %swap3A_85 = vector.shape_cast %swap3A_84 : vector<1x16xf32> to vector<16xf32>
      %swap3A_86 = vector.shape_cast %broadcast_in_dim3A_81 : vector<16xf32> to vector<1x16xf32>
      tpu.vector_store %arg11[%swap3A_82, %swap3A_83], %swap3A_86 {strides = array<i32>} : memref<104x128xf32, #tpu.memory_space<vmem>>, vector<1x16xf32>,
      %broadcast_in_dim3A_87 = arith.constant 0.000000e+00 : f32
      %broadcast_in_dim3A_88 = vector.broadcast %broadcast_in_dim3A_87 : f32 to vector<16xf32>
      %swap3A_89 = arith.index_cast %scan3A_45 : i32 to index
      %swap3A_90 = arith.constant 96 : index
      %swap3A_91 = tpu.vector_load %arg11[%swap3A_89, %swap3A_90] {strides = array<i32>} : memref<104x128xf32, #tpu.memory_space<vmem>>, vector<1x16xf32>,
      %swap3A_92 = vector.shape_cast %swap3A_91 : vector<1x16xf32> to vector<16xf32>
      %swap3A_93 = vector.shape_cast %broadcast_in_dim3A_88 : vector<16xf32> to vector<1x16xf32>
      tpu.vector_store %arg11[%swap3A_89, %swap3A_90], %swap3A_93 {strides = array<i32>} : memref<104x128xf32, #tpu.memory_space<vmem>>, vector<1x16xf32>,
      %broadcast_in_dim3A_94 = arith.constant 0.000000e+00 : f32
      %broadcast_in_dim3A_95 = vector.broadcast %broadcast_in_dim3A_94 : f32 to vector<16xf32>
      %swap3A_96 = arith.index_cast %scan3A_45 : i32 to index
      %swap3A_97 = arith.constant 112 : index
      %swap3A_98 = tpu.vector_load %arg11[%swap3A_96, %swap3A_97] {strides = array<i32>} : memref<104x128xf32, #tpu.memory_space<vmem>>, vector<1x16xf32>,
      %swap3A_99 = vector.shape_cast %swap3A_98 : vector<1x16xf32> to vector<16xf32>
      %swap3A_100 = vector.shape_cast %broadcast_in_dim3A_95 : vector<16xf32> to vector<1x16xf32>
      tpu.vector_store %arg11[%swap3A_96, %swap3A_97], %swap3A_100 {strides = array<i32>} : memref<104x128xf32, #tpu.memory_space<vmem>>, vector<1x16xf32>,
      %scan3A_101 = arith.constant 0 : i32
      scf.yield %scan3A_101 : i32
    }
    %scan3A_5 = arith.constant 104 : i32
    %mul3A = arith.constant 624 : i32
    %mul3A_6 = arith.muli %arg1, %mul3A : i32
    %add3A = arith.constant 0 : i32
    %add3A_7 = arith.addi %mul3A_6, %add3A : i32
    "tpu.region"() ({
      %run_scoped3A = tpu.sem_alloc : memref<!tpu.dma_semaphore, #tpu.memory_space<semaphore_mem>>
      %dma_start3A = arith.constant 0 : i32
      %dma_start3A_45 = tpu.memref_slice %arg12[%add3A_7, %dma_start3A] : memref<10000x128xf32, #tpu.memory_space<vmem_shared>> -> memref<104x128xf32, #tpu.memory_space<vmem_shared>>
      %dma_start3A_46 = arith.constant 0 : i32
      %dma_start3A_47 = tpu.memref_slice %arg12[%add3A_7, %dma_start3A_46] : memref<10000x128xf32, #tpu.memory_space<vmem_shared>> -> memref<104x128xf32, #tpu.memory_space<vmem_shared>>
      tpu.enqueue_dma source(%arg11 : memref<104x128xf32, #tpu.memory_space<vmem>>) target(%dma_start3A_47 : memref<104x128xf32, #tpu.memory_space<vmem_shared>>) target_semaphore(%run_scoped3A : memref<!tpu.dma_semaphore, #tpu.memory_space<semaphore_mem>>)
      %dma_wait3A = arith.constant 0 : i32
      %dma_wait3A_48 = tpu.memref_slice %arg12[%add3A_7, %dma_wait3A] : memref<10000x128xf32, #tpu.memory_space<vmem_shared>> -> memref<104x128xf32, #tpu.memory_space<vmem_shared>>
      %dma_wait3A_49 = arith.constant 0 : i32
      %dma_wait3A_50 = tpu.memref_slice %arg12[%add3A_7, %dma_wait3A_49] : memref<10000x128xf32, #tpu.memory_space<vmem_shared>> -> memref<104x128xf32, #tpu.memory_space<vmem_shared>>
      tpu.wait_dma2 semaphore(%run_scoped3A : memref<!tpu.dma_semaphore, #tpu.memory_space<semaphore_mem>>) src(%arg11 : memref<104x128xf32, #tpu.memory_space<vmem>>) dst(%dma_wait3A_50 : memref<104x128xf32, #tpu.memory_space<vmem_shared>>)
      tpu.yield
    }) : () -> ()
    %add3A_8 = arith.constant 104 : i32
    %add3A_9 = arith.addi %mul3A_6, %add3A_8 : i32
    "tpu.region"() ({
      %run_scoped3A = tpu.sem_alloc : memref<!tpu.dma_semaphore, #tpu.memory_space<semaphore_mem>>
      %dma_start3A = arith.constant 0 : i32
      %dma_start3A_45 = tpu.memref_slice %arg12[%add3A_9, %dma_start3A] : memref<10000x128xf32, #tpu.memory_space<vmem_shared>> -> memref<104x128xf32, #tpu.memory_space<vmem_shared>>
      %dma_start3A_46 = arith.constant 0 : i32
      %dma_start3A_47 = tpu.memref_slice %arg12[%add3A_9, %dma_start3A_46] : memref<10000x128xf32, #tpu.memory_space<vmem_shared>> -> memref<104x128xf32, #tpu.memory_space<vmem_shared>>
      tpu.enqueue_dma source(%arg11 : memref<104x128xf32, #tpu.memory_space<vmem>>) target(%dma_start3A_47 : memref<104x128xf32, #tpu.memory_space<vmem_shared>>) target_semaphore(%run_scoped3A : memref<!tpu.dma_semaphore, #tpu.memory_space<semaphore_mem>>)
      %dma_wait3A = arith.constant 0 : i32
      %dma_wait3A_48 = tpu.memref_slice %arg12[%add3A_9, %dma_wait3A] : memref<10000x128xf32, #tpu.memory_space<vmem_shared>> -> memref<104x128xf32, #tpu.memory_space<vmem_shared>>
      %dma_wait3A_49 = arith.constant 0 : i32
      %dma_wait3A_50 = tpu.memref_slice %arg12[%add3A_9, %dma_wait3A_49] : memref<10000x128xf32, #tpu.memory_space<vmem_shared>> -> memref<104x128xf32, #tpu.memory_space<vmem_shared>>
      tpu.wait_dma2 semaphore(%run_scoped3A : memref<!tpu.dma_semaphore, #tpu.memory_space<semaphore_mem>>) src(%arg11 : memref<104x128xf32, #tpu.memory_space<vmem>>) dst(%dma_wait3A_50 : memref<104x128xf32, #tpu.memory_space<vmem_shared>>)
      tpu.yield
    }) : () -> ()
    %add3A_10 = arith.constant 208 : i32
    %add3A_11 = arith.addi %mul3A_6, %add3A_10 : i32
    "tpu.region"() ({
      %run_scoped3A = tpu.sem_alloc : memref<!tpu.dma_semaphore, #tpu.memory_space<semaphore_mem>>
      %dma_start3A = arith.constant 0 : i32
      %dma_start3A_45 = tpu.memref_slice %arg12[%add3A_11, %dma_start3A] : memref<10000x128xf32, #tpu.memory_space<vmem_shared>> -> memref<104x128xf32, #tpu.memory_space<vmem_shared>>
      %dma_start3A_46 = arith.constant 0 : i32
      %dma_start3A_47 = tpu.memref_slice %arg12[%add3A_11, %dma_start3A_46] : memref<10000x128xf32, #tpu.memory_space<vmem_shared>> -> memref<104x128xf32, #tpu.memory_space<vmem_shared>>
      tpu.enqueue_dma source(%arg11 : memref<104x128xf32, #tpu.memory_space<vmem>>) target(%dma_start3A_47 : memref<104x128xf32, #tpu.memory_space<vmem_shared>>) target_semaphore(%run_scoped3A : memref<!tpu.dma_semaphore, #tpu.memory_space<semaphore_mem>>)
      %dma_wait3A = arith.constant 0 : i32
      %dma_wait3A_48 = tpu.memref_slice %arg12[%add3A_11, %dma_wait3A] : memref<10000x128xf32, #tpu.memory_space<vmem_shared>> -> memref<104x128xf32, #tpu.memory_space<vmem_shared>>
      %dma_wait3A_49 = arith.constant 0 : i32
      %dma_wait3A_50 = tpu.memref_slice %arg12[%add3A_11, %dma_wait3A_49] : memref<10000x128xf32, #tpu.memory_space<vmem_shared>> -> memref<104x128xf32, #tpu.memory_space<vmem_shared>>
      tpu.wait_dma2 semaphore(%run_scoped3A : memref<!tpu.dma_semaphore, #tpu.memory_space<semaphore_mem>>) src(%arg11 : memref<104x128xf32, #tpu.memory_space<vmem>>) dst(%dma_wait3A_50 : memref<104x128xf32, #tpu.memory_space<vmem_shared>>)
      tpu.yield
    }) : () -> ()
    %add3A_12 = arith.constant 312 : i32
    %add3A_13 = arith.addi %mul3A_6, %add3A_12 : i32
    "tpu.region"() ({
      %run_scoped3A = tpu.sem_alloc : memref<!tpu.dma_semaphore, #tpu.memory_space<semaphore_mem>>
      %dma_start3A = arith.constant 0 : i32
      %dma_start3A_45 = tpu.memref_slice %arg12[%add3A_13, %dma_start3A] : memref<10000x128xf32, #tpu.memory_space<vmem_shared>> -> memref<104x128xf32, #tpu.memory_space<vmem_shared>>
      %dma_start3A_46 = arith.constant 0 : i32
      %dma_start3A_47 = tpu.memref_slice %arg12[%add3A_13, %dma_start3A_46] : memref<10000x128xf32, #tpu.memory_space<vmem_shared>> -> memref<104x128xf32, #tpu.memory_space<vmem_shared>>
      tpu.enqueue_dma source(%arg11 : memref<104x128xf32, #tpu.memory_space<vmem>>) target(%dma_start3A_47 : memref<104x128xf32, #tpu.memory_space<vmem_shared>>) target_semaphore(%run_scoped3A : memref<!tpu.dma_semaphore, #tpu.memory_space<semaphore_mem>>)
      %dma_wait3A = arith.constant 0 : i32
      %dma_wait3A_48 = tpu.memref_slice %arg12[%add3A_13, %dma_wait3A] : memref<10000x128xf32, #tpu.memory_space<vmem_shared>> -> memref<104x128xf32, #tpu.memory_space<vmem_shared>>
      %dma_wait3A_49 = arith.constant 0 : i32
      %dma_wait3A_50 = tpu.memref_slice %arg12[%add3A_13, %dma_wait3A_49] : memref<10000x128xf32, #tpu.memory_space<vmem_shared>> -> memref<104x128xf32, #tpu.memory_space<vmem_shared>>
      tpu.wait_dma2 semaphore(%run_scoped3A : memref<!tpu.dma_semaphore, #tpu.memory_space<semaphore_mem>>) src(%arg11 : memref<104x128xf32, #tpu.memory_space<vmem>>) dst(%dma_wait3A_50 : memref<104x128xf32, #tpu.memory_space<vmem_shared>>)
      tpu.yield
    }) : () -> ()
    %add3A_14 = arith.constant 416 : i32
    %add3A_15 = arith.addi %mul3A_6, %add3A_14 : i32
    "tpu.region"() ({
      %run_scoped3A = tpu.sem_alloc : memref<!tpu.dma_semaphore, #tpu.memory_space<semaphore_mem>>
      %dma_start3A = arith.constant 0 : i32
      %dma_start3A_45 = tpu.memref_slice %arg12[%add3A_15, %dma_start3A] : memref<10000x128xf32, #tpu.memory_space<vmem_shared>> -> memref<104x128xf32, #tpu.memory_space<vmem_shared>>
      %dma_start3A_46 = arith.constant 0 : i32
      %dma_start3A_47 = tpu.memref_slice %arg12[%add3A_15, %dma_start3A_46] : memref<10000x128xf32, #tpu.memory_space<vmem_shared>> -> memref<104x128xf32, #tpu.memory_space<vmem_shared>>
      tpu.enqueue_dma source(%arg11 : memref<104x128xf32, #tpu.memory_space<vmem>>) target(%dma_start3A_47 : memref<104x128xf32, #tpu.memory_space<vmem_shared>>) target_semaphore(%run_scoped3A : memref<!tpu.dma_semaphore, #tpu.memory_space<semaphore_mem>>)
      %dma_wait3A = arith.constant 0 : i32
      %dma_wait3A_48 = tpu.memref_slice %arg12[%add3A_15, %dma_wait3A] : memref<10000x128xf32, #tpu.memory_space<vmem_shared>> -> memref<104x128xf32, #tpu.memory_space<vmem_shared>>
      %dma_wait3A_49 = arith.constant 0 : i32
      %dma_wait3A_50 = tpu.memref_slice %arg12[%add3A_15, %dma_wait3A_49] : memref<10000x128xf32, #tpu.memory_space<vmem_shared>> -> memref<104x128xf32, #tpu.memory_space<vmem_shared>>
      tpu.wait_dma2 semaphore(%run_scoped3A : memref<!tpu.dma_semaphore, #tpu.memory_space<semaphore_mem>>) src(%arg11 : memref<104x128xf32, #tpu.memory_space<vmem>>) dst(%dma_wait3A_50 : memref<104x128xf32, #tpu.memory_space<vmem_shared>>)
      tpu.yield
    }) : () -> ()
    %add3A_16 = arith.constant 520 : i32
    %add3A_17 = arith.addi %mul3A_6, %add3A_16 : i32
    "tpu.region"() ({
      %run_scoped3A = tpu.sem_alloc : memref<!tpu.dma_semaphore, #tpu.memory_space<semaphore_mem>>
      %dma_start3A = arith.constant 0 : i32
      %dma_start3A_45 = tpu.memref_slice %arg12[%add3A_17, %dma_start3A] : memref<10000x128xf32, #tpu.memory_space<vmem_shared>> -> memref<104x128xf32, #tpu.memory_space<vmem_shared>>
      %dma_start3A_46 = arith.constant 0 : i32
      %dma_start3A_47 = tpu.memref_slice %arg12[%add3A_17, %dma_start3A_46] : memref<10000x128xf32, #tpu.memory_space<vmem_shared>> -> memref<104x128xf32, #tpu.memory_space<vmem_shared>>
      tpu.enqueue_dma source(%arg11 : memref<104x128xf32, #tpu.memory_space<vmem>>) target(%dma_start3A_47 : memref<104x128xf32, #tpu.memory_space<vmem_shared>>) target_semaphore(%run_scoped3A : memref<!tpu.dma_semaphore, #tpu.memory_space<semaphore_mem>>)
      %dma_wait3A = arith.constant 0 : i32
      %dma_wait3A_48 = tpu.memref_slice %arg12[%add3A_17, %dma_wait3A] : memref<10000x128xf32, #tpu.memory_space<vmem_shared>> -> memref<104x128xf32, #tpu.memory_space<vmem_shared>>
      %dma_wait3A_49 = arith.constant 0 : i32
      %dma_wait3A_50 = tpu.memref_slice %arg12[%add3A_17, %dma_wait3A_49] : memref<10000x128xf32, #tpu.memory_space<vmem_shared>> -> memref<104x128xf32, #tpu.memory_space<vmem_shared>>
      tpu.wait_dma2 semaphore(%run_scoped3A : memref<!tpu.dma_semaphore, #tpu.memory_space<semaphore_mem>>) src(%arg11 : memref<104x128xf32, #tpu.memory_space<vmem>>) dst(%dma_wait3A_50 : memref<104x128xf32, #tpu.memory_space<vmem_shared>>)
      tpu.yield
    }) : () -> ()
    %eq3A = arith.constant 15 : i32
    %eq3A_18 = arith.cmpi eq, %arg1, %eq3A : i32
    %convert_element_type3A = arith.extui %eq3A_18 : i1 to i32
    %cond3A = arith.constant 0 : i32
    %cond3A_19 = arith.cmpi ne, %convert_element_type3A, %cond3A : i32
    scf.if %cond3A_19 {
      %add3A_45 = arith.constant 624 : i32
      %add3A_46 = arith.addi %mul3A_6, %add3A_45 : i32
      "tpu.region"() ({
        %run_scoped3A = tpu.sem_alloc : memref<!tpu.dma_semaphore, #tpu.memory_space<semaphore_mem>>
        %dma_start3A = arith.constant 0 : i32
        %dma_start3A_47 = arith.constant 0 : i32
        %dma_start3A_48 = tpu.memref_slice %arg11[%dma_start3A, %dma_start3A_47] : memref<104x128xf32, #tpu.memory_space<vmem>> -> memref<16x128xf32, #tpu.memory_space<vmem>>
        %dma_start3A_49 = arith.constant 0 : i32
        %dma_start3A_50 = tpu.memref_slice %arg12[%add3A_46, %dma_start3A_49] : memref<10000x128xf32, #tpu.memory_space<vmem_shared>> -> memref<16x128xf32, #tpu.memory_space<vmem_shared>>
        %dma_start3A_51 = arith.constant 0 : i32
        %dma_start3A_52 = tpu.memref_slice %arg12[%add3A_46, %dma_start3A_51] : memref<10000x128xf32, #tpu.memory_space<vmem_shared>> -> memref<16x128xf32, #tpu.memory_space<vmem_shared>>
        %dma_start3A_53 = arith.constant 0 : i32
        %dma_start3A_54 = arith.constant 0 : i32
        %dma_start3A_55 = tpu.memref_slice %arg11[%dma_start3A_53, %dma_start3A_54] : memref<104x128xf32, #tpu.memory_space<vmem>> -> memref<16x128xf32, #tpu.memory_space<vmem>>
        tpu.enqueue_dma source(%dma_start3A_55 : memref<16x128xf32, #tpu.memory_space<vmem>>) target(%dma_start3A_52 : memref<16x128xf32, #tpu.memory_space<vmem_shared>>) target_semaphore(%run_scoped3A : memref<!tpu.dma_semaphore, #tpu.memory_space<semaphore_mem>>)
        %dma_wait3A = arith.constant 0 : i32
        %dma_wait3A_56 = arith.constant 0 : i32
        %dma_wait3A_57 = tpu.memref_slice %arg11[%dma_wait3A, %dma_wait3A_56] : memref<104x128xf32, #tpu.memory_space<vmem>> -> memref<16x128xf32, #tpu.memory_space<vmem>>
        %dma_wait3A_58 = arith.constant 0 : i32
        %dma_wait3A_59 = tpu.memref_slice %arg12[%add3A_46, %dma_wait3A_58] : memref<10000x128xf32, #tpu.memory_space<vmem_shared>> -> memref<16x128xf32, #tpu.memory_space<vmem_shared>>
        %dma_wait3A_60 = arith.constant 0 : i32
        %dma_wait3A_61 = tpu.memref_slice %arg12[%add3A_46, %dma_wait3A_60] : memref<10000x128xf32, #tpu.memory_space<vmem_shared>> -> memref<16x128xf32, #tpu.memory_space<vmem_shared>>
        %dma_wait3A_62 = arith.constant 0 : i32
        %dma_wait3A_63 = arith.constant 0 : i32
        %dma_wait3A_64 = tpu.memref_slice %arg11[%dma_wait3A_62, %dma_wait3A_63] : memref<104x128xf32, #tpu.memory_space<vmem>> -> memref<16x128xf32, #tpu.memory_space<vmem>>
        tpu.wait_dma2 semaphore(%run_scoped3A : memref<!tpu.dma_semaphore, #tpu.memory_space<semaphore_mem>>) src(%dma_wait3A_64 : memref<16x128xf32, #tpu.memory_space<vmem>>) dst(%dma_wait3A_61 : memref<16x128xf32, #tpu.memory_space<vmem_shared>>)
        tpu.yield
      }) : () -> ()
    } else {
    }
    %barrier3A = arith.constant 0 : index
    tpu.barrier barrier_id(%barrier3A)
    %mul3A_20 = arith.constant 160000 : i32
    %mul3A_21 = arith.muli %arg0, %mul3A_20 : i32
    %mul3A_22 = arith.constant 10000 : i32
    %mul3A_23 = arith.muli %arg1, %mul3A_22 : i32
    %add3A_24 = arith.addi %mul3A_21, %mul3A_23 : i32
    %scan3A_25 = arith.constant 0 : i32
    %scan3A_26 = arith.constant 0 : i32
    %scan3A_27 = arith.constant 50 : i32
    %scan3A_28 = arith.addi %scan3A_26, %scan3A_27 : i32
    %scan3A_29 = arith.constant 1 : i32
    %scan3A_30 = scf.for %scan3A_45 = %scan3A_26 to %scan3A_28 step %scan3A_29 iter_args(%scan3A_46 = %scan3A_25) -> (i32)  : i32 {
      %mul3A_47 = arith.constant 200 : i32
      %mul3A_48 = arith.muli %scan3A_45, %mul3A_47 : i32
      %add3A_49 = arith.addi %add3A_24, %mul3A_48 : i32
      "tpu.region"() ({
        %run_scoped3A = tpu.sem_alloc : memref<!tpu.dma_semaphore, #tpu.memory_space<semaphore_mem>>
        %dma_start3A_852 = tpu.memref_slice %arg3[%add3A_49] : memref<320000xi32, #tpu.memory_space<hbm>> -> memref<200xi32, #tpu.memory_space<hbm>>
        %dma_start3A_853 = tpu.memref_slice %arg3[%add3A_49] : memref<320000xi32, #tpu.memory_space<hbm>> -> memref<200xi32, #tpu.memory_space<hbm>>
        tpu.enqueue_dma source(%dma_start3A_853 : memref<200xi32, #tpu.memory_space<hbm>>) target(%arg7 : memref<200xi32, #tpu.memory_space<vmem>>) target_semaphore(%run_scoped3A : memref<!tpu.dma_semaphore, #tpu.memory_space<semaphore_mem>>)
        %dma_wait3A_854 = tpu.memref_slice %arg3[%add3A_49] : memref<320000xi32, #tpu.memory_space<hbm>> -> memref<200xi32, #tpu.memory_space<hbm>>
        %dma_wait3A_855 = tpu.memref_slice %arg3[%add3A_49] : memref<320000xi32, #tpu.memory_space<hbm>> -> memref<200xi32, #tpu.memory_space<hbm>>
        tpu.wait_dma2 semaphore(%run_scoped3A : memref<!tpu.dma_semaphore, #tpu.memory_space<semaphore_mem>>) src(%dma_wait3A_855 : memref<200xi32, #tpu.memory_space<hbm>>) dst(%arg7 : memref<200xi32, #tpu.memory_space<vmem>>)
        tpu.yield
      }) : () -> ()
      "tpu.region"() ({
        %run_scoped3A = tpu.sem_alloc : memref<!tpu.dma_semaphore, #tpu.memory_space<semaphore_mem>>
        %dma_start3A_852 = tpu.memref_slice %arg4[%add3A_49] : memref<320000xi32, #tpu.memory_space<hbm>> -> memref<200xi32, #tpu.memory_space<hbm>>
        %dma_start3A_853 = tpu.memref_slice %arg4[%add3A_49] : memref<320000xi32, #tpu.memory_space<hbm>> -> memref<200xi32, #tpu.memory_space<hbm>>
        tpu.enqueue_dma source(%dma_start3A_853 : memref<200xi32, #tpu.memory_space<hbm>>) target(%arg8 : memref<200xi32, #tpu.memory_space<vmem>>) target_semaphore(%run_scoped3A : memref<!tpu.dma_semaphore, #tpu.memory_space<semaphore_mem>>)
        %dma_wait3A_854 = tpu.memref_slice %arg4[%add3A_49] : memref<320000xi32, #tpu.memory_space<hbm>> -> memref<200xi32, #tpu.memory_space<hbm>>
        %dma_wait3A_855 = tpu.memref_slice %arg4[%add3A_49] : memref<320000xi32, #tpu.memory_space<hbm>> -> memref<200xi32, #tpu.memory_space<hbm>>
        tpu.wait_dma2 semaphore(%run_scoped3A : memref<!tpu.dma_semaphore, #tpu.memory_space<semaphore_mem>>) src(%dma_wait3A_855 : memref<200xi32, #tpu.memory_space<hbm>>) dst(%arg8 : memref<200xi32, #tpu.memory_space<vmem>>)
        tpu.yield
      }) : () -> ()
      "tpu.region"() ({
        %run_scoped3A = tpu.sem_alloc : memref<!tpu.dma_semaphore, #tpu.memory_space<semaphore_mem>>
        %dma_start3A_852 = arith.constant 0 : i32
        %dma_start3A_853 = tpu.memref_slice %arg9[%dma_start3A_852] : memref<208xf32, #tpu.memory_space<vmem>> -> memref<200xf32, #tpu.memory_space<vmem>>
        %dma_start3A_854 = tpu.memref_slice %arg5[%add3A_49] : memref<320000xf32, #tpu.memory_space<hbm>> -> memref<200xf32, #tpu.memory_space<hbm>>
        %dma_start3A_855 = arith.constant 0 : i32
        %dma_start3A_856 = tpu.memref_slice %arg9[%dma_start3A_855] : memref<208xf32, #tpu.memory_space<vmem>> -> memref<200xf32, #tpu.memory_space<vmem>>
        %dma_start3A_857 = tpu.memref_slice %arg5[%add3A_49] : memref<320000xf32, #tpu.memory_space<hbm>> -> memref<200xf32, #tpu.memory_space<hbm>>
        tpu.enqueue_dma source(%dma_start3A_857 : memref<200xf32, #tpu.memory_space<hbm>>) target(%dma_start3A_856 : memref<200xf32, #tpu.memory_space<vmem>>) target_semaphore(%run_scoped3A : memref<!tpu.dma_semaphore, #tpu.memory_space<semaphore_mem>>)
        %dma_wait3A_858 = arith.constant 0 : i32
        %dma_wait3A_859 = tpu.memref_slice %arg9[%dma_wait3A_858] : memref<208xf32, #tpu.memory_space<vmem>> -> memref<200xf32, #tpu.memory_space<vmem>>
        %dma_wait3A_860 = tpu.memref_slice %arg5[%add3A_49] : memref<320000xf32, #tpu.memory_space<hbm>> -> memref<200xf32, #tpu.memory_space<hbm>>
        %dma_wait3A_861 = arith.constant 0 : i32
        %dma_wait3A_862 = tpu.memref_slice %arg9[%dma_wait3A_861] : memref<208xf32, #tpu.memory_space<vmem>> -> memref<200xf32, #tpu.memory_space<vmem>>
        %dma_wait3A_863 = tpu.memref_slice %arg5[%add3A_49] : memref<320000xf32, #tpu.memory_space<hbm>> -> memref<200xf32, #tpu.memory_space<hbm>>
        tpu.wait_dma2 semaphore(%run_scoped3A : memref<!tpu.dma_semaphore, #tpu.memory_space<semaphore_mem>>) src(%dma_wait3A_863 : memref<200xf32, #tpu.memory_space<hbm>>) dst(%dma_wait3A_862 : memref<200xf32, #tpu.memory_space<vmem>>)
        tpu.yield
      }) : () -> ()
      %dma_start3A = arith.constant 0 : i32
      %dma_start3A_50 = arith.constant 0 : i32
      %dma_start3A_51 = tpu.memref_slice %arg2[%dma_start3A, %dma_start3A_50] : memref<10000x128xf32, #tpu.memory_space<hbm>> -> memref<10000x128xf32, #tpu.memory_space<hbm>>
      tpu.enqueue_indirect_dma source(%dma_start3A_51 : memref<10000x128xf32, #tpu.memory_space<hbm>>) target(%arg10 : memref<200x128xf32, #tpu.memory_space<vmem>>) offsets(%arg7 : memref<200xi32, #tpu.memory_space<vmem>>) semaphore(%arg13 : memref<!tpu.dma_semaphore, #tpu.memory_space<semaphore_mem>>)
      %dma_wait3A = arith.constant 0 : i32
      %dma_wait3A_52 = arith.constant 0 : i32
      %dma_wait3A_53 = tpu.memref_slice %arg2[%dma_wait3A, %dma_wait3A_52] : memref<10000x128xf32, #tpu.memory_space<hbm>> -> memref<10000x128xf32, #tpu.memory_space<hbm>>
      tpu.wait_indirect_dma semaphore(%arg13 : memref<!tpu.dma_semaphore, #tpu.memory_space<semaphore_mem>>) src(%dma_wait3A_53 : memref<10000x128xf32, #tpu.memory_space<hbm>>) dst(%arg10 : memref<200x128xf32, #tpu.memory_space<vmem>>)
      %scan3A_54 = arith.constant 0 : i32
      %scan3A_55 = arith.constant 0 : i32
      %scan3A_56 = arith.constant 12 : i32
      %scan3A_57 = arith.addi %scan3A_55, %scan3A_56 : i32
      %scan3A_58 = arith.constant 1 : i32
      %scan3A_59 = scf.for %scan3A_852 = %scan3A_55 to %scan3A_57 step %scan3A_58 iter_args(%scan3A_853 = %scan3A_54) -> (i32)  : i32 {
        %mul3A_854 = arith.constant 16 : i32
        %mul3A_855 = arith.muli %scan3A_852, %mul3A_854 : i32
        %get3A_856 = arith.index_cast %mul3A_855 : i32 to index
        %get3A_857 = tpu.vector_load %arg9[%get3A_856] {strides = array<i32>} : memref<208xf32, #tpu.memory_space<vmem>>, vector<16xf32>,
        %get3A_858 = vector.shape_cast %get3A_857 : vector<16xf32> to vector<16xf32>
        %slice3A_859 = vector.extract_strided_slice %get3A_858 {offsets = [0], sizes = [1], strides = [1]} : vector<16xf32> to vector<1xf32>
        %squeeze3A_860 = vector.extract %slice3A_859[0] : f32 from vector<1xf32>
        %broadcast_in_dim3A_861 = vector.broadcast %squeeze3A_860 : f32 to vector<16xf32>
        %mul3A_862 = arith.constant 16 : i32
        %mul3A_863 = arith.muli %scan3A_852, %mul3A_862 : i32
        %add3A_864 = arith.constant 0 : i32
        %add3A_865 = arith.addi %mul3A_863, %add3A_864 : i32
        %get3A_866 = arith.index_cast %add3A_865 : i32 to index
        %get3A_867 = arith.constant 0 : index
        %get3A_868 = tpu.vector_load %arg10[%get3A_866, %get3A_867] {strides = array<i32>} : memref<200x128xf32, #tpu.memory_space<vmem>>, vector<1x16xf32>,
        %get3A_869 = vector.shape_cast %get3A_868 : vector<1x16xf32> to vector<16xf32>
        %mul3A_870 = arith.mulf %get3A_869, %broadcast_in_dim3A_861 : vector<16xf32>
        %swap3A_871 = arith.index_cast %add3A_865 : i32 to index
        %swap3A_872 = arith.constant 0 : index
        %swap3A_873 = tpu.vector_load %arg10[%swap3A_871, %swap3A_872] {strides = array<i32>} : memref<200x128xf32, #tpu.memory_space<vmem>>, vector<1x16xf32>,
        %swap3A_874 = vector.shape_cast %swap3A_873 : vector<1x16xf32> to vector<16xf32>
        %swap3A_875 = vector.shape_cast %mul3A_870 : vector<16xf32> to vector<1x16xf32>
        tpu.vector_store %arg10[%swap3A_871, %swap3A_872], %swap3A_875 {strides = array<i32>} : memref<200x128xf32, #tpu.memory_space<vmem>>, vector<1x16xf32>,
        %get3A_876 = arith.index_cast %add3A_865 : i32 to index
        %get3A_877 = arith.constant 16 : index
        %get3A_878 = tpu.vector_load %arg10[%get3A_876, %get3A_877] {strides = array<i32>} : memref<200x128xf32, #tpu.memory_space<vmem>>, vector<1x16xf32>,
        %get3A_879 = vector.shape_cast %get3A_878 : vector<1x16xf32> to vector<16xf32>
        %mul3A_880 = arith.mulf %get3A_879, %broadcast_in_dim3A_861 : vector<16xf32>
        %swap3A_881 = arith.index_cast %add3A_865 : i32 to index
        %swap3A_882 = arith.constant 16 : index
        %swap3A_883 = tpu.vector_load %arg10[%swap3A_881, %swap3A_882] {strides = array<i32>} : memref<200x128xf32, #tpu.memory_space<vmem>>, vector<1x16xf32>,
        %swap3A_884 = vector.shape_cast %swap3A_883 : vector<1x16xf32> to vector<16xf32>
        %swap3A_885 = vector.shape_cast %mul3A_880 : vector<16xf32> to vector<1x16xf32>
        tpu.vector_store %arg10[%swap3A_881, %swap3A_882], %swap3A_885 {strides = array<i32>} : memref<200x128xf32, #tpu.memory_space<vmem>>, vector<1x16xf32>,
        %get3A_886 = arith.index_cast %add3A_865 : i32 to index
        %get3A_887 = arith.constant 32 : index
        %get3A_888 = tpu.vector_load %arg10[%get3A_886, %get3A_887] {strides = array<i32>} : memref<200x128xf32, #tpu.memory_space<vmem>>, vector<1x16xf32>,
        %get3A_889 = vector.shape_cast %get3A_888 : vector<1x16xf32> to vector<16xf32>
        %mul3A_890 = arith.mulf %get3A_889, %broadcast_in_dim3A_861 : vector<16xf32>
        %swap3A_891 = arith.index_cast %add3A_865 : i32 to index
        %swap3A_892 = arith.constant 32 : index
        %swap3A_893 = tpu.vector_load %arg10[%swap3A_891, %swap3A_892] {strides = array<i32>} : memref<200x128xf32, #tpu.memory_space<vmem>>, vector<1x16xf32>,
        %swap3A_894 = vector.shape_cast %swap3A_893 : vector<1x16xf32> to vector<16xf32>
        %swap3A_895 = vector.shape_cast %mul3A_890 : vector<16xf32> to vector<1x16xf32>
        tpu.vector_store %arg10[%swap3A_891, %swap3A_892], %swap3A_895 {strides = array<i32>} : memref<200x128xf32, #tpu.memory_space<vmem>>, vector<1x16xf32>,
        %get3A_896 = arith.index_cast %add3A_865 : i32 to index
        %get3A_897 = arith.constant 48 : index
        %get3A_898 = tpu.vector_load %arg10[%get3A_896, %get3A_897] {strides = array<i32>} : memref<200x128xf32, #tpu.memory_space<vmem>>, vector<1x16xf32>,
        %get3A_899 = vector.shape_cast %get3A_898 : vector<1x16xf32> to vector<16xf32>
        %mul3A_900 = arith.mulf %get3A_899, %broadcast_in_dim3A_861 : vector<16xf32>
        %swap3A_901 = arith.index_cast %add3A_865 : i32 to index
        %swap3A_902 = arith.constant 48 : index
        %swap3A_903 = tpu.vector_load %arg10[%swap3A_901, %swap3A_902] {strides = array<i32>} : memref<200x128xf32, #tpu.memory_space<vmem>>, vector<1x16xf32>,
        %swap3A_904 = vector.shape_cast %swap3A_903 : vector<1x16xf32> to vector<16xf32>
        %swap3A_905 = vector.shape_cast %mul3A_900 : vector<16xf32> to vector<1x16xf32>
        tpu.vector_store %arg10[%swap3A_901, %swap3A_902], %swap3A_905 {strides = array<i32>} : memref<200x128xf32, #tpu.memory_space<vmem>>, vector<1x16xf32>,
        %get3A_906 = arith.index_cast %add3A_865 : i32 to index
        %get3A_907 = arith.constant 64 : index
        %get3A_908 = tpu.vector_load %arg10[%get3A_906, %get3A_907] {strides = array<i32>} : memref<200x128xf32, #tpu.memory_space<vmem>>, vector<1x16xf32>,
        %get3A_909 = vector.shape_cast %get3A_908 : vector<1x16xf32> to vector<16xf32>
        %mul3A_910 = arith.mulf %get3A_909, %broadcast_in_dim3A_861 : vector<16xf32>
        %swap3A_911 = arith.index_cast %add3A_865 : i32 to index
        %swap3A_912 = arith.constant 64 : index
        %swap3A_913 = tpu.vector_load %arg10[%swap3A_911, %swap3A_912] {strides = array<i32>} : memref<200x128xf32, #tpu.memory_space<vmem>>, vector<1x16xf32>,
        %swap3A_914 = vector.shape_cast %swap3A_913 : vector<1x16xf32> to vector<16xf32>
        %swap3A_915 = vector.shape_cast %mul3A_910 : vector<16xf32> to vector<1x16xf32>
        tpu.vector_store %arg10[%swap3A_911, %swap3A_912], %swap3A_915 {strides = array<i32>} : memref<200x128xf32, #tpu.memory_space<vmem>>, vector<1x16xf32>,
        %get3A_916 = arith.index_cast %add3A_865 : i32 to index
        %get3A_917 = arith.constant 80 : index
        %get3A_918 = tpu.vector_load %arg10[%get3A_916, %get3A_917] {strides = array<i32>} : memref<200x128xf32, #tpu.memory_space<vmem>>, vector<1x16xf32>,
        %get3A_919 = vector.shape_cast %get3A_918 : vector<1x16xf32> to vector<16xf32>
        %mul3A_920 = arith.mulf %get3A_919, %broadcast_in_dim3A_861 : vector<16xf32>
        %swap3A_921 = arith.index_cast %add3A_865 : i32 to index
        %swap3A_922 = arith.constant 80 : index
        %swap3A_923 = tpu.vector_load %arg10[%swap3A_921, %swap3A_922] {strides = array<i32>} : memref<200x128xf32, #tpu.memory_space<vmem>>, vector<1x16xf32>,
        %swap3A_924 = vector.shape_cast %swap3A_923 : vector<1x16xf32> to vector<16xf32>
        %swap3A_925 = vector.shape_cast %mul3A_920 : vector<16xf32> to vector<1x16xf32>
        tpu.vector_store %arg10[%swap3A_921, %swap3A_922], %swap3A_925 {strides = array<i32>} : memref<200x128xf32, #tpu.memory_space<vmem>>, vector<1x16xf32>,
        %get3A_926 = arith.index_cast %add3A_865 : i32 to index
        %get3A_927 = arith.constant 96 : index
        %get3A_928 = tpu.vector_load %arg10[%get3A_926, %get3A_927] {strides = array<i32>} : memref<200x128xf32, #tpu.memory_space<vmem>>, vector<1x16xf32>,
        %get3A_929 = vector.shape_cast %get3A_928 : vector<1x16xf32> to vector<16xf32>
        %mul3A_930 = arith.mulf %get3A_929, %broadcast_in_dim3A_861 : vector<16xf32>
        %swap3A_931 = arith.index_cast %add3A_865 : i32 to index
        %swap3A_932 = arith.constant 96 : index
        %swap3A_933 = tpu.vector_load %arg10[%swap3A_931, %swap3A_932] {strides = array<i32>} : memref<200x128xf32, #tpu.memory_space<vmem>>, vector<1x16xf32>,
        %swap3A_934 = vector.shape_cast %swap3A_933 : vector<1x16xf32> to vector<16xf32>
        %swap3A_935 = vector.shape_cast %mul3A_930 : vector<16xf32> to vector<1x16xf32>
        tpu.vector_store %arg10[%swap3A_931, %swap3A_932], %swap3A_935 {strides = array<i32>} : memref<200x128xf32, #tpu.memory_space<vmem>>, vector<1x16xf32>,
        %get3A_936 = arith.index_cast %add3A_865 : i32 to index
        %get3A_937 = arith.constant 112 : index
        %get3A_938 = tpu.vector_load %arg10[%get3A_936, %get3A_937] {strides = array<i32>} : memref<200x128xf32, #tpu.memory_space<vmem>>, vector<1x16xf32>,
        %get3A_939 = vector.shape_cast %get3A_938 : vector<1x16xf32> to vector<16xf32>
        %mul3A_940 = arith.mulf %get3A_939, %broadcast_in_dim3A_861 : vector<16xf32>
        %swap3A_941 = arith.index_cast %add3A_865 : i32 to index
        %swap3A_942 = arith.constant 112 : index
        %swap3A_943 = tpu.vector_load %arg10[%swap3A_941, %swap3A_942] {strides = array<i32>} : memref<200x128xf32, #tpu.memory_space<vmem>>, vector<1x16xf32>,
        %swap3A_944 = vector.shape_cast %swap3A_943 : vector<1x16xf32> to vector<16xf32>
        %swap3A_945 = vector.shape_cast %mul3A_940 : vector<16xf32> to vector<1x16xf32>
        tpu.vector_store %arg10[%swap3A_941, %swap3A_942], %swap3A_945 {strides = array<i32>} : memref<200x128xf32, #tpu.memory_space<vmem>>, vector<1x16xf32>,
        %slice3A_946 = vector.extract_strided_slice %get3A_858 {offsets = [1], sizes = [1], strides = [1]} : vector<16xf32> to vector<1xf32>
        %squeeze3A_947 = vector.extract %slice3A_946[0] : f32 from vector<1xf32>
        %broadcast_in_dim3A_948 = vector.broadcast %squeeze3A_947 : f32 to vector<16xf32>
        %mul3A_949 = arith.constant 16 : i32
        %mul3A_950 = arith.muli %scan3A_852, %mul3A_949 : i32
        %add3A_951 = arith.constant 1 : i32
        %add3A_952 = arith.addi %mul3A_950, %add3A_951 : i32
        %get3A_953 = arith.index_cast %add3A_952 : i32 to index
        %get3A_954 = arith.constant 0 : index
        %get3A_955 = tpu.vector_load %arg10[%get3A_953, %get3A_954] {strides = array<i32>} : memref<200x128xf32, #tpu.memory_space<vmem>>, vector<1x16xf32>,
        %get3A_956 = vector.shape_cast %get3A_955 : vector<1x16xf32> to vector<16xf32>
        %mul3A_957 = arith.mulf %get3A_956, %broadcast_in_dim3A_948 : vector<16xf32>
        %swap3A_958 = arith.index_cast %add3A_952 : i32 to index
        %swap3A_959 = arith.constant 0 : index
        %swap3A_960 = tpu.vector_load %arg10[%swap3A_958, %swap3A_959] {strides = array<i32>} : memref<200x128xf32, #tpu.memory_space<vmem>>, vector<1x16xf32>,
        %swap3A_961 = vector.shape_cast %swap3A_960 : vector<1x16xf32> to vector<16xf32>
        %swap3A_962 = vector.shape_cast %mul3A_957 : vector<16xf32> to vector<1x16xf32>
        tpu.vector_store %arg10[%swap3A_958, %swap3A_959], %swap3A_962 {strides = array<i32>} : memref<200x128xf32, #tpu.memory_space<vmem>>, vector<1x16xf32>,
        %get3A_963 = arith.index_cast %add3A_952 : i32 to index
        %get3A_964 = arith.constant 16 : index
        %get3A_965 = tpu.vector_load %arg10[%get3A_963, %get3A_964] {strides = array<i32>} : memref<200x128xf32, #tpu.memory_space<vmem>>, vector<1x16xf32>,
        %get3A_966 = vector.shape_cast %get3A_965 : vector<1x16xf32> to vector<16xf32>
        %mul3A_967 = arith.mulf %get3A_966, %broadcast_in_dim3A_948 : vector<16xf32>
        %swap3A_968 = arith.index_cast %add3A_952 : i32 to index
        %swap3A_969 = arith.constant 16 : index
        %swap3A_970 = tpu.vector_load %arg10[%swap3A_968, %swap3A_969] {strides = array<i32>} : memref<200x128xf32, #tpu.memory_space<vmem>>, vector<1x16xf32>,
        %swap3A_971 = vector.shape_cast %swap3A_970 : vector<1x16xf32> to vector<16xf32>
        %swap3A_972 = vector.shape_cast %mul3A_967 : vector<16xf32> to vector<1x16xf32>
        tpu.vector_store %arg10[%swap3A_968, %swap3A_969], %swap3A_972 {strides = array<i32>} : memref<200x128xf32, #tpu.memory_space<vmem>>, vector<1x16xf32>,
        %get3A_973 = arith.index_cast %add3A_952 : i32 to index
        %get3A_974 = arith.constant 32 : index
        %get3A_975 = tpu.vector_load %arg10[%get3A_973, %get3A_974] {strides = array<i32>} : memref<200x128xf32, #tpu.memory_space<vmem>>, vector<1x16xf32>,
        %get3A_976 = vector.shape_cast %get3A_975 : vector<1x16xf32> to vector<16xf32>
        %mul3A_977 = arith.mulf %get3A_976, %broadcast_in_dim3A_948 : vector<16xf32>
        %swap3A_978 = arith.index_cast %add3A_952 : i32 to index
        %swap3A_979 = arith.constant 32 : index
        %swap3A_980 = tpu.vector_load %arg10[%swap3A_978, %swap3A_979] {strides = array<i32>} : memref<200x128xf32, #tpu.memory_space<vmem>>, vector<1x16xf32>,
        %swap3A_981 = vector.shape_cast %swap3A_980 : vector<1x16xf32> to vector<16xf32>
        %swap3A_982 = vector.shape_cast %mul3A_977 : vector<16xf32> to vector<1x16xf32>
        tpu.vector_store %arg10[%swap3A_978, %swap3A_979], %swap3A_982 {strides = array<i32>} : memref<200x128xf32, #tpu.memory_space<vmem>>, vector<1x16xf32>,
        %get3A_983 = arith.index_cast %add3A_952 : i32 to index
        %get3A_984 = arith.constant 48 : index
        %get3A_985 = tpu.vector_load %arg10[%get3A_983, %get3A_984] {strides = array<i32>} : memref<200x128xf32, #tpu.memory_space<vmem>>, vector<1x16xf32>,
        %get3A_986 = vector.shape_cast %get3A_985 : vector<1x16xf32> to vector<16xf32>
        %mul3A_987 = arith.mulf %get3A_986, %broadcast_in_dim3A_948 : vector<16xf32>
        %swap3A_988 = arith.index_cast %add3A_952 : i32 to index
        %swap3A_989 = arith.constant 48 : index
        %swap3A_990 = tpu.vector_load %arg10[%swap3A_988, %swap3A_989] {strides = array<i32>} : memref<200x128xf32, #tpu.memory_space<vmem>>, vector<1x16xf32>,
        %swap3A_991 = vector.shape_cast %swap3A_990 : vector<1x16xf32> to vector<16xf32>
        %swap3A_992 = vector.shape_cast %mul3A_987 : vector<16xf32> to vector<1x16xf32>
        tpu.vector_store %arg10[%swap3A_988, %swap3A_989], %swap3A_992 {strides = array<i32>} : memref<200x128xf32, #tpu.memory_space<vmem>>, vector<1x16xf32>,
        %get3A_993 = arith.index_cast %add3A_952 : i32 to index
        %get3A_994 = arith.constant 64 : index
        %get3A_995 = tpu.vector_load %arg10[%get3A_993, %get3A_994] {strides = array<i32>} : memref<200x128xf32, #tpu.memory_space<vmem>>, vector<1x16xf32>,
        %get3A_996 = vector.shape_cast %get3A_995 : vector<1x16xf32> to vector<16xf32>
        %mul3A_997 = arith.mulf %get3A_996, %broadcast_in_dim3A_948 : vector<16xf32>
        %swap3A_998 = arith.index_cast %add3A_952 : i32 to index
        %swap3A_999 = arith.constant 64 : index
        %swap3A_1000 = tpu.vector_load %arg10[%swap3A_998, %swap3A_999] {strides = array<i32>} : memref<200x128xf32, #tpu.memory_space<vmem>>, vector<1x16xf32>,
        %swap3A_1001 = vector.shape_cast %swap3A_1000 : vector<1x16xf32> to vector<16xf32>
        %swap3A_1002 = vector.shape_cast %mul3A_997 : vector<16xf32> to vector<1x16xf32>
        tpu.vector_store %arg10[%swap3A_998, %swap3A_999], %swap3A_1002 {strides = array<i32>} : memref<200x128xf32, #tpu.memory_space<vmem>>, vector<1x16xf32>,
        %get3A_1003 = arith.index_cast %add3A_952 : i32 to index
        %get3A_1004 = arith.constant 80 : index
        %get3A_1005 = tpu.vector_load %arg10[%get3A_1003, %get3A_1004] {strides = array<i32>} : memref<200x128xf32, #tpu.memory_space<vmem>>, vector<1x16xf32>,
        %get3A_1006 = vector.shape_cast %get3A_1005 : vector<1x16xf32> to vector<16xf32>
        %mul3A_1007 = arith.mulf %get3A_1006, %broadcast_in_dim3A_948 : vector<16xf32>
        %swap3A_1008 = arith.index_cast %add3A_952 : i32 to index
        %swap3A_1009 = arith.constant 80 : index
        %swap3A_1010 = tpu.vector_load %arg10[%swap3A_1008, %swap3A_1009] {strides = array<i32>} : memref<200x128xf32, #tpu.memory_space<vmem>>, vector<1x16xf32>,
        %swap3A_1011 = vector.shape_cast %swap3A_1010 : vector<1x16xf32> to vector<16xf32>
        %swap3A_1012 = vector.shape_cast %mul3A_1007 : vector<16xf32> to vector<1x16xf32>
        tpu.vector_store %arg10[%swap3A_1008, %swap3A_1009], %swap3A_1012 {strides = array<i32>} : memref<200x128xf32, #tpu.memory_space<vmem>>, vector<1x16xf32>,
        %get3A_1013 = arith.index_cast %add3A_952 : i32 to index
        %get3A_1014 = arith.constant 96 : index
        %get3A_1015 = tpu.vector_load %arg10[%get3A_1013, %get3A_1014] {strides = array<i32>} : memref<200x128xf32, #tpu.memory_space<vmem>>, vector<1x16xf32>,
        %get3A_1016 = vector.shape_cast %get3A_1015 : vector<1x16xf32> to vector<16xf32>
        %mul3A_1017 = arith.mulf %get3A_1016, %broadcast_in_dim3A_948 : vector<16xf32>
        %swap3A_1018 = arith.index_cast %add3A_952 : i32 to index
        %swap3A_1019 = arith.constant 96 : index
        %swap3A_1020 = tpu.vector_load %arg10[%swap3A_1018, %swap3A_1019] {strides = array<i32>} : memref<200x128xf32, #tpu.memory_space<vmem>>, vector<1x16xf32>,
        %swap3A_1021 = vector.shape_cast %swap3A_1020 : vector<1x16xf32> to vector<16xf32>
        %swap3A_1022 = vector.shape_cast %mul3A_1017 : vector<16xf32> to vector<1x16xf32>
        tpu.vector_store %arg10[%swap3A_1018, %swap3A_1019], %swap3A_1022 {strides = array<i32>} : memref<200x128xf32, #tpu.memory_space<vmem>>, vector<1x16xf32>,
        %get3A_1023 = arith.index_cast %add3A_952 : i32 to index
        %get3A_1024 = arith.constant 112 : index
        %get3A_1025 = tpu.vector_load %arg10[%get3A_1023, %get3A_1024] {strides = array<i32>} : memref<200x128xf32, #tpu.memory_space<vmem>>, vector<1x16xf32>,
        %get3A_1026 = vector.shape_cast %get3A_1025 : vector<1x16xf32> to vector<16xf32>
        %mul3A_1027 = arith.mulf %get3A_1026, %broadcast_in_dim3A_948 : vector<16xf32>
        %swap3A_1028 = arith.index_cast %add3A_952 : i32 to index
        %swap3A_1029 = arith.constant 112 : index
        %swap3A_1030 = tpu.vector_load %arg10[%swap3A_1028, %swap3A_1029] {strides = array<i32>} : memref<200x128xf32, #tpu.memory_space<vmem>>, vector<1x16xf32>,
        %swap3A_1031 = vector.shape_cast %swap3A_1030 : vector<1x16xf32> to vector<16xf32>
        %swap3A_1032 = vector.shape_cast %mul3A_1027 : vector<16xf32> to vector<1x16xf32>
        tpu.vector_store %arg10[%swap3A_1028, %swap3A_1029], %swap3A_1032 {strides = array<i32>} : memref<200x128xf32, #tpu.memory_space<vmem>>, vector<1x16xf32>,
        %slice3A_1033 = vector.extract_strided_slice %get3A_858 {offsets = [2], sizes = [1], strides = [1]} : vector<16xf32> to vector<1xf32>
        %squeeze3A_1034 = vector.extract %slice3A_1033[0] : f32 from vector<1xf32>
        %broadcast_in_dim3A_1035 = vector.broadcast %squeeze3A_1034 : f32 to vector<16xf32>
        %mul3A_1036 = arith.constant 16 : i32
        %mul3A_1037 = arith.muli %scan3A_852, %mul3A_1036 : i32
        %add3A_1038 = arith.constant 2 : i32
        %add3A_1039 = arith.addi %mul3A_1037, %add3A_1038 : i32
        %get3A_1040 = arith.index_cast %add3A_1039 : i32 to index
        %get3A_1041 = arith.constant 0 : index
        %get3A_1042 = tpu.vector_load %arg10[%get3A_1040, %get3A_1041] {strides = array<i32>} : memref<200x128xf32, #tpu.memory_space<vmem>>, vector<1x16xf32>,
        %get3A_1043 = vector.shape_cast %get3A_1042 : vector<1x16xf32> to vector<16xf32>
        %mul3A_1044 = arith.mulf %get3A_1043, %broadcast_in_dim3A_1035 : vector<16xf32>
        %swap3A_1045 = arith.index_cast %add3A_1039 : i32 to index
        %swap3A_1046 = arith.constant 0 : index
        %swap3A_1047 = tpu.vector_load %arg10[%swap3A_1045, %swap3A_1046] {strides = array<i32>} : memref<200x128xf32, #tpu.memory_space<vmem>>, vector<1x16xf32>,
        %swap3A_1048 = vector.shape_cast %swap3A_1047 : vector<1x16xf32> to vector<16xf32>
        %swap3A_1049 = vector.shape_cast %mul3A_1044 : vector<16xf32> to vector<1x16xf32>
        tpu.vector_store %arg10[%swap3A_1045, %swap3A_1046], %swap3A_1049 {strides = array<i32>} : memref<200x128xf32, #tpu.memory_space<vmem>>, vector<1x16xf32>,
        %get3A_1050 = arith.index_cast %add3A_1039 : i32 to index
        %get3A_1051 = arith.constant 16 : index
        %get3A_1052 = tpu.vector_load %arg10[%get3A_1050, %get3A_1051] {strides = array<i32>} : memref<200x128xf32, #tpu.memory_space<vmem>>, vector<1x16xf32>,
        %get3A_1053 = vector.shape_cast %get3A_1052 : vector<1x16xf32> to vector<16xf32>
        %mul3A_1054 = arith.mulf %get3A_1053, %broadcast_in_dim3A_1035 : vector<16xf32>
        %swap3A_1055 = arith.index_cast %add3A_1039 : i32 to index
        %swap3A_1056 = arith.constant 16 : index
        %swap3A_1057 = tpu.vector_load %arg10[%swap3A_1055, %swap3A_1056] {strides = array<i32>} : memref<200x128xf32, #tpu.memory_space<vmem>>, vector<1x16xf32>,
        %swap3A_1058 = vector.shape_cast %swap3A_1057 : vector<1x16xf32> to vector<16xf32>
        %swap3A_1059 = vector.shape_cast %mul3A_1054 : vector<16xf32> to vector<1x16xf32>
        tpu.vector_store %arg10[%swap3A_1055, %swap3A_1056], %swap3A_1059 {strides = array<i32>} : memref<200x128xf32, #tpu.memory_space<vmem>>, vector<1x16xf32>,
        %get3A_1060 = arith.index_cast %add3A_1039 : i32 to index
        %get3A_1061 = arith.constant 32 : index
        %get3A_1062 = tpu.vector_load %arg10[%get3A_1060, %get3A_1061] {strides = array<i32>} : memref<200x128xf32, #tpu.memory_space<vmem>>, vector<1x16xf32>,
        %get3A_1063 = vector.shape_cast %get3A_1062 : vector<1x16xf32> to vector<16xf32>
        %mul3A_1064 = arith.mulf %get3A_1063, %broadcast_in_dim3A_1035 : vector<16xf32>
        %swap3A_1065 = arith.index_cast %add3A_1039 : i32 to index
        %swap3A_1066 = arith.constant 32 : index
        %swap3A_1067 = tpu.vector_load %arg10[%swap3A_1065, %swap3A_1066] {strides = array<i32>} : memref<200x128xf32, #tpu.memory_space<vmem>>, vector<1x16xf32>,
        %swap3A_1068 = vector.shape_cast %swap3A_1067 : vector<1x16xf32> to vector<16xf32>
        %swap3A_1069 = vector.shape_cast %mul3A_1064 : vector<16xf32> to vector<1x16xf32>
        tpu.vector_store %arg10[%swap3A_1065, %swap3A_1066], %swap3A_1069 {strides = array<i32>} : memref<200x128xf32, #tpu.memory_space<vmem>>, vector<1x16xf32>,
        %get3A_1070 = arith.index_cast %add3A_1039 : i32 to index
        %get3A_1071 = arith.constant 48 : index
        %get3A_1072 = tpu.vector_load %arg10[%get3A_1070, %get3A_1071] {strides = array<i32>} : memref<200x128xf32, #tpu.memory_space<vmem>>, vector<1x16xf32>,
        %get3A_1073 = vector.shape_cast %get3A_1072 : vector<1x16xf32> to vector<16xf32>
        %mul3A_1074 = arith.mulf %get3A_1073, %broadcast_in_dim3A_1035 : vector<16xf32>
        %swap3A_1075 = arith.index_cast %add3A_1039 : i32 to index
        %swap3A_1076 = arith.constant 48 : index
        %swap3A_1077 = tpu.vector_load %arg10[%swap3A_1075, %swap3A_1076] {strides = array<i32>} : memref<200x128xf32, #tpu.memory_space<vmem>>, vector<1x16xf32>,
        %swap3A_1078 = vector.shape_cast %swap3A_1077 : vector<1x16xf32> to vector<16xf32>
        %swap3A_1079 = vector.shape_cast %mul3A_1074 : vector<16xf32> to vector<1x16xf32>
        tpu.vector_store %arg10[%swap3A_1075, %swap3A_1076], %swap3A_1079 {strides = array<i32>} : memref<200x128xf32, #tpu.memory_space<vmem>>, vector<1x16xf32>,
        %get3A_1080 = arith.index_cast %add3A_1039 : i32 to index
        %get3A_1081 = arith.constant 64 : index
        %get3A_1082 = tpu.vector_load %arg10[%get3A_1080, %get3A_1081] {strides = array<i32>} : memref<200x128xf32, #tpu.memory_space<vmem>>, vector<1x16xf32>,
        %get3A_1083 = vector.shape_cast %get3A_1082 : vector<1x16xf32> to vector<16xf32>
        %mul3A_1084 = arith.mulf %get3A_1083, %broadcast_in_dim3A_1035 : vector<16xf32>
        %swap3A_1085 = arith.index_cast %add3A_1039 : i32 to index
        %swap3A_1086 = arith.constant 64 : index
        %swap3A_1087 = tpu.vector_load %arg10[%swap3A_1085, %swap3A_1086] {strides = array<i32>} : memref<200x128xf32, #tpu.memory_space<vmem>>, vector<1x16xf32>,
        %swap3A_1088 = vector.shape_cast %swap3A_1087 : vector<1x16xf32> to vector<16xf32>
        %swap3A_1089 = vector.shape_cast %mul3A_1084 : vector<16xf32> to vector<1x16xf32>
        tpu.vector_store %arg10[%swap3A_1085, %swap3A_1086], %swap3A_1089 {strides = array<i32>} : memref<200x128xf32, #tpu.memory_space<vmem>>, vector<1x16xf32>,
        %get3A_1090 = arith.index_cast %add3A_1039 : i32 to index
        %get3A_1091 = arith.constant 80 : index
        %get3A_1092 = tpu.vector_load %arg10[%get3A_1090, %get3A_1091] {strides = array<i32>} : memref<200x128xf32, #tpu.memory_space<vmem>>, vector<1x16xf32>,
        %get3A_1093 = vector.shape_cast %get3A_1092 : vector<1x16xf32> to vector<16xf32>
        %mul3A_1094 = arith.mulf %get3A_1093, %broadcast_in_dim3A_1035 : vector<16xf32>
        %swap3A_1095 = arith.index_cast %add3A_1039 : i32 to index
        %swap3A_1096 = arith.constant 80 : index
        %swap3A_1097 = tpu.vector_load %arg10[%swap3A_1095, %swap3A_1096] {strides = array<i32>} : memref<200x128xf32, #tpu.memory_space<vmem>>, vector<1x16xf32>,
        %swap3A_1098 = vector.shape_cast %swap3A_1097 : vector<1x16xf32> to vector<16xf32>
        %swap3A_1099 = vector.shape_cast %mul3A_1094 : vector<16xf32> to vector<1x16xf32>
        tpu.vector_store %arg10[%swap3A_1095, %swap3A_1096], %swap3A_1099 {strides = array<i32>} : memref<200x128xf32, #tpu.memory_space<vmem>>, vector<1x16xf32>,
        %get3A_1100 = arith.index_cast %add3A_1039 : i32 to index
        %get3A_1101 = arith.constant 96 : index
        %get3A_1102 = tpu.vector_load %arg10[%get3A_1100, %get3A_1101] {strides = array<i32>} : memref<200x128xf32, #tpu.memory_space<vmem>>, vector<1x16xf32>,
        %get3A_1103 = vector.shape_cast %get3A_1102 : vector<1x16xf32> to vector<16xf32>
        %mul3A_1104 = arith.mulf %get3A_1103, %broadcast_in_dim3A_1035 : vector<16xf32>
        %swap3A_1105 = arith.index_cast %add3A_1039 : i32 to index
        %swap3A_1106 = arith.constant 96 : index
        %swap3A_1107 = tpu.vector_load %arg10[%swap3A_1105, %swap3A_1106] {strides = array<i32>} : memref<200x128xf32, #tpu.memory_space<vmem>>, vector<1x16xf32>,
        %swap3A_1108 = vector.shape_cast %swap3A_1107 : vector<1x16xf32> to vector<16xf32>
        %swap3A_1109 = vector.shape_cast %mul3A_1104 : vector<16xf32> to vector<1x16xf32>
        tpu.vector_store %arg10[%swap3A_1105, %swap3A_1106], %swap3A_1109 {strides = array<i32>} : memref<200x128xf32, #tpu.memory_space<vmem>>, vector<1x16xf32>,
        %get3A_1110 = arith.index_cast %add3A_1039 : i32 to index
        %get3A_1111 = arith.constant 112 : index
        %get3A_1112 = tpu.vector_load %arg10[%get3A_1110, %get3A_1111] {strides = array<i32>} : memref<200x128xf32, #tpu.memory_space<vmem>>, vector<1x16xf32>,
        %get3A_1113 = vector.shape_cast %get3A_1112 : vector<1x16xf32> to vector<16xf32>
        %mul3A_1114 = arith.mulf %get3A_1113, %broadcast_in_dim3A_1035 : vector<16xf32>
        %swap3A_1115 = arith.index_cast %add3A_1039 : i32 to index
        %swap3A_1116 = arith.constant 112 : index
        %swap3A_1117 = tpu.vector_load %arg10[%swap3A_1115, %swap3A_1116] {strides = array<i32>} : memref<200x128xf32, #tpu.memory_space<vmem>>, vector<1x16xf32>,
        %swap3A_1118 = vector.shape_cast %swap3A_1117 : vector<1x16xf32> to vector<16xf32>
        %swap3A_1119 = vector.shape_cast %mul3A_1114 : vector<16xf32> to vector<1x16xf32>
        tpu.vector_store %arg10[%swap3A_1115, %swap3A_1116], %swap3A_1119 {strides = array<i32>} : memref<200x128xf32, #tpu.memory_space<vmem>>, vector<1x16xf32>,
        %slice3A_1120 = vector.extract_strided_slice %get3A_858 {offsets = [3], sizes = [1], strides = [1]} : vector<16xf32> to vector<1xf32>
        %squeeze3A_1121 = vector.extract %slice3A_1120[0] : f32 from vector<1xf32>
        %broadcast_in_dim3A_1122 = vector.broadcast %squeeze3A_1121 : f32 to vector<16xf32>
        %mul3A_1123 = arith.constant 16 : i32
        %mul3A_1124 = arith.muli %scan3A_852, %mul3A_1123 : i32
        %add3A_1125 = arith.constant 3 : i32
        %add3A_1126 = arith.addi %mul3A_1124, %add3A_1125 : i32
        %get3A_1127 = arith.index_cast %add3A_1126 : i32 to index
        %get3A_1128 = arith.constant 0 : index
        %get3A_1129 = tpu.vector_load %arg10[%get3A_1127, %get3A_1128] {strides = array<i32>} : memref<200x128xf32, #tpu.memory_space<vmem>>, vector<1x16xf32>,
        %get3A_1130 = vector.shape_cast %get3A_1129 : vector<1x16xf32> to vector<16xf32>
        %mul3A_1131 = arith.mulf %get3A_1130, %broadcast_in_dim3A_1122 : vector<16xf32>
        %swap3A_1132 = arith.index_cast %add3A_1126 : i32 to index
        %swap3A_1133 = arith.constant 0 : index
        %swap3A_1134 = tpu.vector_load %arg10[%swap3A_1132, %swap3A_1133] {strides = array<i32>} : memref<200x128xf32, #tpu.memory_space<vmem>>, vector<1x16xf32>,
        %swap3A_1135 = vector.shape_cast %swap3A_1134 : vector<1x16xf32> to vector<16xf32>
        %swap3A_1136 = vector.shape_cast %mul3A_1131 : vector<16xf32> to vector<1x16xf32>
        tpu.vector_store %arg10[%swap3A_1132, %swap3A_1133], %swap3A_1136 {strides = array<i32>} : memref<200x128xf32, #tpu.memory_space<vmem>>, vector<1x16xf32>,
        %get3A_1137 = arith.index_cast %add3A_1126 : i32 to index
        %get3A_1138 = arith.constant 16 : index
        %get3A_1139 = tpu.vector_load %arg10[%get3A_1137, %get3A_1138] {strides = array<i32>} : memref<200x128xf32, #tpu.memory_space<vmem>>, vector<1x16xf32>,
        %get3A_1140 = vector.shape_cast %get3A_1139 : vector<1x16xf32> to vector<16xf32>
        %mul3A_1141 = arith.mulf %get3A_1140, %broadcast_in_dim3A_1122 : vector<16xf32>
        %swap3A_1142 = arith.index_cast %add3A_1126 : i32 to index
        %swap3A_1143 = arith.constant 16 : index
        %swap3A_1144 = tpu.vector_load %arg10[%swap3A_1142, %swap3A_1143] {strides = array<i32>} : memref<200x128xf32, #tpu.memory_space<vmem>>, vector<1x16xf32>,
        %swap3A_1145 = vector.shape_cast %swap3A_1144 : vector<1x16xf32> to vector<16xf32>
        %swap3A_1146 = vector.shape_cast %mul3A_1141 : vector<16xf32> to vector<1x16xf32>
        tpu.vector_store %arg10[%swap3A_1142, %swap3A_1143], %swap3A_1146 {strides = array<i32>} : memref<200x128xf32, #tpu.memory_space<vmem>>, vector<1x16xf32>,
        %get3A_1147 = arith.index_cast %add3A_1126 : i32 to index
        %get3A_1148 = arith.constant 32 : index
        %get3A_1149 = tpu.vector_load %arg10[%get3A_1147, %get3A_1148] {strides = array<i32>} : memref<200x128xf32, #tpu.memory_space<vmem>>, vector<1x16xf32>,
        %get3A_1150 = vector.shape_cast %get3A_1149 : vector<1x16xf32> to vector<16xf32>
        %mul3A_1151 = arith.mulf %get3A_1150, %broadcast_in_dim3A_1122 : vector<16xf32>
        %swap3A_1152 = arith.index_cast %add3A_1126 : i32 to index
        %swap3A_1153 = arith.constant 32 : index
        %swap3A_1154 = tpu.vector_load %arg10[%swap3A_1152, %swap3A_1153] {strides = array<i32>} : memref<200x128xf32, #tpu.memory_space<vmem>>, vector<1x16xf32>,
        %swap3A_1155 = vector.shape_cast %swap3A_1154 : vector<1x16xf32> to vector<16xf32>
        %swap3A_1156 = vector.shape_cast %mul3A_1151 : vector<16xf32> to vector<1x16xf32>
        tpu.vector_store %arg10[%swap3A_1152, %swap3A_1153], %swap3A_1156 {strides = array<i32>} : memref<200x128xf32, #tpu.memory_space<vmem>>, vector<1x16xf32>,
        %get3A_1157 = arith.index_cast %add3A_1126 : i32 to index
        %get3A_1158 = arith.constant 48 : index
        %get3A_1159 = tpu.vector_load %arg10[%get3A_1157, %get3A_1158] {strides = array<i32>} : memref<200x128xf32, #tpu.memory_space<vmem>>, vector<1x16xf32>,
        %get3A_1160 = vector.shape_cast %get3A_1159 : vector<1x16xf32> to vector<16xf32>
        %mul3A_1161 = arith.mulf %get3A_1160, %broadcast_in_dim3A_1122 : vector<16xf32>
        %swap3A_1162 = arith.index_cast %add3A_1126 : i32 to index
        %swap3A_1163 = arith.constant 48 : index
        %swap3A_1164 = tpu.vector_load %arg10[%swap3A_1162, %swap3A_1163] {strides = array<i32>} : memref<200x128xf32, #tpu.memory_space<vmem>>, vector<1x16xf32>,
        %swap3A_1165 = vector.shape_cast %swap3A_1164 : vector<1x16xf32> to vector<16xf32>
        %swap3A_1166 = vector.shape_cast %mul3A_1161 : vector<16xf32> to vector<1x16xf32>
        tpu.vector_store %arg10[%swap3A_1162, %swap3A_1163], %swap3A_1166 {strides = array<i32>} : memref<200x128xf32, #tpu.memory_space<vmem>>, vector<1x16xf32>,
        %get3A_1167 = arith.index_cast %add3A_1126 : i32 to index
        %get3A_1168 = arith.constant 64 : index
        %get3A_1169 = tpu.vector_load %arg10[%get3A_1167, %get3A_1168] {strides = array<i32>} : memref<200x128xf32, #tpu.memory_space<vmem>>, vector<1x16xf32>,
        %get3A_1170 = vector.shape_cast %get3A_1169 : vector<1x16xf32> to vector<16xf32>
        %mul3A_1171 = arith.mulf %get3A_1170, %broadcast_in_dim3A_1122 : vector<16xf32>
        %swap3A_1172 = arith.index_cast %add3A_1126 : i32 to index
        %swap3A_1173 = arith.constant 64 : index
        %swap3A_1174 = tpu.vector_load %arg10[%swap3A_1172, %swap3A_1173] {strides = array<i32>} : memref<200x128xf32, #tpu.memory_space<vmem>>, vector<1x16xf32>,
        %swap3A_1175 = vector.shape_cast %swap3A_1174 : vector<1x16xf32> to vector<16xf32>
        %swap3A_1176 = vector.shape_cast %mul3A_1171 : vector<16xf32> to vector<1x16xf32>
        tpu.vector_store %arg10[%swap3A_1172, %swap3A_1173], %swap3A_1176 {strides = array<i32>} : memref<200x128xf32, #tpu.memory_space<vmem>>, vector<1x16xf32>,
        %get3A_1177 = arith.index_cast %add3A_1126 : i32 to index
        %get3A_1178 = arith.constant 80 : index
        %get3A_1179 = tpu.vector_load %arg10[%get3A_1177, %get3A_1178] {strides = array<i32>} : memref<200x128xf32, #tpu.memory_space<vmem>>, vector<1x16xf32>,
        %get3A_1180 = vector.shape_cast %get3A_1179 : vector<1x16xf32> to vector<16xf32>
        %mul3A_1181 = arith.mulf %get3A_1180, %broadcast_in_dim3A_1122 : vector<16xf32>
        %swap3A_1182 = arith.index_cast %add3A_1126 : i32 to index
        %swap3A_1183 = arith.constant 80 : index
        %swap3A_1184 = tpu.vector_load %arg10[%swap3A_1182, %swap3A_1183] {strides = array<i32>} : memref<200x128xf32, #tpu.memory_space<vmem>>, vector<1x16xf32>,
        %swap3A_1185 = vector.shape_cast %swap3A_1184 : vector<1x16xf32> to vector<16xf32>
        %swap3A_1186 = vector.shape_cast %mul3A_1181 : vector<16xf32> to vector<1x16xf32>
        tpu.vector_store %arg10[%swap3A_1182, %swap3A_1183], %swap3A_1186 {strides = array<i32>} : memref<200x128xf32, #tpu.memory_space<vmem>>, vector<1x16xf32>,
        %get3A_1187 = arith.index_cast %add3A_1126 : i32 to index
        %get3A_1188 = arith.constant 96 : index
        %get3A_1189 = tpu.vector_load %arg10[%get3A_1187, %get3A_1188] {strides = array<i32>} : memref<200x128xf32, #tpu.memory_space<vmem>>, vector<1x16xf32>,
        %get3A_1190 = vector.shape_cast %get3A_1189 : vector<1x16xf32> to vector<16xf32>
        %mul3A_1191 = arith.mulf %get3A_1190, %broadcast_in_dim3A_1122 : vector<16xf32>
        %swap3A_1192 = arith.index_cast %add3A_1126 : i32 to index
        %swap3A_1193 = arith.constant 96 : index
        %swap3A_1194 = tpu.vector_load %arg10[%swap3A_1192, %swap3A_1193] {strides = array<i32>} : memref<200x128xf32, #tpu.memory_space<vmem>>, vector<1x16xf32>,
        %swap3A_1195 = vector.shape_cast %swap3A_1194 : vector<1x16xf32> to vector<16xf32>
        %swap3A_1196 = vector.shape_cast %mul3A_1191 : vector<16xf32> to vector<1x16xf32>
        tpu.vector_store %arg10[%swap3A_1192, %swap3A_1193], %swap3A_1196 {strides = array<i32>} : memref<200x128xf32, #tpu.memory_space<vmem>>, vector<1x16xf32>,
        %get3A_1197 = arith.index_cast %add3A_1126 : i32 to index
        %get3A_1198 = arith.constant 112 : index
        %get3A_1199 = tpu.vector_load %arg10[%get3A_1197, %get3A_1198] {strides = array<i32>} : memref<200x128xf32, #tpu.memory_space<vmem>>, vector<1x16xf32>,
        %get3A_1200 = vector.shape_cast %get3A_1199 : vector<1x16xf32> to vector<16xf32>
        %mul3A_1201 = arith.mulf %get3A_1200, %broadcast_in_dim3A_1122 : vector<16xf32>
        %swap3A_1202 = arith.index_cast %add3A_1126 : i32 to index
        %swap3A_1203 = arith.constant 112 : index
        %swap3A_1204 = tpu.vector_load %arg10[%swap3A_1202, %swap3A_1203] {strides = array<i32>} : memref<200x128xf32, #tpu.memory_space<vmem>>, vector<1x16xf32>,
        %swap3A_1205 = vector.shape_cast %swap3A_1204 : vector<1x16xf32> to vector<16xf32>
        %swap3A_1206 = vector.shape_cast %mul3A_1201 : vector<16xf32> to vector<1x16xf32>
        tpu.vector_store %arg10[%swap3A_1202, %swap3A_1203], %swap3A_1206 {strides = array<i32>} : memref<200x128xf32, #tpu.memory_space<vmem>>, vector<1x16xf32>,
        %slice3A_1207 = vector.extract_strided_slice %get3A_858 {offsets = [4], sizes = [1], strides = [1]} : vector<16xf32> to vector<1xf32>
        %squeeze3A_1208 = vector.extract %slice3A_1207[0] : f32 from vector<1xf32>
        %broadcast_in_dim3A_1209 = vector.broadcast %squeeze3A_1208 : f32 to vector<16xf32>
        %mul3A_1210 = arith.constant 16 : i32
        %mul3A_1211 = arith.muli %scan3A_852, %mul3A_1210 : i32
        %add3A_1212 = arith.constant 4 : i32
        %add3A_1213 = arith.addi %mul3A_1211, %add3A_1212 : i32
        %get3A_1214 = arith.index_cast %add3A_1213 : i32 to index
        %get3A_1215 = arith.constant 0 : index
        %get3A_1216 = tpu.vector_load %arg10[%get3A_1214, %get3A_1215] {strides = array<i32>} : memref<200x128xf32, #tpu.memory_space<vmem>>, vector<1x16xf32>,
        %get3A_1217 = vector.shape_cast %get3A_1216 : vector<1x16xf32> to vector<16xf32>
        %mul3A_1218 = arith.mulf %get3A_1217, %broadcast_in_dim3A_1209 : vector<16xf32>
        %swap3A_1219 = arith.index_cast %add3A_1213 : i32 to index
        %swap3A_1220 = arith.constant 0 : index
        %swap3A_1221 = tpu.vector_load %arg10[%swap3A_1219, %swap3A_1220] {strides = array<i32>} : memref<200x128xf32, #tpu.memory_space<vmem>>, vector<1x16xf32>,
        %swap3A_1222 = vector.shape_cast %swap3A_1221 : vector<1x16xf32> to vector<16xf32>
        %swap3A_1223 = vector.shape_cast %mul3A_1218 : vector<16xf32> to vector<1x16xf32>
        tpu.vector_store %arg10[%swap3A_1219, %swap3A_1220], %swap3A_1223 {strides = array<i32>} : memref<200x128xf32, #tpu.memory_space<vmem>>, vector<1x16xf32>,
        %get3A_1224 = arith.index_cast %add3A_1213 : i32 to index
        %get3A_1225 = arith.constant 16 : index
        %get3A_1226 = tpu.vector_load %arg10[%get3A_1224, %get3A_1225] {strides = array<i32>} : memref<200x128xf32, #tpu.memory_space<vmem>>, vector<1x16xf32>,
        %get3A_1227 = vector.shape_cast %get3A_1226 : vector<1x16xf32> to vector<16xf32>
        %mul3A_1228 = arith.mulf %get3A_1227, %broadcast_in_dim3A_1209 : vector<16xf32>
        %swap3A_1229 = arith.index_cast %add3A_1213 : i32 to index
        %swap3A_1230 = arith.constant 16 : index
        %swap3A_1231 = tpu.vector_load %arg10[%swap3A_1229, %swap3A_1230] {strides = array<i32>} : memref<200x128xf32, #tpu.memory_space<vmem>>, vector<1x16xf32>,
        %swap3A_1232 = vector.shape_cast %swap3A_1231 : vector<1x16xf32> to vector<16xf32>
        %swap3A_1233 = vector.shape_cast %mul3A_1228 : vector<16xf32> to vector<1x16xf32>
        tpu.vector_store %arg10[%swap3A_1229, %swap3A_1230], %swap3A_1233 {strides = array<i32>} : memref<200x128xf32, #tpu.memory_space<vmem>>, vector<1x16xf32>,
        %get3A_1234 = arith.index_cast %add3A_1213 : i32 to index
        %get3A_1235 = arith.constant 32 : index
        %get3A_1236 = tpu.vector_load %arg10[%get3A_1234, %get3A_1235] {strides = array<i32>} : memref<200x128xf32, #tpu.memory_space<vmem>>, vector<1x16xf32>,
        %get3A_1237 = vector.shape_cast %get3A_1236 : vector<1x16xf32> to vector<16xf32>
        %mul3A_1238 = arith.mulf %get3A_1237, %broadcast_in_dim3A_1209 : vector<16xf32>
        %swap3A_1239 = arith.index_cast %add3A_1213 : i32 to index
        %swap3A_1240 = arith.constant 32 : index
        %swap3A_1241 = tpu.vector_load %arg10[%swap3A_1239, %swap3A_1240] {strides = array<i32>} : memref<200x128xf32, #tpu.memory_space<vmem>>, vector<1x16xf32>,
        %swap3A_1242 = vector.shape_cast %swap3A_1241 : vector<1x16xf32> to vector<16xf32>
        %swap3A_1243 = vector.shape_cast %mul3A_1238 : vector<16xf32> to vector<1x16xf32>
        tpu.vector_store %arg10[%swap3A_1239, %swap3A_1240], %swap3A_1243 {strides = array<i32>} : memref<200x128xf32, #tpu.memory_space<vmem>>, vector<1x16xf32>,
        %get3A_1244 = arith.index_cast %add3A_1213 : i32 to index
        %get3A_1245 = arith.constant 48 : index
        %get3A_1246 = tpu.vector_load %arg10[%get3A_1244, %get3A_1245] {strides = array<i32>} : memref<200x128xf32, #tpu.memory_space<vmem>>, vector<1x16xf32>,
        %get3A_1247 = vector.shape_cast %get3A_1246 : vector<1x16xf32> to vector<16xf32>
        %mul3A_1248 = arith.mulf %get3A_1247, %broadcast_in_dim3A_1209 : vector<16xf32>
        %swap3A_1249 = arith.index_cast %add3A_1213 : i32 to index
        %swap3A_1250 = arith.constant 48 : index
        %swap3A_1251 = tpu.vector_load %arg10[%swap3A_1249, %swap3A_1250] {strides = array<i32>} : memref<200x128xf32, #tpu.memory_space<vmem>>, vector<1x16xf32>,
        %swap3A_1252 = vector.shape_cast %swap3A_1251 : vector<1x16xf32> to vector<16xf32>
        %swap3A_1253 = vector.shape_cast %mul3A_1248 : vector<16xf32> to vector<1x16xf32>
        tpu.vector_store %arg10[%swap3A_1249, %swap3A_1250], %swap3A_1253 {strides = array<i32>} : memref<200x128xf32, #tpu.memory_space<vmem>>, vector<1x16xf32>,
        %get3A_1254 = arith.index_cast %add3A_1213 : i32 to index
        %get3A_1255 = arith.constant 64 : index
        %get3A_1256 = tpu.vector_load %arg10[%get3A_1254, %get3A_1255] {strides = array<i32>} : memref<200x128xf32, #tpu.memory_space<vmem>>, vector<1x16xf32>,
        %get3A_1257 = vector.shape_cast %get3A_1256 : vector<1x16xf32> to vector<16xf32>
        %mul3A_1258 = arith.mulf %get3A_1257, %broadcast_in_dim3A_1209 : vector<16xf32>
        %swap3A_1259 = arith.index_cast %add3A_1213 : i32 to index
        %swap3A_1260 = arith.constant 64 : index
        %swap3A_1261 = tpu.vector_load %arg10[%swap3A_1259, %swap3A_1260] {strides = array<i32>} : memref<200x128xf32, #tpu.memory_space<vmem>>, vector<1x16xf32>,
        %swap3A_1262 = vector.shape_cast %swap3A_1261 : vector<1x16xf32> to vector<16xf32>
        %swap3A_1263 = vector.shape_cast %mul3A_1258 : vector<16xf32> to vector<1x16xf32>
        tpu.vector_store %arg10[%swap3A_1259, %swap3A_1260], %swap3A_1263 {strides = array<i32>} : memref<200x128xf32, #tpu.memory_space<vmem>>, vector<1x16xf32>,
        %get3A_1264 = arith.index_cast %add3A_1213 : i32 to index
        %get3A_1265 = arith.constant 80 : index
        %get3A_1266 = tpu.vector_load %arg10[%get3A_1264, %get3A_1265] {strides = array<i32>} : memref<200x128xf32, #tpu.memory_space<vmem>>, vector<1x16xf32>,
        %get3A_1267 = vector.shape_cast %get3A_1266 : vector<1x16xf32> to vector<16xf32>
        %mul3A_1268 = arith.mulf %get3A_1267, %broadcast_in_dim3A_1209 : vector<16xf32>
        %swap3A_1269 = arith.index_cast %add3A_1213 : i32 to index
        %swap3A_1270 = arith.constant 80 : index
        %swap3A_1271 = tpu.vector_load %arg10[%swap3A_1269, %swap3A_1270] {strides = array<i32>} : memref<200x128xf32, #tpu.memory_space<vmem>>, vector<1x16xf32>,
        %swap3A_1272 = vector.shape_cast %swap3A_1271 : vector<1x16xf32> to vector<16xf32>
        %swap3A_1273 = vector.shape_cast %mul3A_1268 : vector<16xf32> to vector<1x16xf32>
        tpu.vector_store %arg10[%swap3A_1269, %swap3A_1270], %swap3A_1273 {strides = array<i32>} : memref<200x128xf32, #tpu.memory_space<vmem>>, vector<1x16xf32>,
        %get3A_1274 = arith.index_cast %add3A_1213 : i32 to index
        %get3A_1275 = arith.constant 96 : index
        %get3A_1276 = tpu.vector_load %arg10[%get3A_1274, %get3A_1275] {strides = array<i32>} : memref<200x128xf32, #tpu.memory_space<vmem>>, vector<1x16xf32>,
        %get3A_1277 = vector.shape_cast %get3A_1276 : vector<1x16xf32> to vector<16xf32>
        %mul3A_1278 = arith.mulf %get3A_1277, %broadcast_in_dim3A_1209 : vector<16xf32>
        %swap3A_1279 = arith.index_cast %add3A_1213 : i32 to index
        %swap3A_1280 = arith.constant 96 : index
        %swap3A_1281 = tpu.vector_load %arg10[%swap3A_1279, %swap3A_1280] {strides = array<i32>} : memref<200x128xf32, #tpu.memory_space<vmem>>, vector<1x16xf32>,
        %swap3A_1282 = vector.shape_cast %swap3A_1281 : vector<1x16xf32> to vector<16xf32>
        %swap3A_1283 = vector.shape_cast %mul3A_1278 : vector<16xf32> to vector<1x16xf32>
        tpu.vector_store %arg10[%swap3A_1279, %swap3A_1280], %swap3A_1283 {strides = array<i32>} : memref<200x128xf32, #tpu.memory_space<vmem>>, vector<1x16xf32>,
        %get3A_1284 = arith.index_cast %add3A_1213 : i32 to index
        %get3A_1285 = arith.constant 112 : index
        %get3A_1286 = tpu.vector_load %arg10[%get3A_1284, %get3A_1285] {strides = array<i32>} : memref<200x128xf32, #tpu.memory_space<vmem>>, vector<1x16xf32>,
        %get3A_1287 = vector.shape_cast %get3A_1286 : vector<1x16xf32> to vector<16xf32>
        %mul3A_1288 = arith.mulf %get3A_1287, %broadcast_in_dim3A_1209 : vector<16xf32>
        %swap3A_1289 = arith.index_cast %add3A_1213 : i32 to index
        %swap3A_1290 = arith.constant 112 : index
        %swap3A_1291 = tpu.vector_load %arg10[%swap3A_1289, %swap3A_1290] {strides = array<i32>} : memref<200x128xf32, #tpu.memory_space<vmem>>, vector<1x16xf32>,
        %swap3A_1292 = vector.shape_cast %swap3A_1291 : vector<1x16xf32> to vector<16xf32>
        %swap3A_1293 = vector.shape_cast %mul3A_1288 : vector<16xf32> to vector<1x16xf32>
        tpu.vector_store %arg10[%swap3A_1289, %swap3A_1290], %swap3A_1293 {strides = array<i32>} : memref<200x128xf32, #tpu.memory_space<vmem>>, vector<1x16xf32>,
        %slice3A_1294 = vector.extract_strided_slice %get3A_858 {offsets = [5], sizes = [1], strides = [1]} : vector<16xf32> to vector<1xf32>
        %squeeze3A_1295 = vector.extract %slice3A_1294[0] : f32 from vector<1xf32>
        %broadcast_in_dim3A_1296 = vector.broadcast %squeeze3A_1295 : f32 to vector<16xf32>
        %mul3A_1297 = arith.constant 16 : i32
        %mul3A_1298 = arith.muli %scan3A_852, %mul3A_1297 : i32
        %add3A_1299 = arith.constant 5 : i32
        %add3A_1300 = arith.addi %mul3A_1298, %add3A_1299 : i32
        %get3A_1301 = arith.index_cast %add3A_1300 : i32 to index
        %get3A_1302 = arith.constant 0 : index
        %get3A_1303 = tpu.vector_load %arg10[%get3A_1301, %get3A_1302] {strides = array<i32>} : memref<200x128xf32, #tpu.memory_space<vmem>>, vector<1x16xf32>,
        %get3A_1304 = vector.shape_cast %get3A_1303 : vector<1x16xf32> to vector<16xf32>
        %mul3A_1305 = arith.mulf %get3A_1304, %broadcast_in_dim3A_1296 : vector<16xf32>
        %swap3A_1306 = arith.index_cast %add3A_1300 : i32 to index
        %swap3A_1307 = arith.constant 0 : index
        %swap3A_1308 = tpu.vector_load %arg10[%swap3A_1306, %swap3A_1307] {strides = array<i32>} : memref<200x128xf32, #tpu.memory_space<vmem>>, vector<1x16xf32>,
        %swap3A_1309 = vector.shape_cast %swap3A_1308 : vector<1x16xf32> to vector<16xf32>
        %swap3A_1310 = vector.shape_cast %mul3A_1305 : vector<16xf32> to vector<1x16xf32>
        tpu.vector_store %arg10[%swap3A_1306, %swap3A_1307], %swap3A_1310 {strides = array<i32>} : memref<200x128xf32, #tpu.memory_space<vmem>>, vector<1x16xf32>,
        %get3A_1311 = arith.index_cast %add3A_1300 : i32 to index
        %get3A_1312 = arith.constant 16 : index
        %get3A_1313 = tpu.vector_load %arg10[%get3A_1311, %get3A_1312] {strides = array<i32>} : memref<200x128xf32, #tpu.memory_space<vmem>>, vector<1x16xf32>,
        %get3A_1314 = vector.shape_cast %get3A_1313 : vector<1x16xf32> to vector<16xf32>
        %mul3A_1315 = arith.mulf %get3A_1314, %broadcast_in_dim3A_1296 : vector<16xf32>
        %swap3A_1316 = arith.index_cast %add3A_1300 : i32 to index
        %swap3A_1317 = arith.constant 16 : index
        %swap3A_1318 = tpu.vector_load %arg10[%swap3A_1316, %swap3A_1317] {strides = array<i32>} : memref<200x128xf32, #tpu.memory_space<vmem>>, vector<1x16xf32>,
        %swap3A_1319 = vector.shape_cast %swap3A_1318 : vector<1x16xf32> to vector<16xf32>
        %swap3A_1320 = vector.shape_cast %mul3A_1315 : vector<16xf32> to vector<1x16xf32>
        tpu.vector_store %arg10[%swap3A_1316, %swap3A_1317], %swap3A_1320 {strides = array<i32>} : memref<200x128xf32, #tpu.memory_space<vmem>>, vector<1x16xf32>,
        %get3A_1321 = arith.index_cast %add3A_1300 : i32 to index
        %get3A_1322 = arith.constant 32 : index
        %get3A_1323 = tpu.vector_load %arg10[%get3A_1321, %get3A_1322] {strides = array<i32>} : memref<200x128xf32, #tpu.memory_space<vmem>>, vector<1x16xf32>,
        %get3A_1324 = vector.shape_cast %get3A_1323 : vector<1x16xf32> to vector<16xf32>
        %mul3A_1325 = arith.mulf %get3A_1324, %broadcast_in_dim3A_1296 : vector<16xf32>
        %swap3A_1326 = arith.index_cast %add3A_1300 : i32 to index
        %swap3A_1327 = arith.constant 32 : index
        %swap3A_1328 = tpu.vector_load %arg10[%swap3A_1326, %swap3A_1327] {strides = array<i32>} : memref<200x128xf32, #tpu.memory_space<vmem>>, vector<1x16xf32>,
        %swap3A_1329 = vector.shape_cast %swap3A_1328 : vector<1x16xf32> to vector<16xf32>
        %swap3A_1330 = vector.shape_cast %mul3A_1325 : vector<16xf32> to vector<1x16xf32>
        tpu.vector_store %arg10[%swap3A_1326, %swap3A_1327], %swap3A_1330 {strides = array<i32>} : memref<200x128xf32, #tpu.memory_space<vmem>>, vector<1x16xf32>,
        %get3A_1331 = arith.index_cast %add3A_1300 : i32 to index
        %get3A_1332 = arith.constant 48 : index
        %get3A_1333 = tpu.vector_load %arg10[%get3A_1331, %get3A_1332] {strides = array<i32>} : memref<200x128xf32, #tpu.memory_space<vmem>>, vector<1x16xf32>,
        %get3A_1334 = vector.shape_cast %get3A_1333 : vector<1x16xf32> to vector<16xf32>
        %mul3A_1335 = arith.mulf %get3A_1334, %broadcast_in_dim3A_1296 : vector<16xf32>
        %swap3A_1336 = arith.index_cast %add3A_1300 : i32 to index
        %swap3A_1337 = arith.constant 48 : index
        %swap3A_1338 = tpu.vector_load %arg10[%swap3A_1336, %swap3A_1337] {strides = array<i32>} : memref<200x128xf32, #tpu.memory_space<vmem>>, vector<1x16xf32>,
        %swap3A_1339 = vector.shape_cast %swap3A_1338 : vector<1x16xf32> to vector<16xf32>
        %swap3A_1340 = vector.shape_cast %mul3A_1335 : vector<16xf32> to vector<1x16xf32>
        tpu.vector_store %arg10[%swap3A_1336, %swap3A_1337], %swap3A_1340 {strides = array<i32>} : memref<200x128xf32, #tpu.memory_space<vmem>>, vector<1x16xf32>,
        %get3A_1341 = arith.index_cast %add3A_1300 : i32 to index
        %get3A_1342 = arith.constant 64 : index
        %get3A_1343 = tpu.vector_load %arg10[%get3A_1341, %get3A_1342] {strides = array<i32>} : memref<200x128xf32, #tpu.memory_space<vmem>>, vector<1x16xf32>,
        %get3A_1344 = vector.shape_cast %get3A_1343 : vector<1x16xf32> to vector<16xf32>
        %mul3A_1345 = arith.mulf %get3A_1344, %broadcast_in_dim3A_1296 : vector<16xf32>
        %swap3A_1346 = arith.index_cast %add3A_1300 : i32 to index
        %swap3A_1347 = arith.constant 64 : index
        %swap3A_1348 = tpu.vector_load %arg10[%swap3A_1346, %swap3A_1347] {strides = array<i32>} : memref<200x128xf32, #tpu.memory_space<vmem>>, vector<1x16xf32>,
        %swap3A_1349 = vector.shape_cast %swap3A_1348 : vector<1x16xf32> to vector<16xf32>
        %swap3A_1350 = vector.shape_cast %mul3A_1345 : vector<16xf32> to vector<1x16xf32>
        tpu.vector_store %arg10[%swap3A_1346, %swap3A_1347], %swap3A_1350 {strides = array<i32>} : memref<200x128xf32, #tpu.memory_space<vmem>>, vector<1x16xf32>,
        %get3A_1351 = arith.index_cast %add3A_1300 : i32 to index
        %get3A_1352 = arith.constant 80 : index
        %get3A_1353 = tpu.vector_load %arg10[%get3A_1351, %get3A_1352] {strides = array<i32>} : memref<200x128xf32, #tpu.memory_space<vmem>>, vector<1x16xf32>,
        %get3A_1354 = vector.shape_cast %get3A_1353 : vector<1x16xf32> to vector<16xf32>
        %mul3A_1355 = arith.mulf %get3A_1354, %broadcast_in_dim3A_1296 : vector<16xf32>
        %swap3A_1356 = arith.index_cast %add3A_1300 : i32 to index
        %swap3A_1357 = arith.constant 80 : index
        %swap3A_1358 = tpu.vector_load %arg10[%swap3A_1356, %swap3A_1357] {strides = array<i32>} : memref<200x128xf32, #tpu.memory_space<vmem>>, vector<1x16xf32>,
        %swap3A_1359 = vector.shape_cast %swap3A_1358 : vector<1x16xf32> to vector<16xf32>
        %swap3A_1360 = vector.shape_cast %mul3A_1355 : vector<16xf32> to vector<1x16xf32>
        tpu.vector_store %arg10[%swap3A_1356, %swap3A_1357], %swap3A_1360 {strides = array<i32>} : memref<200x128xf32, #tpu.memory_space<vmem>>, vector<1x16xf32>,
        %get3A_1361 = arith.index_cast %add3A_1300 : i32 to index
        %get3A_1362 = arith.constant 96 : index
        %get3A_1363 = tpu.vector_load %arg10[%get3A_1361, %get3A_1362] {strides = array<i32>} : memref<200x128xf32, #tpu.memory_space<vmem>>, vector<1x16xf32>,
        %get3A_1364 = vector.shape_cast %get3A_1363 : vector<1x16xf32> to vector<16xf32>
        %mul3A_1365 = arith.mulf %get3A_1364, %broadcast_in_dim3A_1296 : vector<16xf32>
        %swap3A_1366 = arith.index_cast %add3A_1300 : i32 to index
        %swap3A_1367 = arith.constant 96 : index
        %swap3A_1368 = tpu.vector_load %arg10[%swap3A_1366, %swap3A_1367] {strides = array<i32>} : memref<200x128xf32, #tpu.memory_space<vmem>>, vector<1x16xf32>,
        %swap3A_1369 = vector.shape_cast %swap3A_1368 : vector<1x16xf32> to vector<16xf32>
        %swap3A_1370 = vector.shape_cast %mul3A_1365 : vector<16xf32> to vector<1x16xf32>
        tpu.vector_store %arg10[%swap3A_1366, %swap3A_1367], %swap3A_1370 {strides = array<i32>} : memref<200x128xf32, #tpu.memory_space<vmem>>, vector<1x16xf32>,
        %get3A_1371 = arith.index_cast %add3A_1300 : i32 to index
        %get3A_1372 = arith.constant 112 : index
        %get3A_1373 = tpu.vector_load %arg10[%get3A_1371, %get3A_1372] {strides = array<i32>} : memref<200x128xf32, #tpu.memory_space<vmem>>, vector<1x16xf32>,
        %get3A_1374 = vector.shape_cast %get3A_1373 : vector<1x16xf32> to vector<16xf32>
        %mul3A_1375 = arith.mulf %get3A_1374, %broadcast_in_dim3A_1296 : vector<16xf32>
        %swap3A_1376 = arith.index_cast %add3A_1300 : i32 to index
        %swap3A_1377 = arith.constant 112 : index
        %swap3A_1378 = tpu.vector_load %arg10[%swap3A_1376, %swap3A_1377] {strides = array<i32>} : memref<200x128xf32, #tpu.memory_space<vmem>>, vector<1x16xf32>,
        %swap3A_1379 = vector.shape_cast %swap3A_1378 : vector<1x16xf32> to vector<16xf32>
        %swap3A_1380 = vector.shape_cast %mul3A_1375 : vector<16xf32> to vector<1x16xf32>
        tpu.vector_store %arg10[%swap3A_1376, %swap3A_1377], %swap3A_1380 {strides = array<i32>} : memref<200x128xf32, #tpu.memory_space<vmem>>, vector<1x16xf32>,
        %slice3A_1381 = vector.extract_strided_slice %get3A_858 {offsets = [6], sizes = [1], strides = [1]} : vector<16xf32> to vector<1xf32>
        %squeeze3A_1382 = vector.extract %slice3A_1381[0] : f32 from vector<1xf32>
        %broadcast_in_dim3A_1383 = vector.broadcast %squeeze3A_1382 : f32 to vector<16xf32>
        %mul3A_1384 = arith.constant 16 : i32
        %mul3A_1385 = arith.muli %scan3A_852, %mul3A_1384 : i32
        %add3A_1386 = arith.constant 6 : i32
        %add3A_1387 = arith.addi %mul3A_1385, %add3A_1386 : i32
        %get3A_1388 = arith.index_cast %add3A_1387 : i32 to index
        %get3A_1389 = arith.constant 0 : index
        %get3A_1390 = tpu.vector_load %arg10[%get3A_1388, %get3A_1389] {strides = array<i32>} : memref<200x128xf32, #tpu.memory_space<vmem>>, vector<1x16xf32>,
        %get3A_1391 = vector.shape_cast %get3A_1390 : vector<1x16xf32> to vector<16xf32>
        %mul3A_1392 = arith.mulf %get3A_1391, %broadcast_in_dim3A_1383 : vector<16xf32>
        %swap3A_1393 = arith.index_cast %add3A_1387 : i32 to index
        %swap3A_1394 = arith.constant 0 : index
        %swap3A_1395 = tpu.vector_load %arg10[%swap3A_1393, %swap3A_1394] {strides = array<i32>} : memref<200x128xf32, #tpu.memory_space<vmem>>, vector<1x16xf32>,
        %swap3A_1396 = vector.shape_cast %swap3A_1395 : vector<1x16xf32> to vector<16xf32>
        %swap3A_1397 = vector.shape_cast %mul3A_1392 : vector<16xf32> to vector<1x16xf32>
        tpu.vector_store %arg10[%swap3A_1393, %swap3A_1394], %swap3A_1397 {strides = array<i32>} : memref<200x128xf32, #tpu.memory_space<vmem>>, vector<1x16xf32>,
        %get3A_1398 = arith.index_cast %add3A_1387 : i32 to index
        %get3A_1399 = arith.constant 16 : index
        %get3A_1400 = tpu.vector_load %arg10[%get3A_1398, %get3A_1399] {strides = array<i32>} : memref<200x128xf32, #tpu.memory_space<vmem>>, vector<1x16xf32>,
        %get3A_1401 = vector.shape_cast %get3A_1400 : vector<1x16xf32> to vector<16xf32>
        %mul3A_1402 = arith.mulf %get3A_1401, %broadcast_in_dim3A_1383 : vector<16xf32>
        %swap3A_1403 = arith.index_cast %add3A_1387 : i32 to index
        %swap3A_1404 = arith.constant 16 : index
        %swap3A_1405 = tpu.vector_load %arg10[%swap3A_1403, %swap3A_1404] {strides = array<i32>} : memref<200x128xf32, #tpu.memory_space<vmem>>, vector<1x16xf32>,
        %swap3A_1406 = vector.shape_cast %swap3A_1405 : vector<1x16xf32> to vector<16xf32>
        %swap3A_1407 = vector.shape_cast %mul3A_1402 : vector<16xf32> to vector<1x16xf32>
        tpu.vector_store %arg10[%swap3A_1403, %swap3A_1404], %swap3A_1407 {strides = array<i32>} : memref<200x128xf32, #tpu.memory_space<vmem>>, vector<1x16xf32>,
        %get3A_1408 = arith.index_cast %add3A_1387 : i32 to index
        %get3A_1409 = arith.constant 32 : index
        %get3A_1410 = tpu.vector_load %arg10[%get3A_1408, %get3A_1409] {strides = array<i32>} : memref<200x128xf32, #tpu.memory_space<vmem>>, vector<1x16xf32>,
        %get3A_1411 = vector.shape_cast %get3A_1410 : vector<1x16xf32> to vector<16xf32>
        %mul3A_1412 = arith.mulf %get3A_1411, %broadcast_in_dim3A_1383 : vector<16xf32>
        %swap3A_1413 = arith.index_cast %add3A_1387 : i32 to index
        %swap3A_1414 = arith.constant 32 : index
        %swap3A_1415 = tpu.vector_load %arg10[%swap3A_1413, %swap3A_1414] {strides = array<i32>} : memref<200x128xf32, #tpu.memory_space<vmem>>, vector<1x16xf32>,
        %swap3A_1416 = vector.shape_cast %swap3A_1415 : vector<1x16xf32> to vector<16xf32>
        %swap3A_1417 = vector.shape_cast %mul3A_1412 : vector<16xf32> to vector<1x16xf32>
        tpu.vector_store %arg10[%swap3A_1413, %swap3A_1414], %swap3A_1417 {strides = array<i32>} : memref<200x128xf32, #tpu.memory_space<vmem>>, vector<1x16xf32>,
        %get3A_1418 = arith.index_cast %add3A_1387 : i32 to index
        %get3A_1419 = arith.constant 48 : index
        %get3A_1420 = tpu.vector_load %arg10[%get3A_1418, %get3A_1419] {strides = array<i32>} : memref<200x128xf32, #tpu.memory_space<vmem>>, vector<1x16xf32>,
        %get3A_1421 = vector.shape_cast %get3A_1420 : vector<1x16xf32> to vector<16xf32>
        %mul3A_1422 = arith.mulf %get3A_1421, %broadcast_in_dim3A_1383 : vector<16xf32>
        %swap3A_1423 = arith.index_cast %add3A_1387 : i32 to index
        %swap3A_1424 = arith.constant 48 : index
        %swap3A_1425 = tpu.vector_load %arg10[%swap3A_1423, %swap3A_1424] {strides = array<i32>} : memref<200x128xf32, #tpu.memory_space<vmem>>, vector<1x16xf32>,
        %swap3A_1426 = vector.shape_cast %swap3A_1425 : vector<1x16xf32> to vector<16xf32>
        %swap3A_1427 = vector.shape_cast %mul3A_1422 : vector<16xf32> to vector<1x16xf32>
        tpu.vector_store %arg10[%swap3A_1423, %swap3A_1424], %swap3A_1427 {strides = array<i32>} : memref<200x128xf32, #tpu.memory_space<vmem>>, vector<1x16xf32>,
        %get3A_1428 = arith.index_cast %add3A_1387 : i32 to index
        %get3A_1429 = arith.constant 64 : index
        %get3A_1430 = tpu.vector_load %arg10[%get3A_1428, %get3A_1429] {strides = array<i32>} : memref<200x128xf32, #tpu.memory_space<vmem>>, vector<1x16xf32>,
        %get3A_1431 = vector.shape_cast %get3A_1430 : vector<1x16xf32> to vector<16xf32>
        %mul3A_1432 = arith.mulf %get3A_1431, %broadcast_in_dim3A_1383 : vector<16xf32>
        %swap3A_1433 = arith.index_cast %add3A_1387 : i32 to index
        %swap3A_1434 = arith.constant 64 : index
        %swap3A_1435 = tpu.vector_load %arg10[%swap3A_1433, %swap3A_1434] {strides = array<i32>} : memref<200x128xf32, #tpu.memory_space<vmem>>, vector<1x16xf32>,
        %swap3A_1436 = vector.shape_cast %swap3A_1435 : vector<1x16xf32> to vector<16xf32>
        %swap3A_1437 = vector.shape_cast %mul3A_1432 : vector<16xf32> to vector<1x16xf32>
        tpu.vector_store %arg10[%swap3A_1433, %swap3A_1434], %swap3A_1437 {strides = array<i32>} : memref<200x128xf32, #tpu.memory_space<vmem>>, vector<1x16xf32>,
        %get3A_1438 = arith.index_cast %add3A_1387 : i32 to index
        %get3A_1439 = arith.constant 80 : index
        %get3A_1440 = tpu.vector_load %arg10[%get3A_1438, %get3A_1439] {strides = array<i32>} : memref<200x128xf32, #tpu.memory_space<vmem>>, vector<1x16xf32>,
        %get3A_1441 = vector.shape_cast %get3A_1440 : vector<1x16xf32> to vector<16xf32>
        %mul3A_1442 = arith.mulf %get3A_1441, %broadcast_in_dim3A_1383 : vector<16xf32>
        %swap3A_1443 = arith.index_cast %add3A_1387 : i32 to index
        %swap3A_1444 = arith.constant 80 : index
        %swap3A_1445 = tpu.vector_load %arg10[%swap3A_1443, %swap3A_1444] {strides = array<i32>} : memref<200x128xf32, #tpu.memory_space<vmem>>, vector<1x16xf32>,
        %swap3A_1446 = vector.shape_cast %swap3A_1445 : vector<1x16xf32> to vector<16xf32>
        %swap3A_1447 = vector.shape_cast %mul3A_1442 : vector<16xf32> to vector<1x16xf32>
        tpu.vector_store %arg10[%swap3A_1443, %swap3A_1444], %swap3A_1447 {strides = array<i32>} : memref<200x128xf32, #tpu.memory_space<vmem>>, vector<1x16xf32>,
        %get3A_1448 = arith.index_cast %add3A_1387 : i32 to index
        %get3A_1449 = arith.constant 96 : index
        %get3A_1450 = tpu.vector_load %arg10[%get3A_1448, %get3A_1449] {strides = array<i32>} : memref<200x128xf32, #tpu.memory_space<vmem>>, vector<1x16xf32>,
        %get3A_1451 = vector.shape_cast %get3A_1450 : vector<1x16xf32> to vector<16xf32>
        %mul3A_1452 = arith.mulf %get3A_1451, %broadcast_in_dim3A_1383 : vector<16xf32>
        %swap3A_1453 = arith.index_cast %add3A_1387 : i32 to index
        %swap3A_1454 = arith.constant 96 : index
        %swap3A_1455 = tpu.vector_load %arg10[%swap3A_1453, %swap3A_1454] {strides = array<i32>} : memref<200x128xf32, #tpu.memory_space<vmem>>, vector<1x16xf32>,
        %swap3A_1456 = vector.shape_cast %swap3A_1455 : vector<1x16xf32> to vector<16xf32>
        %swap3A_1457 = vector.shape_cast %mul3A_1452 : vector<16xf32> to vector<1x16xf32>
        tpu.vector_store %arg10[%swap3A_1453, %swap3A_1454], %swap3A_1457 {strides = array<i32>} : memref<200x128xf32, #tpu.memory_space<vmem>>, vector<1x16xf32>,
        %get3A_1458 = arith.index_cast %add3A_1387 : i32 to index
        %get3A_1459 = arith.constant 112 : index
        %get3A_1460 = tpu.vector_load %arg10[%get3A_1458, %get3A_1459] {strides = array<i32>} : memref<200x128xf32, #tpu.memory_space<vmem>>, vector<1x16xf32>,
        %get3A_1461 = vector.shape_cast %get3A_1460 : vector<1x16xf32> to vector<16xf32>
        %mul3A_1462 = arith.mulf %get3A_1461, %broadcast_in_dim3A_1383 : vector<16xf32>
        %swap3A_1463 = arith.index_cast %add3A_1387 : i32 to index
        %swap3A_1464 = arith.constant 112 : index
        %swap3A_1465 = tpu.vector_load %arg10[%swap3A_1463, %swap3A_1464] {strides = array<i32>} : memref<200x128xf32, #tpu.memory_space<vmem>>, vector<1x16xf32>,
        %swap3A_1466 = vector.shape_cast %swap3A_1465 : vector<1x16xf32> to vector<16xf32>
        %swap3A_1467 = vector.shape_cast %mul3A_1462 : vector<16xf32> to vector<1x16xf32>
        tpu.vector_store %arg10[%swap3A_1463, %swap3A_1464], %swap3A_1467 {strides = array<i32>} : memref<200x128xf32, #tpu.memory_space<vmem>>, vector<1x16xf32>,
        %slice3A_1468 = vector.extract_strided_slice %get3A_858 {offsets = [7], sizes = [1], strides = [1]} : vector<16xf32> to vector<1xf32>
        %squeeze3A_1469 = vector.extract %slice3A_1468[0] : f32 from vector<1xf32>
        %broadcast_in_dim3A_1470 = vector.broadcast %squeeze3A_1469 : f32 to vector<16xf32>
        %mul3A_1471 = arith.constant 16 : i32
        %mul3A_1472 = arith.muli %scan3A_852, %mul3A_1471 : i32
        %add3A_1473 = arith.constant 7 : i32
        %add3A_1474 = arith.addi %mul3A_1472, %add3A_1473 : i32
        %get3A_1475 = arith.index_cast %add3A_1474 : i32 to index
        %get3A_1476 = arith.constant 0 : index
        %get3A_1477 = tpu.vector_load %arg10[%get3A_1475, %get3A_1476] {strides = array<i32>} : memref<200x128xf32, #tpu.memory_space<vmem>>, vector<1x16xf32>,
        %get3A_1478 = vector.shape_cast %get3A_1477 : vector<1x16xf32> to vector<16xf32>
        %mul3A_1479 = arith.mulf %get3A_1478, %broadcast_in_dim3A_1470 : vector<16xf32>
        %swap3A_1480 = arith.index_cast %add3A_1474 : i32 to index
        %swap3A_1481 = arith.constant 0 : index
        %swap3A_1482 = tpu.vector_load %arg10[%swap3A_1480, %swap3A_1481] {strides = array<i32>} : memref<200x128xf32, #tpu.memory_space<vmem>>, vector<1x16xf32>,
        %swap3A_1483 = vector.shape_cast %swap3A_1482 : vector<1x16xf32> to vector<16xf32>
        %swap3A_1484 = vector.shape_cast %mul3A_1479 : vector<16xf32> to vector<1x16xf32>
        tpu.vector_store %arg10[%swap3A_1480, %swap3A_1481], %swap3A_1484 {strides = array<i32>} : memref<200x128xf32, #tpu.memory_space<vmem>>, vector<1x16xf32>,
        %get3A_1485 = arith.index_cast %add3A_1474 : i32 to index
        %get3A_1486 = arith.constant 16 : index
        %get3A_1487 = tpu.vector_load %arg10[%get3A_1485, %get3A_1486] {strides = array<i32>} : memref<200x128xf32, #tpu.memory_space<vmem>>, vector<1x16xf32>,
        %get3A_1488 = vector.shape_cast %get3A_1487 : vector<1x16xf32> to vector<16xf32>
        %mul3A_1489 = arith.mulf %get3A_1488, %broadcast_in_dim3A_1470 : vector<16xf32>
        %swap3A_1490 = arith.index_cast %add3A_1474 : i32 to index
        %swap3A_1491 = arith.constant 16 : index
        %swap3A_1492 = tpu.vector_load %arg10[%swap3A_1490, %swap3A_1491] {strides = array<i32>} : memref<200x128xf32, #tpu.memory_space<vmem>>, vector<1x16xf32>,
        %swap3A_1493 = vector.shape_cast %swap3A_1492 : vector<1x16xf32> to vector<16xf32>
        %swap3A_1494 = vector.shape_cast %mul3A_1489 : vector<16xf32> to vector<1x16xf32>
        tpu.vector_store %arg10[%swap3A_1490, %swap3A_1491], %swap3A_1494 {strides = array<i32>} : memref<200x128xf32, #tpu.memory_space<vmem>>, vector<1x16xf32>,
        %get3A_1495 = arith.index_cast %add3A_1474 : i32 to index
        %get3A_1496 = arith.constant 32 : index
        %get3A_1497 = tpu.vector_load %arg10[%get3A_1495, %get3A_1496] {strides = array<i32>} : memref<200x128xf32, #tpu.memory_space<vmem>>, vector<1x16xf32>,
        %get3A_1498 = vector.shape_cast %get3A_1497 : vector<1x16xf32> to vector<16xf32>
        %mul3A_1499 = arith.mulf %get3A_1498, %broadcast_in_dim3A_1470 : vector<16xf32>
        %swap3A_1500 = arith.index_cast %add3A_1474 : i32 to index
        %swap3A_1501 = arith.constant 32 : index
        %swap3A_1502 = tpu.vector_load %arg10[%swap3A_1500, %swap3A_1501] {strides = array<i32>} : memref<200x128xf32, #tpu.memory_space<vmem>>, vector<1x16xf32>,
        %swap3A_1503 = vector.shape_cast %swap3A_1502 : vector<1x16xf32> to vector<16xf32>
        %swap3A_1504 = vector.shape_cast %mul3A_1499 : vector<16xf32> to vector<1x16xf32>
        tpu.vector_store %arg10[%swap3A_1500, %swap3A_1501], %swap3A_1504 {strides = array<i32>} : memref<200x128xf32, #tpu.memory_space<vmem>>, vector<1x16xf32>,
        %get3A_1505 = arith.index_cast %add3A_1474 : i32 to index
        %get3A_1506 = arith.constant 48 : index
        %get3A_1507 = tpu.vector_load %arg10[%get3A_1505, %get3A_1506] {strides = array<i32>} : memref<200x128xf32, #tpu.memory_space<vmem>>, vector<1x16xf32>,
        %get3A_1508 = vector.shape_cast %get3A_1507 : vector<1x16xf32> to vector<16xf32>
        %mul3A_1509 = arith.mulf %get3A_1508, %broadcast_in_dim3A_1470 : vector<16xf32>
        %swap3A_1510 = arith.index_cast %add3A_1474 : i32 to index
        %swap3A_1511 = arith.constant 48 : index
        %swap3A_1512 = tpu.vector_load %arg10[%swap3A_1510, %swap3A_1511] {strides = array<i32>} : memref<200x128xf32, #tpu.memory_space<vmem>>, vector<1x16xf32>,
        %swap3A_1513 = vector.shape_cast %swap3A_1512 : vector<1x16xf32> to vector<16xf32>
        %swap3A_1514 = vector.shape_cast %mul3A_1509 : vector<16xf32> to vector<1x16xf32>
        tpu.vector_store %arg10[%swap3A_1510, %swap3A_1511], %swap3A_1514 {strides = array<i32>} : memref<200x128xf32, #tpu.memory_space<vmem>>, vector<1x16xf32>,
        %get3A_1515 = arith.index_cast %add3A_1474 : i32 to index
        %get3A_1516 = arith.constant 64 : index
        %get3A_1517 = tpu.vector_load %arg10[%get3A_1515, %get3A_1516] {strides = array<i32>} : memref<200x128xf32, #tpu.memory_space<vmem>>, vector<1x16xf32>,
        %get3A_1518 = vector.shape_cast %get3A_1517 : vector<1x16xf32> to vector<16xf32>
        %mul3A_1519 = arith.mulf %get3A_1518, %broadcast_in_dim3A_1470 : vector<16xf32>
        %swap3A_1520 = arith.index_cast %add3A_1474 : i32 to index
        %swap3A_1521 = arith.constant 64 : index
        %swap3A_1522 = tpu.vector_load %arg10[%swap3A_1520, %swap3A_1521] {strides = array<i32>} : memref<200x128xf32, #tpu.memory_space<vmem>>, vector<1x16xf32>,
        %swap3A_1523 = vector.shape_cast %swap3A_1522 : vector<1x16xf32> to vector<16xf32>
        %swap3A_1524 = vector.shape_cast %mul3A_1519 : vector<16xf32> to vector<1x16xf32>
        tpu.vector_store %arg10[%swap3A_1520, %swap3A_1521], %swap3A_1524 {strides = array<i32>} : memref<200x128xf32, #tpu.memory_space<vmem>>, vector<1x16xf32>,
        %get3A_1525 = arith.index_cast %add3A_1474 : i32 to index
        %get3A_1526 = arith.constant 80 : index
        %get3A_1527 = tpu.vector_load %arg10[%get3A_1525, %get3A_1526] {strides = array<i32>} : memref<200x128xf32, #tpu.memory_space<vmem>>, vector<1x16xf32>,
        %get3A_1528 = vector.shape_cast %get3A_1527 : vector<1x16xf32> to vector<16xf32>
        %mul3A_1529 = arith.mulf %get3A_1528, %broadcast_in_dim3A_1470 : vector<16xf32>
        %swap3A_1530 = arith.index_cast %add3A_1474 : i32 to index
        %swap3A_1531 = arith.constant 80 : index
        %swap3A_1532 = tpu.vector_load %arg10[%swap3A_1530, %swap3A_1531] {strides = array<i32>} : memref<200x128xf32, #tpu.memory_space<vmem>>, vector<1x16xf32>,
        %swap3A_1533 = vector.shape_cast %swap3A_1532 : vector<1x16xf32> to vector<16xf32>
        %swap3A_1534 = vector.shape_cast %mul3A_1529 : vector<16xf32> to vector<1x16xf32>
        tpu.vector_store %arg10[%swap3A_1530, %swap3A_1531], %swap3A_1534 {strides = array<i32>} : memref<200x128xf32, #tpu.memory_space<vmem>>, vector<1x16xf32>,
        %get3A_1535 = arith.index_cast %add3A_1474 : i32 to index
        %get3A_1536 = arith.constant 96 : index
        %get3A_1537 = tpu.vector_load %arg10[%get3A_1535, %get3A_1536] {strides = array<i32>} : memref<200x128xf32, #tpu.memory_space<vmem>>, vector<1x16xf32>,
        %get3A_1538 = vector.shape_cast %get3A_1537 : vector<1x16xf32> to vector<16xf32>
        %mul3A_1539 = arith.mulf %get3A_1538, %broadcast_in_dim3A_1470 : vector<16xf32>
        %swap3A_1540 = arith.index_cast %add3A_1474 : i32 to index
        %swap3A_1541 = arith.constant 96 : index
        %swap3A_1542 = tpu.vector_load %arg10[%swap3A_1540, %swap3A_1541] {strides = array<i32>} : memref<200x128xf32, #tpu.memory_space<vmem>>, vector<1x16xf32>,
        %swap3A_1543 = vector.shape_cast %swap3A_1542 : vector<1x16xf32> to vector<16xf32>
        %swap3A_1544 = vector.shape_cast %mul3A_1539 : vector<16xf32> to vector<1x16xf32>
        tpu.vector_store %arg10[%swap3A_1540, %swap3A_1541], %swap3A_1544 {strides = array<i32>} : memref<200x128xf32, #tpu.memory_space<vmem>>, vector<1x16xf32>,
        %get3A_1545 = arith.index_cast %add3A_1474 : i32 to index
        %get3A_1546 = arith.constant 112 : index
        %get3A_1547 = tpu.vector_load %arg10[%get3A_1545, %get3A_1546] {strides = array<i32>} : memref<200x128xf32, #tpu.memory_space<vmem>>, vector<1x16xf32>,
        %get3A_1548 = vector.shape_cast %get3A_1547 : vector<1x16xf32> to vector<16xf32>
        %mul3A_1549 = arith.mulf %get3A_1548, %broadcast_in_dim3A_1470 : vector<16xf32>
        %swap3A_1550 = arith.index_cast %add3A_1474 : i32 to index
        %swap3A_1551 = arith.constant 112 : index
        %swap3A_1552 = tpu.vector_load %arg10[%swap3A_1550, %swap3A_1551] {strides = array<i32>} : memref<200x128xf32, #tpu.memory_space<vmem>>, vector<1x16xf32>,
        %swap3A_1553 = vector.shape_cast %swap3A_1552 : vector<1x16xf32> to vector<16xf32>
        %swap3A_1554 = vector.shape_cast %mul3A_1549 : vector<16xf32> to vector<1x16xf32>
        tpu.vector_store %arg10[%swap3A_1550, %swap3A_1551], %swap3A_1554 {strides = array<i32>} : memref<200x128xf32, #tpu.memory_space<vmem>>, vector<1x16xf32>,
        %slice3A_1555 = vector.extract_strided_slice %get3A_858 {offsets = [8], sizes = [1], strides = [1]} : vector<16xf32> to vector<1xf32>
        %squeeze3A_1556 = vector.extract %slice3A_1555[0] : f32 from vector<1xf32>
        %broadcast_in_dim3A_1557 = vector.broadcast %squeeze3A_1556 : f32 to vector<16xf32>
        %mul3A_1558 = arith.constant 16 : i32
        %mul3A_1559 = arith.muli %scan3A_852, %mul3A_1558 : i32
        %add3A_1560 = arith.constant 8 : i32
        %add3A_1561 = arith.addi %mul3A_1559, %add3A_1560 : i32
        %get3A_1562 = arith.index_cast %add3A_1561 : i32 to index
        %get3A_1563 = arith.constant 0 : index
        %get3A_1564 = tpu.vector_load %arg10[%get3A_1562, %get3A_1563] {strides = array<i32>} : memref<200x128xf32, #tpu.memory_space<vmem>>, vector<1x16xf32>,
        %get3A_1565 = vector.shape_cast %get3A_1564 : vector<1x16xf32> to vector<16xf32>
        %mul3A_1566 = arith.mulf %get3A_1565, %broadcast_in_dim3A_1557 : vector<16xf32>
        %swap3A_1567 = arith.index_cast %add3A_1561 : i32 to index
        %swap3A_1568 = arith.constant 0 : index
        %swap3A_1569 = tpu.vector_load %arg10[%swap3A_1567, %swap3A_1568] {strides = array<i32>} : memref<200x128xf32, #tpu.memory_space<vmem>>, vector<1x16xf32>,
        %swap3A_1570 = vector.shape_cast %swap3A_1569 : vector<1x16xf32> to vector<16xf32>
        %swap3A_1571 = vector.shape_cast %mul3A_1566 : vector<16xf32> to vector<1x16xf32>
        tpu.vector_store %arg10[%swap3A_1567, %swap3A_1568], %swap3A_1571 {strides = array<i32>} : memref<200x128xf32, #tpu.memory_space<vmem>>, vector<1x16xf32>,
        %get3A_1572 = arith.index_cast %add3A_1561 : i32 to index
        %get3A_1573 = arith.constant 16 : index
        %get3A_1574 = tpu.vector_load %arg10[%get3A_1572, %get3A_1573] {strides = array<i32>} : memref<200x128xf32, #tpu.memory_space<vmem>>, vector<1x16xf32>,
        %get3A_1575 = vector.shape_cast %get3A_1574 : vector<1x16xf32> to vector<16xf32>
        %mul3A_1576 = arith.mulf %get3A_1575, %broadcast_in_dim3A_1557 : vector<16xf32>
        %swap3A_1577 = arith.index_cast %add3A_1561 : i32 to index
        %swap3A_1578 = arith.constant 16 : index
        %swap3A_1579 = tpu.vector_load %arg10[%swap3A_1577, %swap3A_1578] {strides = array<i32>} : memref<200x128xf32, #tpu.memory_space<vmem>>, vector<1x16xf32>,
        %swap3A_1580 = vector.shape_cast %swap3A_1579 : vector<1x16xf32> to vector<16xf32>
        %swap3A_1581 = vector.shape_cast %mul3A_1576 : vector<16xf32> to vector<1x16xf32>
        tpu.vector_store %arg10[%swap3A_1577, %swap3A_1578], %swap3A_1581 {strides = array<i32>} : memref<200x128xf32, #tpu.memory_space<vmem>>, vector<1x16xf32>,
        %get3A_1582 = arith.index_cast %add3A_1561 : i32 to index
        %get3A_1583 = arith.constant 32 : index
        %get3A_1584 = tpu.vector_load %arg10[%get3A_1582, %get3A_1583] {strides = array<i32>} : memref<200x128xf32, #tpu.memory_space<vmem>>, vector<1x16xf32>,
        %get3A_1585 = vector.shape_cast %get3A_1584 : vector<1x16xf32> to vector<16xf32>
        %mul3A_1586 = arith.mulf %get3A_1585, %broadcast_in_dim3A_1557 : vector<16xf32>
        %swap3A_1587 = arith.index_cast %add3A_1561 : i32 to index
        %swap3A_1588 = arith.constant 32 : index
        %swap3A_1589 = tpu.vector_load %arg10[%swap3A_1587, %swap3A_1588] {strides = array<i32>} : memref<200x128xf32, #tpu.memory_space<vmem>>, vector<1x16xf32>,
        %swap3A_1590 = vector.shape_cast %swap3A_1589 : vector<1x16xf32> to vector<16xf32>
        %swap3A_1591 = vector.shape_cast %mul3A_1586 : vector<16xf32> to vector<1x16xf32>
        tpu.vector_store %arg10[%swap3A_1587, %swap3A_1588], %swap3A_1591 {strides = array<i32>} : memref<200x128xf32, #tpu.memory_space<vmem>>, vector<1x16xf32>,
        %get3A_1592 = arith.index_cast %add3A_1561 : i32 to index
        %get3A_1593 = arith.constant 48 : index
        %get3A_1594 = tpu.vector_load %arg10[%get3A_1592, %get3A_1593] {strides = array<i32>} : memref<200x128xf32, #tpu.memory_space<vmem>>, vector<1x16xf32>,
        %get3A_1595 = vector.shape_cast %get3A_1594 : vector<1x16xf32> to vector<16xf32>
        %mul3A_1596 = arith.mulf %get3A_1595, %broadcast_in_dim3A_1557 : vector<16xf32>
        %swap3A_1597 = arith.index_cast %add3A_1561 : i32 to index
        %swap3A_1598 = arith.constant 48 : index
        %swap3A_1599 = tpu.vector_load %arg10[%swap3A_1597, %swap3A_1598] {strides = array<i32>} : memref<200x128xf32, #tpu.memory_space<vmem>>, vector<1x16xf32>,
        %swap3A_1600 = vector.shape_cast %swap3A_1599 : vector<1x16xf32> to vector<16xf32>
        %swap3A_1601 = vector.shape_cast %mul3A_1596 : vector<16xf32> to vector<1x16xf32>
        tpu.vector_store %arg10[%swap3A_1597, %swap3A_1598], %swap3A_1601 {strides = array<i32>} : memref<200x128xf32, #tpu.memory_space<vmem>>, vector<1x16xf32>,
        %get3A_1602 = arith.index_cast %add3A_1561 : i32 to index
        %get3A_1603 = arith.constant 64 : index
        %get3A_1604 = tpu.vector_load %arg10[%get3A_1602, %get3A_1603] {strides = array<i32>} : memref<200x128xf32, #tpu.memory_space<vmem>>, vector<1x16xf32>,
        %get3A_1605 = vector.shape_cast %get3A_1604 : vector<1x16xf32> to vector<16xf32>
        %mul3A_1606 = arith.mulf %get3A_1605, %broadcast_in_dim3A_1557 : vector<16xf32>
        %swap3A_1607 = arith.index_cast %add3A_1561 : i32 to index
        %swap3A_1608 = arith.constant 64 : index
        %swap3A_1609 = tpu.vector_load %arg10[%swap3A_1607, %swap3A_1608] {strides = array<i32>} : memref<200x128xf32, #tpu.memory_space<vmem>>, vector<1x16xf32>,
        %swap3A_1610 = vector.shape_cast %swap3A_1609 : vector<1x16xf32> to vector<16xf32>
        %swap3A_1611 = vector.shape_cast %mul3A_1606 : vector<16xf32> to vector<1x16xf32>
        tpu.vector_store %arg10[%swap3A_1607, %swap3A_1608], %swap3A_1611 {strides = array<i32>} : memref<200x128xf32, #tpu.memory_space<vmem>>, vector<1x16xf32>,
        %get3A_1612 = arith.index_cast %add3A_1561 : i32 to index
        %get3A_1613 = arith.constant 80 : index
        %get3A_1614 = tpu.vector_load %arg10[%get3A_1612, %get3A_1613] {strides = array<i32>} : memref<200x128xf32, #tpu.memory_space<vmem>>, vector<1x16xf32>,
        %get3A_1615 = vector.shape_cast %get3A_1614 : vector<1x16xf32> to vector<16xf32>
        %mul3A_1616 = arith.mulf %get3A_1615, %broadcast_in_dim3A_1557 : vector<16xf32>
        %swap3A_1617 = arith.index_cast %add3A_1561 : i32 to index
        %swap3A_1618 = arith.constant 80 : index
        %swap3A_1619 = tpu.vector_load %arg10[%swap3A_1617, %swap3A_1618] {strides = array<i32>} : memref<200x128xf32, #tpu.memory_space<vmem>>, vector<1x16xf32>,
        %swap3A_1620 = vector.shape_cast %swap3A_1619 : vector<1x16xf32> to vector<16xf32>
        %swap3A_1621 = vector.shape_cast %mul3A_1616 : vector<16xf32> to vector<1x16xf32>
        tpu.vector_store %arg10[%swap3A_1617, %swap3A_1618], %swap3A_1621 {strides = array<i32>} : memref<200x128xf32, #tpu.memory_space<vmem>>, vector<1x16xf32>,
        %get3A_1622 = arith.index_cast %add3A_1561 : i32 to index
        %get3A_1623 = arith.constant 96 : index
        %get3A_1624 = tpu.vector_load %arg10[%get3A_1622, %get3A_1623] {strides = array<i32>} : memref<200x128xf32, #tpu.memory_space<vmem>>, vector<1x16xf32>,
        %get3A_1625 = vector.shape_cast %get3A_1624 : vector<1x16xf32> to vector<16xf32>
        %mul3A_1626 = arith.mulf %get3A_1625, %broadcast_in_dim3A_1557 : vector<16xf32>
        %swap3A_1627 = arith.index_cast %add3A_1561 : i32 to index
        %swap3A_1628 = arith.constant 96 : index
        %swap3A_1629 = tpu.vector_load %arg10[%swap3A_1627, %swap3A_1628] {strides = array<i32>} : memref<200x128xf32, #tpu.memory_space<vmem>>, vector<1x16xf32>,
        %swap3A_1630 = vector.shape_cast %swap3A_1629 : vector<1x16xf32> to vector<16xf32>
        %swap3A_1631 = vector.shape_cast %mul3A_1626 : vector<16xf32> to vector<1x16xf32>
        tpu.vector_store %arg10[%swap3A_1627, %swap3A_1628], %swap3A_1631 {strides = array<i32>} : memref<200x128xf32, #tpu.memory_space<vmem>>, vector<1x16xf32>,
        %get3A_1632 = arith.index_cast %add3A_1561 : i32 to index
        %get3A_1633 = arith.constant 112 : index
        %get3A_1634 = tpu.vector_load %arg10[%get3A_1632, %get3A_1633] {strides = array<i32>} : memref<200x128xf32, #tpu.memory_space<vmem>>, vector<1x16xf32>,
        %get3A_1635 = vector.shape_cast %get3A_1634 : vector<1x16xf32> to vector<16xf32>
        %mul3A_1636 = arith.mulf %get3A_1635, %broadcast_in_dim3A_1557 : vector<16xf32>
        %swap3A_1637 = arith.index_cast %add3A_1561 : i32 to index
        %swap3A_1638 = arith.constant 112 : index
        %swap3A_1639 = tpu.vector_load %arg10[%swap3A_1637, %swap3A_1638] {strides = array<i32>} : memref<200x128xf32, #tpu.memory_space<vmem>>, vector<1x16xf32>,
        %swap3A_1640 = vector.shape_cast %swap3A_1639 : vector<1x16xf32> to vector<16xf32>
        %swap3A_1641 = vector.shape_cast %mul3A_1636 : vector<16xf32> to vector<1x16xf32>
        tpu.vector_store %arg10[%swap3A_1637, %swap3A_1638], %swap3A_1641 {strides = array<i32>} : memref<200x128xf32, #tpu.memory_space<vmem>>, vector<1x16xf32>,
        %slice3A_1642 = vector.extract_strided_slice %get3A_858 {offsets = [9], sizes = [1], strides = [1]} : vector<16xf32> to vector<1xf32>
        %squeeze3A_1643 = vector.extract %slice3A_1642[0] : f32 from vector<1xf32>
        %broadcast_in_dim3A_1644 = vector.broadcast %squeeze3A_1643 : f32 to vector<16xf32>
        %mul3A_1645 = arith.constant 16 : i32
        %mul3A_1646 = arith.muli %scan3A_852, %mul3A_1645 : i32
        %add3A_1647 = arith.constant 9 : i32
        %add3A_1648 = arith.addi %mul3A_1646, %add3A_1647 : i32
        %get3A_1649 = arith.index_cast %add3A_1648 : i32 to index
        %get3A_1650 = arith.constant 0 : index
        %get3A_1651 = tpu.vector_load %arg10[%get3A_1649, %get3A_1650] {strides = array<i32>} : memref<200x128xf32, #tpu.memory_space<vmem>>, vector<1x16xf32>,
        %get3A_1652 = vector.shape_cast %get3A_1651 : vector<1x16xf32> to vector<16xf32>
        %mul3A_1653 = arith.mulf %get3A_1652, %broadcast_in_dim3A_1644 : vector<16xf32>
        %swap3A_1654 = arith.index_cast %add3A_1648 : i32 to index
        %swap3A_1655 = arith.constant 0 : index
        %swap3A_1656 = tpu.vector_load %arg10[%swap3A_1654, %swap3A_1655] {strides = array<i32>} : memref<200x128xf32, #tpu.memory_space<vmem>>, vector<1x16xf32>,
        %swap3A_1657 = vector.shape_cast %swap3A_1656 : vector<1x16xf32> to vector<16xf32>
        %swap3A_1658 = vector.shape_cast %mul3A_1653 : vector<16xf32> to vector<1x16xf32>
        tpu.vector_store %arg10[%swap3A_1654, %swap3A_1655], %swap3A_1658 {strides = array<i32>} : memref<200x128xf32, #tpu.memory_space<vmem>>, vector<1x16xf32>,
        %get3A_1659 = arith.index_cast %add3A_1648 : i32 to index
        %get3A_1660 = arith.constant 16 : index
        %get3A_1661 = tpu.vector_load %arg10[%get3A_1659, %get3A_1660] {strides = array<i32>} : memref<200x128xf32, #tpu.memory_space<vmem>>, vector<1x16xf32>,
        %get3A_1662 = vector.shape_cast %get3A_1661 : vector<1x16xf32> to vector<16xf32>
        %mul3A_1663 = arith.mulf %get3A_1662, %broadcast_in_dim3A_1644 : vector<16xf32>
        %swap3A_1664 = arith.index_cast %add3A_1648 : i32 to index
        %swap3A_1665 = arith.constant 16 : index
        %swap3A_1666 = tpu.vector_load %arg10[%swap3A_1664, %swap3A_1665] {strides = array<i32>} : memref<200x128xf32, #tpu.memory_space<vmem>>, vector<1x16xf32>,
        %swap3A_1667 = vector.shape_cast %swap3A_1666 : vector<1x16xf32> to vector<16xf32>
        %swap3A_1668 = vector.shape_cast %mul3A_1663 : vector<16xf32> to vector<1x16xf32>
        tpu.vector_store %arg10[%swap3A_1664, %swap3A_1665], %swap3A_1668 {strides = array<i32>} : memref<200x128xf32, #tpu.memory_space<vmem>>, vector<1x16xf32>,
        %get3A_1669 = arith.index_cast %add3A_1648 : i32 to index
        %get3A_1670 = arith.constant 32 : index
        %get3A_1671 = tpu.vector_load %arg10[%get3A_1669, %get3A_1670] {strides = array<i32>} : memref<200x128xf32, #tpu.memory_space<vmem>>, vector<1x16xf32>,
        %get3A_1672 = vector.shape_cast %get3A_1671 : vector<1x16xf32> to vector<16xf32>
        %mul3A_1673 = arith.mulf %get3A_1672, %broadcast_in_dim3A_1644 : vector<16xf32>
        %swap3A_1674 = arith.index_cast %add3A_1648 : i32 to index
        %swap3A_1675 = arith.constant 32 : index
        %swap3A_1676 = tpu.vector_load %arg10[%swap3A_1674, %swap3A_1675] {strides = array<i32>} : memref<200x128xf32, #tpu.memory_space<vmem>>, vector<1x16xf32>,
        %swap3A_1677 = vector.shape_cast %swap3A_1676 : vector<1x16xf32> to vector<16xf32>
        %swap3A_1678 = vector.shape_cast %mul3A_1673 : vector<16xf32> to vector<1x16xf32>
        tpu.vector_store %arg10[%swap3A_1674, %swap3A_1675], %swap3A_1678 {strides = array<i32>} : memref<200x128xf32, #tpu.memory_space<vmem>>, vector<1x16xf32>,
        %get3A_1679 = arith.index_cast %add3A_1648 : i32 to index
        %get3A_1680 = arith.constant 48 : index
        %get3A_1681 = tpu.vector_load %arg10[%get3A_1679, %get3A_1680] {strides = array<i32>} : memref<200x128xf32, #tpu.memory_space<vmem>>, vector<1x16xf32>,
        %get3A_1682 = vector.shape_cast %get3A_1681 : vector<1x16xf32> to vector<16xf32>
        %mul3A_1683 = arith.mulf %get3A_1682, %broadcast_in_dim3A_1644 : vector<16xf32>
        %swap3A_1684 = arith.index_cast %add3A_1648 : i32 to index
        %swap3A_1685 = arith.constant 48 : index
        %swap3A_1686 = tpu.vector_load %arg10[%swap3A_1684, %swap3A_1685] {strides = array<i32>} : memref<200x128xf32, #tpu.memory_space<vmem>>, vector<1x16xf32>,
        %swap3A_1687 = vector.shape_cast %swap3A_1686 : vector<1x16xf32> to vector<16xf32>
        %swap3A_1688 = vector.shape_cast %mul3A_1683 : vector<16xf32> to vector<1x16xf32>
        tpu.vector_store %arg10[%swap3A_1684, %swap3A_1685], %swap3A_1688 {strides = array<i32>} : memref<200x128xf32, #tpu.memory_space<vmem>>, vector<1x16xf32>,
        %get3A_1689 = arith.index_cast %add3A_1648 : i32 to index
        %get3A_1690 = arith.constant 64 : index
        %get3A_1691 = tpu.vector_load %arg10[%get3A_1689, %get3A_1690] {strides = array<i32>} : memref<200x128xf32, #tpu.memory_space<vmem>>, vector<1x16xf32>,
        %get3A_1692 = vector.shape_cast %get3A_1691 : vector<1x16xf32> to vector<16xf32>
        %mul3A_1693 = arith.mulf %get3A_1692, %broadcast_in_dim3A_1644 : vector<16xf32>
        %swap3A_1694 = arith.index_cast %add3A_1648 : i32 to index
        %swap3A_1695 = arith.constant 64 : index
        %swap3A_1696 = tpu.vector_load %arg10[%swap3A_1694, %swap3A_1695] {strides = array<i32>} : memref<200x128xf32, #tpu.memory_space<vmem>>, vector<1x16xf32>,
        %swap3A_1697 = vector.shape_cast %swap3A_1696 : vector<1x16xf32> to vector<16xf32>
        %swap3A_1698 = vector.shape_cast %mul3A_1693 : vector<16xf32> to vector<1x16xf32>
        tpu.vector_store %arg10[%swap3A_1694, %swap3A_1695], %swap3A_1698 {strides = array<i32>} : memref<200x128xf32, #tpu.memory_space<vmem>>, vector<1x16xf32>,
        %get3A_1699 = arith.index_cast %add3A_1648 : i32 to index
        %get3A_1700 = arith.constant 80 : index
        %get3A_1701 = tpu.vector_load %arg10[%get3A_1699, %get3A_1700] {strides = array<i32>} : memref<200x128xf32, #tpu.memory_space<vmem>>, vector<1x16xf32>,
        %get3A_1702 = vector.shape_cast %get3A_1701 : vector<1x16xf32> to vector<16xf32>
        %mul3A_1703 = arith.mulf %get3A_1702, %broadcast_in_dim3A_1644 : vector<16xf32>
        %swap3A_1704 = arith.index_cast %add3A_1648 : i32 to index
        %swap3A_1705 = arith.constant 80 : index
        %swap3A_1706 = tpu.vector_load %arg10[%swap3A_1704, %swap3A_1705] {strides = array<i32>} : memref<200x128xf32, #tpu.memory_space<vmem>>, vector<1x16xf32>,
        %swap3A_1707 = vector.shape_cast %swap3A_1706 : vector<1x16xf32> to vector<16xf32>
        %swap3A_1708 = vector.shape_cast %mul3A_1703 : vector<16xf32> to vector<1x16xf32>
        tpu.vector_store %arg10[%swap3A_1704, %swap3A_1705], %swap3A_1708 {strides = array<i32>} : memref<200x128xf32, #tpu.memory_space<vmem>>, vector<1x16xf32>,
        %get3A_1709 = arith.index_cast %add3A_1648 : i32 to index
        %get3A_1710 = arith.constant 96 : index
        %get3A_1711 = tpu.vector_load %arg10[%get3A_1709, %get3A_1710] {strides = array<i32>} : memref<200x128xf32, #tpu.memory_space<vmem>>, vector<1x16xf32>,
        %get3A_1712 = vector.shape_cast %get3A_1711 : vector<1x16xf32> to vector<16xf32>
        %mul3A_1713 = arith.mulf %get3A_1712, %broadcast_in_dim3A_1644 : vector<16xf32>
        %swap3A_1714 = arith.index_cast %add3A_1648 : i32 to index
        %swap3A_1715 = arith.constant 96 : index
        %swap3A_1716 = tpu.vector_load %arg10[%swap3A_1714, %swap3A_1715] {strides = array<i32>} : memref<200x128xf32, #tpu.memory_space<vmem>>, vector<1x16xf32>,
        %swap3A_1717 = vector.shape_cast %swap3A_1716 : vector<1x16xf32> to vector<16xf32>
        %swap3A_1718 = vector.shape_cast %mul3A_1713 : vector<16xf32> to vector<1x16xf32>
        tpu.vector_store %arg10[%swap3A_1714, %swap3A_1715], %swap3A_1718 {strides = array<i32>} : memref<200x128xf32, #tpu.memory_space<vmem>>, vector<1x16xf32>,
        %get3A_1719 = arith.index_cast %add3A_1648 : i32 to index
        %get3A_1720 = arith.constant 112 : index
        %get3A_1721 = tpu.vector_load %arg10[%get3A_1719, %get3A_1720] {strides = array<i32>} : memref<200x128xf32, #tpu.memory_space<vmem>>, vector<1x16xf32>,
        %get3A_1722 = vector.shape_cast %get3A_1721 : vector<1x16xf32> to vector<16xf32>
        %mul3A_1723 = arith.mulf %get3A_1722, %broadcast_in_dim3A_1644 : vector<16xf32>
        %swap3A_1724 = arith.index_cast %add3A_1648 : i32 to index
        %swap3A_1725 = arith.constant 112 : index
        %swap3A_1726 = tpu.vector_load %arg10[%swap3A_1724, %swap3A_1725] {strides = array<i32>} : memref<200x128xf32, #tpu.memory_space<vmem>>, vector<1x16xf32>,
        %swap3A_1727 = vector.shape_cast %swap3A_1726 : vector<1x16xf32> to vector<16xf32>
        %swap3A_1728 = vector.shape_cast %mul3A_1723 : vector<16xf32> to vector<1x16xf32>
        tpu.vector_store %arg10[%swap3A_1724, %swap3A_1725], %swap3A_1728 {strides = array<i32>} : memref<200x128xf32, #tpu.memory_space<vmem>>, vector<1x16xf32>,
        %slice3A_1729 = vector.extract_strided_slice %get3A_858 {offsets = [10], sizes = [1], strides = [1]} : vector<16xf32> to vector<1xf32>
        %squeeze3A_1730 = vector.extract %slice3A_1729[0] : f32 from vector<1xf32>
        %broadcast_in_dim3A_1731 = vector.broadcast %squeeze3A_1730 : f32 to vector<16xf32>
        %mul3A_1732 = arith.constant 16 : i32
        %mul3A_1733 = arith.muli %scan3A_852, %mul3A_1732 : i32
        %add3A_1734 = arith.constant 10 : i32
        %add3A_1735 = arith.addi %mul3A_1733, %add3A_1734 : i32
        %get3A_1736 = arith.index_cast %add3A_1735 : i32 to index
        %get3A_1737 = arith.constant 0 : index
        %get3A_1738 = tpu.vector_load %arg10[%get3A_1736, %get3A_1737] {strides = array<i32>} : memref<200x128xf32, #tpu.memory_space<vmem>>, vector<1x16xf32>,
        %get3A_1739 = vector.shape_cast %get3A_1738 : vector<1x16xf32> to vector<16xf32>
        %mul3A_1740 = arith.mulf %get3A_1739, %broadcast_in_dim3A_1731 : vector<16xf32>
        %swap3A_1741 = arith.index_cast %add3A_1735 : i32 to index
        %swap3A_1742 = arith.constant 0 : index
        %swap3A_1743 = tpu.vector_load %arg10[%swap3A_1741, %swap3A_1742] {strides = array<i32>} : memref<200x128xf32, #tpu.memory_space<vmem>>, vector<1x16xf32>,
        %swap3A_1744 = vector.shape_cast %swap3A_1743 : vector<1x16xf32> to vector<16xf32>
        %swap3A_1745 = vector.shape_cast %mul3A_1740 : vector<16xf32> to vector<1x16xf32>
        tpu.vector_store %arg10[%swap3A_1741, %swap3A_1742], %swap3A_1745 {strides = array<i32>} : memref<200x128xf32, #tpu.memory_space<vmem>>, vector<1x16xf32>,
        %get3A_1746 = arith.index_cast %add3A_1735 : i32 to index
        %get3A_1747 = arith.constant 16 : index
        %get3A_1748 = tpu.vector_load %arg10[%get3A_1746, %get3A_1747] {strides = array<i32>} : memref<200x128xf32, #tpu.memory_space<vmem>>, vector<1x16xf32>,
        %get3A_1749 = vector.shape_cast %get3A_1748 : vector<1x16xf32> to vector<16xf32>
        %mul3A_1750 = arith.mulf %get3A_1749, %broadcast_in_dim3A_1731 : vector<16xf32>
        %swap3A_1751 = arith.index_cast %add3A_1735 : i32 to index
        %swap3A_1752 = arith.constant 16 : index
        %swap3A_1753 = tpu.vector_load %arg10[%swap3A_1751, %swap3A_1752] {strides = array<i32>} : memref<200x128xf32, #tpu.memory_space<vmem>>, vector<1x16xf32>,
        %swap3A_1754 = vector.shape_cast %swap3A_1753 : vector<1x16xf32> to vector<16xf32>
        %swap3A_1755 = vector.shape_cast %mul3A_1750 : vector<16xf32> to vector<1x16xf32>
        tpu.vector_store %arg10[%swap3A_1751, %swap3A_1752], %swap3A_1755 {strides = array<i32>} : memref<200x128xf32, #tpu.memory_space<vmem>>, vector<1x16xf32>,
        %get3A_1756 = arith.index_cast %add3A_1735 : i32 to index
        %get3A_1757 = arith.constant 32 : index
        %get3A_1758 = tpu.vector_load %arg10[%get3A_1756, %get3A_1757] {strides = array<i32>} : memref<200x128xf32, #tpu.memory_space<vmem>>, vector<1x16xf32>,
        %get3A_1759 = vector.shape_cast %get3A_1758 : vector<1x16xf32> to vector<16xf32>
        %mul3A_1760 = arith.mulf %get3A_1759, %broadcast_in_dim3A_1731 : vector<16xf32>
        %swap3A_1761 = arith.index_cast %add3A_1735 : i32 to index
        %swap3A_1762 = arith.constant 32 : index
        %swap3A_1763 = tpu.vector_load %arg10[%swap3A_1761, %swap3A_1762] {strides = array<i32>} : memref<200x128xf32, #tpu.memory_space<vmem>>, vector<1x16xf32>,
        %swap3A_1764 = vector.shape_cast %swap3A_1763 : vector<1x16xf32> to vector<16xf32>
        %swap3A_1765 = vector.shape_cast %mul3A_1760 : vector<16xf32> to vector<1x16xf32>
        tpu.vector_store %arg10[%swap3A_1761, %swap3A_1762], %swap3A_1765 {strides = array<i32>} : memref<200x128xf32, #tpu.memory_space<vmem>>, vector<1x16xf32>,
        %get3A_1766 = arith.index_cast %add3A_1735 : i32 to index
        %get3A_1767 = arith.constant 48 : index
        %get3A_1768 = tpu.vector_load %arg10[%get3A_1766, %get3A_1767] {strides = array<i32>} : memref<200x128xf32, #tpu.memory_space<vmem>>, vector<1x16xf32>,
        %get3A_1769 = vector.shape_cast %get3A_1768 : vector<1x16xf32> to vector<16xf32>
        %mul3A_1770 = arith.mulf %get3A_1769, %broadcast_in_dim3A_1731 : vector<16xf32>
        %swap3A_1771 = arith.index_cast %add3A_1735 : i32 to index
        %swap3A_1772 = arith.constant 48 : index
        %swap3A_1773 = tpu.vector_load %arg10[%swap3A_1771, %swap3A_1772] {strides = array<i32>} : memref<200x128xf32, #tpu.memory_space<vmem>>, vector<1x16xf32>,
        %swap3A_1774 = vector.shape_cast %swap3A_1773 : vector<1x16xf32> to vector<16xf32>
        %swap3A_1775 = vector.shape_cast %mul3A_1770 : vector<16xf32> to vector<1x16xf32>
        tpu.vector_store %arg10[%swap3A_1771, %swap3A_1772], %swap3A_1775 {strides = array<i32>} : memref<200x128xf32, #tpu.memory_space<vmem>>, vector<1x16xf32>,
        %get3A_1776 = arith.index_cast %add3A_1735 : i32 to index
        %get3A_1777 = arith.constant 64 : index
        %get3A_1778 = tpu.vector_load %arg10[%get3A_1776, %get3A_1777] {strides = array<i32>} : memref<200x128xf32, #tpu.memory_space<vmem>>, vector<1x16xf32>,
        %get3A_1779 = vector.shape_cast %get3A_1778 : vector<1x16xf32> to vector<16xf32>
        %mul3A_1780 = arith.mulf %get3A_1779, %broadcast_in_dim3A_1731 : vector<16xf32>
        %swap3A_1781 = arith.index_cast %add3A_1735 : i32 to index
        %swap3A_1782 = arith.constant 64 : index
        %swap3A_1783 = tpu.vector_load %arg10[%swap3A_1781, %swap3A_1782] {strides = array<i32>} : memref<200x128xf32, #tpu.memory_space<vmem>>, vector<1x16xf32>,
        %swap3A_1784 = vector.shape_cast %swap3A_1783 : vector<1x16xf32> to vector<16xf32>
        %swap3A_1785 = vector.shape_cast %mul3A_1780 : vector<16xf32> to vector<1x16xf32>
        tpu.vector_store %arg10[%swap3A_1781, %swap3A_1782], %swap3A_1785 {strides = array<i32>} : memref<200x128xf32, #tpu.memory_space<vmem>>, vector<1x16xf32>,
        %get3A_1786 = arith.index_cast %add3A_1735 : i32 to index
        %get3A_1787 = arith.constant 80 : index
        %get3A_1788 = tpu.vector_load %arg10[%get3A_1786, %get3A_1787] {strides = array<i32>} : memref<200x128xf32, #tpu.memory_space<vmem>>, vector<1x16xf32>,
        %get3A_1789 = vector.shape_cast %get3A_1788 : vector<1x16xf32> to vector<16xf32>
        %mul3A_1790 = arith.mulf %get3A_1789, %broadcast_in_dim3A_1731 : vector<16xf32>
        %swap3A_1791 = arith.index_cast %add3A_1735 : i32 to index
        %swap3A_1792 = arith.constant 80 : index
        %swap3A_1793 = tpu.vector_load %arg10[%swap3A_1791, %swap3A_1792] {strides = array<i32>} : memref<200x128xf32, #tpu.memory_space<vmem>>, vector<1x16xf32>,
        %swap3A_1794 = vector.shape_cast %swap3A_1793 : vector<1x16xf32> to vector<16xf32>
        %swap3A_1795 = vector.shape_cast %mul3A_1790 : vector<16xf32> to vector<1x16xf32>
        tpu.vector_store %arg10[%swap3A_1791, %swap3A_1792], %swap3A_1795 {strides = array<i32>} : memref<200x128xf32, #tpu.memory_space<vmem>>, vector<1x16xf32>,
        %get3A_1796 = arith.index_cast %add3A_1735 : i32 to index
        %get3A_1797 = arith.constant 96 : index
        %get3A_1798 = tpu.vector_load %arg10[%get3A_1796, %get3A_1797] {strides = array<i32>} : memref<200x128xf32, #tpu.memory_space<vmem>>, vector<1x16xf32>,
        %get3A_1799 = vector.shape_cast %get3A_1798 : vector<1x16xf32> to vector<16xf32>
        %mul3A_1800 = arith.mulf %get3A_1799, %broadcast_in_dim3A_1731 : vector<16xf32>
        %swap3A_1801 = arith.index_cast %add3A_1735 : i32 to index
        %swap3A_1802 = arith.constant 96 : index
        %swap3A_1803 = tpu.vector_load %arg10[%swap3A_1801, %swap3A_1802] {strides = array<i32>} : memref<200x128xf32, #tpu.memory_space<vmem>>, vector<1x16xf32>,
        %swap3A_1804 = vector.shape_cast %swap3A_1803 : vector<1x16xf32> to vector<16xf32>
        %swap3A_1805 = vector.shape_cast %mul3A_1800 : vector<16xf32> to vector<1x16xf32>
        tpu.vector_store %arg10[%swap3A_1801, %swap3A_1802], %swap3A_1805 {strides = array<i32>} : memref<200x128xf32, #tpu.memory_space<vmem>>, vector<1x16xf32>,
        %get3A_1806 = arith.index_cast %add3A_1735 : i32 to index
        %get3A_1807 = arith.constant 112 : index
        %get3A_1808 = tpu.vector_load %arg10[%get3A_1806, %get3A_1807] {strides = array<i32>} : memref<200x128xf32, #tpu.memory_space<vmem>>, vector<1x16xf32>,
        %get3A_1809 = vector.shape_cast %get3A_1808 : vector<1x16xf32> to vector<16xf32>
        %mul3A_1810 = arith.mulf %get3A_1809, %broadcast_in_dim3A_1731 : vector<16xf32>
        %swap3A_1811 = arith.index_cast %add3A_1735 : i32 to index
        %swap3A_1812 = arith.constant 112 : index
        %swap3A_1813 = tpu.vector_load %arg10[%swap3A_1811, %swap3A_1812] {strides = array<i32>} : memref<200x128xf32, #tpu.memory_space<vmem>>, vector<1x16xf32>,
        %swap3A_1814 = vector.shape_cast %swap3A_1813 : vector<1x16xf32> to vector<16xf32>
        %swap3A_1815 = vector.shape_cast %mul3A_1810 : vector<16xf32> to vector<1x16xf32>
        tpu.vector_store %arg10[%swap3A_1811, %swap3A_1812], %swap3A_1815 {strides = array<i32>} : memref<200x128xf32, #tpu.memory_space<vmem>>, vector<1x16xf32>,
        %slice3A_1816 = vector.extract_strided_slice %get3A_858 {offsets = [11], sizes = [1], strides = [1]} : vector<16xf32> to vector<1xf32>
        %squeeze3A_1817 = vector.extract %slice3A_1816[0] : f32 from vector<1xf32>
        %broadcast_in_dim3A_1818 = vector.broadcast %squeeze3A_1817 : f32 to vector<16xf32>
        %mul3A_1819 = arith.constant 16 : i32
        %mul3A_1820 = arith.muli %scan3A_852, %mul3A_1819 : i32
        %add3A_1821 = arith.constant 11 : i32
        %add3A_1822 = arith.addi %mul3A_1820, %add3A_1821 : i32
        %get3A_1823 = arith.index_cast %add3A_1822 : i32 to index
        %get3A_1824 = arith.constant 0 : index
        %get3A_1825 = tpu.vector_load %arg10[%get3A_1823, %get3A_1824] {strides = array<i32>} : memref<200x128xf32, #tpu.memory_space<vmem>>, vector<1x16xf32>,
        %get3A_1826 = vector.shape_cast %get3A_1825 : vector<1x16xf32> to vector<16xf32>
        %mul3A_1827 = arith.mulf %get3A_1826, %broadcast_in_dim3A_1818 : vector<16xf32>
        %swap3A_1828 = arith.index_cast %add3A_1822 : i32 to index
        %swap3A_1829 = arith.constant 0 : index
        %swap3A_1830 = tpu.vector_load %arg10[%swap3A_1828, %swap3A_1829] {strides = array<i32>} : memref<200x128xf32, #tpu.memory_space<vmem>>, vector<1x16xf32>,
        %swap3A_1831 = vector.shape_cast %swap3A_1830 : vector<1x16xf32> to vector<16xf32>
        %swap3A_1832 = vector.shape_cast %mul3A_1827 : vector<16xf32> to vector<1x16xf32>
        tpu.vector_store %arg10[%swap3A_1828, %swap3A_1829], %swap3A_1832 {strides = array<i32>} : memref<200x128xf32, #tpu.memory_space<vmem>>, vector<1x16xf32>,
        %get3A_1833 = arith.index_cast %add3A_1822 : i32 to index
        %get3A_1834 = arith.constant 16 : index
        %get3A_1835 = tpu.vector_load %arg10[%get3A_1833, %get3A_1834] {strides = array<i32>} : memref<200x128xf32, #tpu.memory_space<vmem>>, vector<1x16xf32>,
        %get3A_1836 = vector.shape_cast %get3A_1835 : vector<1x16xf32> to vector<16xf32>
        %mul3A_1837 = arith.mulf %get3A_1836, %broadcast_in_dim3A_1818 : vector<16xf32>
        %swap3A_1838 = arith.index_cast %add3A_1822 : i32 to index
        %swap3A_1839 = arith.constant 16 : index
        %swap3A_1840 = tpu.vector_load %arg10[%swap3A_1838, %swap3A_1839] {strides = array<i32>} : memref<200x128xf32, #tpu.memory_space<vmem>>, vector<1x16xf32>,
        %swap3A_1841 = vector.shape_cast %swap3A_1840 : vector<1x16xf32> to vector<16xf32>
        %swap3A_1842 = vector.shape_cast %mul3A_1837 : vector<16xf32> to vector<1x16xf32>
        tpu.vector_store %arg10[%swap3A_1838, %swap3A_1839], %swap3A_1842 {strides = array<i32>} : memref<200x128xf32, #tpu.memory_space<vmem>>, vector<1x16xf32>,
        %get3A_1843 = arith.index_cast %add3A_1822 : i32 to index
        %get3A_1844 = arith.constant 32 : index
        %get3A_1845 = tpu.vector_load %arg10[%get3A_1843, %get3A_1844] {strides = array<i32>} : memref<200x128xf32, #tpu.memory_space<vmem>>, vector<1x16xf32>,
        %get3A_1846 = vector.shape_cast %get3A_1845 : vector<1x16xf32> to vector<16xf32>
        %mul3A_1847 = arith.mulf %get3A_1846, %broadcast_in_dim3A_1818 : vector<16xf32>
        %swap3A_1848 = arith.index_cast %add3A_1822 : i32 to index
        %swap3A_1849 = arith.constant 32 : index
        %swap3A_1850 = tpu.vector_load %arg10[%swap3A_1848, %swap3A_1849] {strides = array<i32>} : memref<200x128xf32, #tpu.memory_space<vmem>>, vector<1x16xf32>,
        %swap3A_1851 = vector.shape_cast %swap3A_1850 : vector<1x16xf32> to vector<16xf32>
        %swap3A_1852 = vector.shape_cast %mul3A_1847 : vector<16xf32> to vector<1x16xf32>
        tpu.vector_store %arg10[%swap3A_1848, %swap3A_1849], %swap3A_1852 {strides = array<i32>} : memref<200x128xf32, #tpu.memory_space<vmem>>, vector<1x16xf32>,
        %get3A_1853 = arith.index_cast %add3A_1822 : i32 to index
        %get3A_1854 = arith.constant 48 : index
        %get3A_1855 = tpu.vector_load %arg10[%get3A_1853, %get3A_1854] {strides = array<i32>} : memref<200x128xf32, #tpu.memory_space<vmem>>, vector<1x16xf32>,
        %get3A_1856 = vector.shape_cast %get3A_1855 : vector<1x16xf32> to vector<16xf32>
        %mul3A_1857 = arith.mulf %get3A_1856, %broadcast_in_dim3A_1818 : vector<16xf32>
        %swap3A_1858 = arith.index_cast %add3A_1822 : i32 to index
        %swap3A_1859 = arith.constant 48 : index
        %swap3A_1860 = tpu.vector_load %arg10[%swap3A_1858, %swap3A_1859] {strides = array<i32>} : memref<200x128xf32, #tpu.memory_space<vmem>>, vector<1x16xf32>,
        %swap3A_1861 = vector.shape_cast %swap3A_1860 : vector<1x16xf32> to vector<16xf32>
        %swap3A_1862 = vector.shape_cast %mul3A_1857 : vector<16xf32> to vector<1x16xf32>
        tpu.vector_store %arg10[%swap3A_1858, %swap3A_1859], %swap3A_1862 {strides = array<i32>} : memref<200x128xf32, #tpu.memory_space<vmem>>, vector<1x16xf32>,
        %get3A_1863 = arith.index_cast %add3A_1822 : i32 to index
        %get3A_1864 = arith.constant 64 : index
        %get3A_1865 = tpu.vector_load %arg10[%get3A_1863, %get3A_1864] {strides = array<i32>} : memref<200x128xf32, #tpu.memory_space<vmem>>, vector<1x16xf32>,
        %get3A_1866 = vector.shape_cast %get3A_1865 : vector<1x16xf32> to vector<16xf32>
        %mul3A_1867 = arith.mulf %get3A_1866, %broadcast_in_dim3A_1818 : vector<16xf32>
        %swap3A_1868 = arith.index_cast %add3A_1822 : i32 to index
        %swap3A_1869 = arith.constant 64 : index
        %swap3A_1870 = tpu.vector_load %arg10[%swap3A_1868, %swap3A_1869] {strides = array<i32>} : memref<200x128xf32, #tpu.memory_space<vmem>>, vector<1x16xf32>,
        %swap3A_1871 = vector.shape_cast %swap3A_1870 : vector<1x16xf32> to vector<16xf32>
        %swap3A_1872 = vector.shape_cast %mul3A_1867 : vector<16xf32> to vector<1x16xf32>
        tpu.vector_store %arg10[%swap3A_1868, %swap3A_1869], %swap3A_1872 {strides = array<i32>} : memref<200x128xf32, #tpu.memory_space<vmem>>, vector<1x16xf32>,
        %get3A_1873 = arith.index_cast %add3A_1822 : i32 to index
        %get3A_1874 = arith.constant 80 : index
        %get3A_1875 = tpu.vector_load %arg10[%get3A_1873, %get3A_1874] {strides = array<i32>} : memref<200x128xf32, #tpu.memory_space<vmem>>, vector<1x16xf32>,
        %get3A_1876 = vector.shape_cast %get3A_1875 : vector<1x16xf32> to vector<16xf32>
        %mul3A_1877 = arith.mulf %get3A_1876, %broadcast_in_dim3A_1818 : vector<16xf32>
        %swap3A_1878 = arith.index_cast %add3A_1822 : i32 to index
        %swap3A_1879 = arith.constant 80 : index
        %swap3A_1880 = tpu.vector_load %arg10[%swap3A_1878, %swap3A_1879] {strides = array<i32>} : memref<200x128xf32, #tpu.memory_space<vmem>>, vector<1x16xf32>,
        %swap3A_1881 = vector.shape_cast %swap3A_1880 : vector<1x16xf32> to vector<16xf32>
        %swap3A_1882 = vector.shape_cast %mul3A_1877 : vector<16xf32> to vector<1x16xf32>
        tpu.vector_store %arg10[%swap3A_1878, %swap3A_1879], %swap3A_1882 {strides = array<i32>} : memref<200x128xf32, #tpu.memory_space<vmem>>, vector<1x16xf32>,
        %get3A_1883 = arith.index_cast %add3A_1822 : i32 to index
        %get3A_1884 = arith.constant 96 : index
        %get3A_1885 = tpu.vector_load %arg10[%get3A_1883, %get3A_1884] {strides = array<i32>} : memref<200x128xf32, #tpu.memory_space<vmem>>, vector<1x16xf32>,
        %get3A_1886 = vector.shape_cast %get3A_1885 : vector<1x16xf32> to vector<16xf32>
        %mul3A_1887 = arith.mulf %get3A_1886, %broadcast_in_dim3A_1818 : vector<16xf32>
        %swap3A_1888 = arith.index_cast %add3A_1822 : i32 to index
        %swap3A_1889 = arith.constant 96 : index
        %swap3A_1890 = tpu.vector_load %arg10[%swap3A_1888, %swap3A_1889] {strides = array<i32>} : memref<200x128xf32, #tpu.memory_space<vmem>>, vector<1x16xf32>,
        %swap3A_1891 = vector.shape_cast %swap3A_1890 : vector<1x16xf32> to vector<16xf32>
        %swap3A_1892 = vector.shape_cast %mul3A_1887 : vector<16xf32> to vector<1x16xf32>
        tpu.vector_store %arg10[%swap3A_1888, %swap3A_1889], %swap3A_1892 {strides = array<i32>} : memref<200x128xf32, #tpu.memory_space<vmem>>, vector<1x16xf32>,
        %get3A_1893 = arith.index_cast %add3A_1822 : i32 to index
        %get3A_1894 = arith.constant 112 : index
        %get3A_1895 = tpu.vector_load %arg10[%get3A_1893, %get3A_1894] {strides = array<i32>} : memref<200x128xf32, #tpu.memory_space<vmem>>, vector<1x16xf32>,
        %get3A_1896 = vector.shape_cast %get3A_1895 : vector<1x16xf32> to vector<16xf32>
        %mul3A_1897 = arith.mulf %get3A_1896, %broadcast_in_dim3A_1818 : vector<16xf32>
        %swap3A_1898 = arith.index_cast %add3A_1822 : i32 to index
        %swap3A_1899 = arith.constant 112 : index
        %swap3A_1900 = tpu.vector_load %arg10[%swap3A_1898, %swap3A_1899] {strides = array<i32>} : memref<200x128xf32, #tpu.memory_space<vmem>>, vector<1x16xf32>,
        %swap3A_1901 = vector.shape_cast %swap3A_1900 : vector<1x16xf32> to vector<16xf32>
        %swap3A_1902 = vector.shape_cast %mul3A_1897 : vector<16xf32> to vector<1x16xf32>
        tpu.vector_store %arg10[%swap3A_1898, %swap3A_1899], %swap3A_1902 {strides = array<i32>} : memref<200x128xf32, #tpu.memory_space<vmem>>, vector<1x16xf32>,
        %slice3A_1903 = vector.extract_strided_slice %get3A_858 {offsets = [12], sizes = [1], strides = [1]} : vector<16xf32> to vector<1xf32>
        %squeeze3A_1904 = vector.extract %slice3A_1903[0] : f32 from vector<1xf32>
        %broadcast_in_dim3A_1905 = vector.broadcast %squeeze3A_1904 : f32 to vector<16xf32>
        %mul3A_1906 = arith.constant 16 : i32
        %mul3A_1907 = arith.muli %scan3A_852, %mul3A_1906 : i32
        %add3A_1908 = arith.constant 12 : i32
        %add3A_1909 = arith.addi %mul3A_1907, %add3A_1908 : i32
        %get3A_1910 = arith.index_cast %add3A_1909 : i32 to index
        %get3A_1911 = arith.constant 0 : index
        %get3A_1912 = tpu.vector_load %arg10[%get3A_1910, %get3A_1911] {strides = array<i32>} : memref<200x128xf32, #tpu.memory_space<vmem>>, vector<1x16xf32>,
        %get3A_1913 = vector.shape_cast %get3A_1912 : vector<1x16xf32> to vector<16xf32>
        %mul3A_1914 = arith.mulf %get3A_1913, %broadcast_in_dim3A_1905 : vector<16xf32>
        %swap3A_1915 = arith.index_cast %add3A_1909 : i32 to index
        %swap3A_1916 = arith.constant 0 : index
        %swap3A_1917 = tpu.vector_load %arg10[%swap3A_1915, %swap3A_1916] {strides = array<i32>} : memref<200x128xf32, #tpu.memory_space<vmem>>, vector<1x16xf32>,
        %swap3A_1918 = vector.shape_cast %swap3A_1917 : vector<1x16xf32> to vector<16xf32>
        %swap3A_1919 = vector.shape_cast %mul3A_1914 : vector<16xf32> to vector<1x16xf32>
        tpu.vector_store %arg10[%swap3A_1915, %swap3A_1916], %swap3A_1919 {strides = array<i32>} : memref<200x128xf32, #tpu.memory_space<vmem>>, vector<1x16xf32>,
        %get3A_1920 = arith.index_cast %add3A_1909 : i32 to index
        %get3A_1921 = arith.constant 16 : index
        %get3A_1922 = tpu.vector_load %arg10[%get3A_1920, %get3A_1921] {strides = array<i32>} : memref<200x128xf32, #tpu.memory_space<vmem>>, vector<1x16xf32>,
        %get3A_1923 = vector.shape_cast %get3A_1922 : vector<1x16xf32> to vector<16xf32>
        %mul3A_1924 = arith.mulf %get3A_1923, %broadcast_in_dim3A_1905 : vector<16xf32>
        %swap3A_1925 = arith.index_cast %add3A_1909 : i32 to index
        %swap3A_1926 = arith.constant 16 : index
        %swap3A_1927 = tpu.vector_load %arg10[%swap3A_1925, %swap3A_1926] {strides = array<i32>} : memref<200x128xf32, #tpu.memory_space<vmem>>, vector<1x16xf32>,
        %swap3A_1928 = vector.shape_cast %swap3A_1927 : vector<1x16xf32> to vector<16xf32>
        %swap3A_1929 = vector.shape_cast %mul3A_1924 : vector<16xf32> to vector<1x16xf32>
        tpu.vector_store %arg10[%swap3A_1925, %swap3A_1926], %swap3A_1929 {strides = array<i32>} : memref<200x128xf32, #tpu.memory_space<vmem>>, vector<1x16xf32>,
        %get3A_1930 = arith.index_cast %add3A_1909 : i32 to index
        %get3A_1931 = arith.constant 32 : index
        %get3A_1932 = tpu.vector_load %arg10[%get3A_1930, %get3A_1931] {strides = array<i32>} : memref<200x128xf32, #tpu.memory_space<vmem>>, vector<1x16xf32>,
        %get3A_1933 = vector.shape_cast %get3A_1932 : vector<1x16xf32> to vector<16xf32>
        %mul3A_1934 = arith.mulf %get3A_1933, %broadcast_in_dim3A_1905 : vector<16xf32>
        %swap3A_1935 = arith.index_cast %add3A_1909 : i32 to index
        %swap3A_1936 = arith.constant 32 : index
        %swap3A_1937 = tpu.vector_load %arg10[%swap3A_1935, %swap3A_1936] {strides = array<i32>} : memref<200x128xf32, #tpu.memory_space<vmem>>, vector<1x16xf32>,
        %swap3A_1938 = vector.shape_cast %swap3A_1937 : vector<1x16xf32> to vector<16xf32>
        %swap3A_1939 = vector.shape_cast %mul3A_1934 : vector<16xf32> to vector<1x16xf32>
        tpu.vector_store %arg10[%swap3A_1935, %swap3A_1936], %swap3A_1939 {strides = array<i32>} : memref<200x128xf32, #tpu.memory_space<vmem>>, vector<1x16xf32>,
        %get3A_1940 = arith.index_cast %add3A_1909 : i32 to index
        %get3A_1941 = arith.constant 48 : index
        %get3A_1942 = tpu.vector_load %arg10[%get3A_1940, %get3A_1941] {strides = array<i32>} : memref<200x128xf32, #tpu.memory_space<vmem>>, vector<1x16xf32>,
        %get3A_1943 = vector.shape_cast %get3A_1942 : vector<1x16xf32> to vector<16xf32>
        %mul3A_1944 = arith.mulf %get3A_1943, %broadcast_in_dim3A_1905 : vector<16xf32>
        %swap3A_1945 = arith.index_cast %add3A_1909 : i32 to index
        %swap3A_1946 = arith.constant 48 : index
        %swap3A_1947 = tpu.vector_load %arg10[%swap3A_1945, %swap3A_1946] {strides = array<i32>} : memref<200x128xf32, #tpu.memory_space<vmem>>, vector<1x16xf32>,
        %swap3A_1948 = vector.shape_cast %swap3A_1947 : vector<1x16xf32> to vector<16xf32>
        %swap3A_1949 = vector.shape_cast %mul3A_1944 : vector<16xf32> to vector<1x16xf32>
        tpu.vector_store %arg10[%swap3A_1945, %swap3A_1946], %swap3A_1949 {strides = array<i32>} : memref<200x128xf32, #tpu.memory_space<vmem>>, vector<1x16xf32>,
        %get3A_1950 = arith.index_cast %add3A_1909 : i32 to index
        %get3A_1951 = arith.constant 64 : index
        %get3A_1952 = tpu.vector_load %arg10[%get3A_1950, %get3A_1951] {strides = array<i32>} : memref<200x128xf32, #tpu.memory_space<vmem>>, vector<1x16xf32>,
        %get3A_1953 = vector.shape_cast %get3A_1952 : vector<1x16xf32> to vector<16xf32>
        %mul3A_1954 = arith.mulf %get3A_1953, %broadcast_in_dim3A_1905 : vector<16xf32>
        %swap3A_1955 = arith.index_cast %add3A_1909 : i32 to index
        %swap3A_1956 = arith.constant 64 : index
        %swap3A_1957 = tpu.vector_load %arg10[%swap3A_1955, %swap3A_1956] {strides = array<i32>} : memref<200x128xf32, #tpu.memory_space<vmem>>, vector<1x16xf32>,
        %swap3A_1958 = vector.shape_cast %swap3A_1957 : vector<1x16xf32> to vector<16xf32>
        %swap3A_1959 = vector.shape_cast %mul3A_1954 : vector<16xf32> to vector<1x16xf32>
        tpu.vector_store %arg10[%swap3A_1955, %swap3A_1956], %swap3A_1959 {strides = array<i32>} : memref<200x128xf32, #tpu.memory_space<vmem>>, vector<1x16xf32>,
        %get3A_1960 = arith.index_cast %add3A_1909 : i32 to index
        %get3A_1961 = arith.constant 80 : index
        %get3A_1962 = tpu.vector_load %arg10[%get3A_1960, %get3A_1961] {strides = array<i32>} : memref<200x128xf32, #tpu.memory_space<vmem>>, vector<1x16xf32>,
        %get3A_1963 = vector.shape_cast %get3A_1962 : vector<1x16xf32> to vector<16xf32>
        %mul3A_1964 = arith.mulf %get3A_1963, %broadcast_in_dim3A_1905 : vector<16xf32>
        %swap3A_1965 = arith.index_cast %add3A_1909 : i32 to index
        %swap3A_1966 = arith.constant 80 : index
        %swap3A_1967 = tpu.vector_load %arg10[%swap3A_1965, %swap3A_1966] {strides = array<i32>} : memref<200x128xf32, #tpu.memory_space<vmem>>, vector<1x16xf32>,
        %swap3A_1968 = vector.shape_cast %swap3A_1967 : vector<1x16xf32> to vector<16xf32>
        %swap3A_1969 = vector.shape_cast %mul3A_1964 : vector<16xf32> to vector<1x16xf32>
        tpu.vector_store %arg10[%swap3A_1965, %swap3A_1966], %swap3A_1969 {strides = array<i32>} : memref<200x128xf32, #tpu.memory_space<vmem>>, vector<1x16xf32>,
        %get3A_1970 = arith.index_cast %add3A_1909 : i32 to index
        %get3A_1971 = arith.constant 96 : index
        %get3A_1972 = tpu.vector_load %arg10[%get3A_1970, %get3A_1971] {strides = array<i32>} : memref<200x128xf32, #tpu.memory_space<vmem>>, vector<1x16xf32>,
        %get3A_1973 = vector.shape_cast %get3A_1972 : vector<1x16xf32> to vector<16xf32>
        %mul3A_1974 = arith.mulf %get3A_1973, %broadcast_in_dim3A_1905 : vector<16xf32>
        %swap3A_1975 = arith.index_cast %add3A_1909 : i32 to index
        %swap3A_1976 = arith.constant 96 : index
        %swap3A_1977 = tpu.vector_load %arg10[%swap3A_1975, %swap3A_1976] {strides = array<i32>} : memref<200x128xf32, #tpu.memory_space<vmem>>, vector<1x16xf32>,
        %swap3A_1978 = vector.shape_cast %swap3A_1977 : vector<1x16xf32> to vector<16xf32>
        %swap3A_1979 = vector.shape_cast %mul3A_1974 : vector<16xf32> to vector<1x16xf32>
        tpu.vector_store %arg10[%swap3A_1975, %swap3A_1976], %swap3A_1979 {strides = array<i32>} : memref<200x128xf32, #tpu.memory_space<vmem>>, vector<1x16xf32>,
        %get3A_1980 = arith.index_cast %add3A_1909 : i32 to index
        %get3A_1981 = arith.constant 112 : index
        %get3A_1982 = tpu.vector_load %arg10[%get3A_1980, %get3A_1981] {strides = array<i32>} : memref<200x128xf32, #tpu.memory_space<vmem>>, vector<1x16xf32>,
        %get3A_1983 = vector.shape_cast %get3A_1982 : vector<1x16xf32> to vector<16xf32>
        %mul3A_1984 = arith.mulf %get3A_1983, %broadcast_in_dim3A_1905 : vector<16xf32>
        %swap3A_1985 = arith.index_cast %add3A_1909 : i32 to index
        %swap3A_1986 = arith.constant 112 : index
        %swap3A_1987 = tpu.vector_load %arg10[%swap3A_1985, %swap3A_1986] {strides = array<i32>} : memref<200x128xf32, #tpu.memory_space<vmem>>, vector<1x16xf32>,
        %swap3A_1988 = vector.shape_cast %swap3A_1987 : vector<1x16xf32> to vector<16xf32>
        %swap3A_1989 = vector.shape_cast %mul3A_1984 : vector<16xf32> to vector<1x16xf32>
        tpu.vector_store %arg10[%swap3A_1985, %swap3A_1986], %swap3A_1989 {strides = array<i32>} : memref<200x128xf32, #tpu.memory_space<vmem>>, vector<1x16xf32>,
        %slice3A_1990 = vector.extract_strided_slice %get3A_858 {offsets = [13], sizes = [1], strides = [1]} : vector<16xf32> to vector<1xf32>
        %squeeze3A_1991 = vector.extract %slice3A_1990[0] : f32 from vector<1xf32>
        %broadcast_in_dim3A_1992 = vector.broadcast %squeeze3A_1991 : f32 to vector<16xf32>
        %mul3A_1993 = arith.constant 16 : i32
        %mul3A_1994 = arith.muli %scan3A_852, %mul3A_1993 : i32
        %add3A_1995 = arith.constant 13 : i32
        %add3A_1996 = arith.addi %mul3A_1994, %add3A_1995 : i32
        %get3A_1997 = arith.index_cast %add3A_1996 : i32 to index
        %get3A_1998 = arith.constant 0 : index
        %get3A_1999 = tpu.vector_load %arg10[%get3A_1997, %get3A_1998] {strides = array<i32>} : memref<200x128xf32, #tpu.memory_space<vmem>>, vector<1x16xf32>,
        %get3A_2000 = vector.shape_cast %get3A_1999 : vector<1x16xf32> to vector<16xf32>
        %mul3A_2001 = arith.mulf %get3A_2000, %broadcast_in_dim3A_1992 : vector<16xf32>
        %swap3A_2002 = arith.index_cast %add3A_1996 : i32 to index
        %swap3A_2003 = arith.constant 0 : index
        %swap3A_2004 = tpu.vector_load %arg10[%swap3A_2002, %swap3A_2003] {strides = array<i32>} : memref<200x128xf32, #tpu.memory_space<vmem>>, vector<1x16xf32>,
        %swap3A_2005 = vector.shape_cast %swap3A_2004 : vector<1x16xf32> to vector<16xf32>
        %swap3A_2006 = vector.shape_cast %mul3A_2001 : vector<16xf32> to vector<1x16xf32>
        tpu.vector_store %arg10[%swap3A_2002, %swap3A_2003], %swap3A_2006 {strides = array<i32>} : memref<200x128xf32, #tpu.memory_space<vmem>>, vector<1x16xf32>,
        %get3A_2007 = arith.index_cast %add3A_1996 : i32 to index
        %get3A_2008 = arith.constant 16 : index
        %get3A_2009 = tpu.vector_load %arg10[%get3A_2007, %get3A_2008] {strides = array<i32>} : memref<200x128xf32, #tpu.memory_space<vmem>>, vector<1x16xf32>,
        %get3A_2010 = vector.shape_cast %get3A_2009 : vector<1x16xf32> to vector<16xf32>
        %mul3A_2011 = arith.mulf %get3A_2010, %broadcast_in_dim3A_1992 : vector<16xf32>
        %swap3A_2012 = arith.index_cast %add3A_1996 : i32 to index
        %swap3A_2013 = arith.constant 16 : index
        %swap3A_2014 = tpu.vector_load %arg10[%swap3A_2012, %swap3A_2013] {strides = array<i32>} : memref<200x128xf32, #tpu.memory_space<vmem>>, vector<1x16xf32>,
        %swap3A_2015 = vector.shape_cast %swap3A_2014 : vector<1x16xf32> to vector<16xf32>
        %swap3A_2016 = vector.shape_cast %mul3A_2011 : vector<16xf32> to vector<1x16xf32>
        tpu.vector_store %arg10[%swap3A_2012, %swap3A_2013], %swap3A_2016 {strides = array<i32>} : memref<200x128xf32, #tpu.memory_space<vmem>>, vector<1x16xf32>,
        %get3A_2017 = arith.index_cast %add3A_1996 : i32 to index
        %get3A_2018 = arith.constant 32 : index
        %get3A_2019 = tpu.vector_load %arg10[%get3A_2017, %get3A_2018] {strides = array<i32>} : memref<200x128xf32, #tpu.memory_space<vmem>>, vector<1x16xf32>,
        %get3A_2020 = vector.shape_cast %get3A_2019 : vector<1x16xf32> to vector<16xf32>
        %mul3A_2021 = arith.mulf %get3A_2020, %broadcast_in_dim3A_1992 : vector<16xf32>
        %swap3A_2022 = arith.index_cast %add3A_1996 : i32 to index
        %swap3A_2023 = arith.constant 32 : index
        %swap3A_2024 = tpu.vector_load %arg10[%swap3A_2022, %swap3A_2023] {strides = array<i32>} : memref<200x128xf32, #tpu.memory_space<vmem>>, vector<1x16xf32>,
        %swap3A_2025 = vector.shape_cast %swap3A_2024 : vector<1x16xf32> to vector<16xf32>
        %swap3A_2026 = vector.shape_cast %mul3A_2021 : vector<16xf32> to vector<1x16xf32>
        tpu.vector_store %arg10[%swap3A_2022, %swap3A_2023], %swap3A_2026 {strides = array<i32>} : memref<200x128xf32, #tpu.memory_space<vmem>>, vector<1x16xf32>,
        %get3A_2027 = arith.index_cast %add3A_1996 : i32 to index
        %get3A_2028 = arith.constant 48 : index
        %get3A_2029 = tpu.vector_load %arg10[%get3A_2027, %get3A_2028] {strides = array<i32>} : memref<200x128xf32, #tpu.memory_space<vmem>>, vector<1x16xf32>,
        %get3A_2030 = vector.shape_cast %get3A_2029 : vector<1x16xf32> to vector<16xf32>
        %mul3A_2031 = arith.mulf %get3A_2030, %broadcast_in_dim3A_1992 : vector<16xf32>
        %swap3A_2032 = arith.index_cast %add3A_1996 : i32 to index
        %swap3A_2033 = arith.constant 48 : index
        %swap3A_2034 = tpu.vector_load %arg10[%swap3A_2032, %swap3A_2033] {strides = array<i32>} : memref<200x128xf32, #tpu.memory_space<vmem>>, vector<1x16xf32>,
        %swap3A_2035 = vector.shape_cast %swap3A_2034 : vector<1x16xf32> to vector<16xf32>
        %swap3A_2036 = vector.shape_cast %mul3A_2031 : vector<16xf32> to vector<1x16xf32>
        tpu.vector_store %arg10[%swap3A_2032, %swap3A_2033], %swap3A_2036 {strides = array<i32>} : memref<200x128xf32, #tpu.memory_space<vmem>>, vector<1x16xf32>,
        %get3A_2037 = arith.index_cast %add3A_1996 : i32 to index
        %get3A_2038 = arith.constant 64 : index
        %get3A_2039 = tpu.vector_load %arg10[%get3A_2037, %get3A_2038] {strides = array<i32>} : memref<200x128xf32, #tpu.memory_space<vmem>>, vector<1x16xf32>,
        %get3A_2040 = vector.shape_cast %get3A_2039 : vector<1x16xf32> to vector<16xf32>
        %mul3A_2041 = arith.mulf %get3A_2040, %broadcast_in_dim3A_1992 : vector<16xf32>
        %swap3A_2042 = arith.index_cast %add3A_1996 : i32 to index
        %swap3A_2043 = arith.constant 64 : index
        %swap3A_2044 = tpu.vector_load %arg10[%swap3A_2042, %swap3A_2043] {strides = array<i32>} : memref<200x128xf32, #tpu.memory_space<vmem>>, vector<1x16xf32>,
        %swap3A_2045 = vector.shape_cast %swap3A_2044 : vector<1x16xf32> to vector<16xf32>
        %swap3A_2046 = vector.shape_cast %mul3A_2041 : vector<16xf32> to vector<1x16xf32>
        tpu.vector_store %arg10[%swap3A_2042, %swap3A_2043], %swap3A_2046 {strides = array<i32>} : memref<200x128xf32, #tpu.memory_space<vmem>>, vector<1x16xf32>,
        %get3A_2047 = arith.index_cast %add3A_1996 : i32 to index
        %get3A_2048 = arith.constant 80 : index
        %get3A_2049 = tpu.vector_load %arg10[%get3A_2047, %get3A_2048] {strides = array<i32>} : memref<200x128xf32, #tpu.memory_space<vmem>>, vector<1x16xf32>,
        %get3A_2050 = vector.shape_cast %get3A_2049 : vector<1x16xf32> to vector<16xf32>
        %mul3A_2051 = arith.mulf %get3A_2050, %broadcast_in_dim3A_1992 : vector<16xf32>
        %swap3A_2052 = arith.index_cast %add3A_1996 : i32 to index
        %swap3A_2053 = arith.constant 80 : index
        %swap3A_2054 = tpu.vector_load %arg10[%swap3A_2052, %swap3A_2053] {strides = array<i32>} : memref<200x128xf32, #tpu.memory_space<vmem>>, vector<1x16xf32>,
        %swap3A_2055 = vector.shape_cast %swap3A_2054 : vector<1x16xf32> to vector<16xf32>
        %swap3A_2056 = vector.shape_cast %mul3A_2051 : vector<16xf32> to vector<1x16xf32>
        tpu.vector_store %arg10[%swap3A_2052, %swap3A_2053], %swap3A_2056 {strides = array<i32>} : memref<200x128xf32, #tpu.memory_space<vmem>>, vector<1x16xf32>,
        %get3A_2057 = arith.index_cast %add3A_1996 : i32 to index
        %get3A_2058 = arith.constant 96 : index
        %get3A_2059 = tpu.vector_load %arg10[%get3A_2057, %get3A_2058] {strides = array<i32>} : memref<200x128xf32, #tpu.memory_space<vmem>>, vector<1x16xf32>,
        %get3A_2060 = vector.shape_cast %get3A_2059 : vector<1x16xf32> to vector<16xf32>
        %mul3A_2061 = arith.mulf %get3A_2060, %broadcast_in_dim3A_1992 : vector<16xf32>
        %swap3A_2062 = arith.index_cast %add3A_1996 : i32 to index
        %swap3A_2063 = arith.constant 96 : index
        %swap3A_2064 = tpu.vector_load %arg10[%swap3A_2062, %swap3A_2063] {strides = array<i32>} : memref<200x128xf32, #tpu.memory_space<vmem>>, vector<1x16xf32>,
        %swap3A_2065 = vector.shape_cast %swap3A_2064 : vector<1x16xf32> to vector<16xf32>
        %swap3A_2066 = vector.shape_cast %mul3A_2061 : vector<16xf32> to vector<1x16xf32>
        tpu.vector_store %arg10[%swap3A_2062, %swap3A_2063], %swap3A_2066 {strides = array<i32>} : memref<200x128xf32, #tpu.memory_space<vmem>>, vector<1x16xf32>,
        %get3A_2067 = arith.index_cast %add3A_1996 : i32 to index
        %get3A_2068 = arith.constant 112 : index
        %get3A_2069 = tpu.vector_load %arg10[%get3A_2067, %get3A_2068] {strides = array<i32>} : memref<200x128xf32, #tpu.memory_space<vmem>>, vector<1x16xf32>,
        %get3A_2070 = vector.shape_cast %get3A_2069 : vector<1x16xf32> to vector<16xf32>
        %mul3A_2071 = arith.mulf %get3A_2070, %broadcast_in_dim3A_1992 : vector<16xf32>
        %swap3A_2072 = arith.index_cast %add3A_1996 : i32 to index
        %swap3A_2073 = arith.constant 112 : index
        %swap3A_2074 = tpu.vector_load %arg10[%swap3A_2072, %swap3A_2073] {strides = array<i32>} : memref<200x128xf32, #tpu.memory_space<vmem>>, vector<1x16xf32>,
        %swap3A_2075 = vector.shape_cast %swap3A_2074 : vector<1x16xf32> to vector<16xf32>
        %swap3A_2076 = vector.shape_cast %mul3A_2071 : vector<16xf32> to vector<1x16xf32>
        tpu.vector_store %arg10[%swap3A_2072, %swap3A_2073], %swap3A_2076 {strides = array<i32>} : memref<200x128xf32, #tpu.memory_space<vmem>>, vector<1x16xf32>,
        %slice3A_2077 = vector.extract_strided_slice %get3A_858 {offsets = [14], sizes = [1], strides = [1]} : vector<16xf32> to vector<1xf32>
        %squeeze3A_2078 = vector.extract %slice3A_2077[0] : f32 from vector<1xf32>
        %broadcast_in_dim3A_2079 = vector.broadcast %squeeze3A_2078 : f32 to vector<16xf32>
        %mul3A_2080 = arith.constant 16 : i32
        %mul3A_2081 = arith.muli %scan3A_852, %mul3A_2080 : i32
        %add3A_2082 = arith.constant 14 : i32
        %add3A_2083 = arith.addi %mul3A_2081, %add3A_2082 : i32
        %get3A_2084 = arith.index_cast %add3A_2083 : i32 to index
        %get3A_2085 = arith.constant 0 : index
        %get3A_2086 = tpu.vector_load %arg10[%get3A_2084, %get3A_2085] {strides = array<i32>} : memref<200x128xf32, #tpu.memory_space<vmem>>, vector<1x16xf32>,
        %get3A_2087 = vector.shape_cast %get3A_2086 : vector<1x16xf32> to vector<16xf32>
        %mul3A_2088 = arith.mulf %get3A_2087, %broadcast_in_dim3A_2079 : vector<16xf32>
        %swap3A_2089 = arith.index_cast %add3A_2083 : i32 to index
        %swap3A_2090 = arith.constant 0 : index
        %swap3A_2091 = tpu.vector_load %arg10[%swap3A_2089, %swap3A_2090] {strides = array<i32>} : memref<200x128xf32, #tpu.memory_space<vmem>>, vector<1x16xf32>,
        %swap3A_2092 = vector.shape_cast %swap3A_2091 : vector<1x16xf32> to vector<16xf32>
        %swap3A_2093 = vector.shape_cast %mul3A_2088 : vector<16xf32> to vector<1x16xf32>
        tpu.vector_store %arg10[%swap3A_2089, %swap3A_2090], %swap3A_2093 {strides = array<i32>} : memref<200x128xf32, #tpu.memory_space<vmem>>, vector<1x16xf32>,
        %get3A_2094 = arith.index_cast %add3A_2083 : i32 to index
        %get3A_2095 = arith.constant 16 : index
        %get3A_2096 = tpu.vector_load %arg10[%get3A_2094, %get3A_2095] {strides = array<i32>} : memref<200x128xf32, #tpu.memory_space<vmem>>, vector<1x16xf32>,
        %get3A_2097 = vector.shape_cast %get3A_2096 : vector<1x16xf32> to vector<16xf32>
        %mul3A_2098 = arith.mulf %get3A_2097, %broadcast_in_dim3A_2079 : vector<16xf32>
        %swap3A_2099 = arith.index_cast %add3A_2083 : i32 to index
        %swap3A_2100 = arith.constant 16 : index
        %swap3A_2101 = tpu.vector_load %arg10[%swap3A_2099, %swap3A_2100] {strides = array<i32>} : memref<200x128xf32, #tpu.memory_space<vmem>>, vector<1x16xf32>,
        %swap3A_2102 = vector.shape_cast %swap3A_2101 : vector<1x16xf32> to vector<16xf32>
        %swap3A_2103 = vector.shape_cast %mul3A_2098 : vector<16xf32> to vector<1x16xf32>
        tpu.vector_store %arg10[%swap3A_2099, %swap3A_2100], %swap3A_2103 {strides = array<i32>} : memref<200x128xf32, #tpu.memory_space<vmem>>, vector<1x16xf32>,
        %get3A_2104 = arith.index_cast %add3A_2083 : i32 to index
        %get3A_2105 = arith.constant 32 : index
        %get3A_2106 = tpu.vector_load %arg10[%get3A_2104, %get3A_2105] {strides = array<i32>} : memref<200x128xf32, #tpu.memory_space<vmem>>, vector<1x16xf32>,
        %get3A_2107 = vector.shape_cast %get3A_2106 : vector<1x16xf32> to vector<16xf32>
        %mul3A_2108 = arith.mulf %get3A_2107, %broadcast_in_dim3A_2079 : vector<16xf32>
        %swap3A_2109 = arith.index_cast %add3A_2083 : i32 to index
        %swap3A_2110 = arith.constant 32 : index
        %swap3A_2111 = tpu.vector_load %arg10[%swap3A_2109, %swap3A_2110] {strides = array<i32>} : memref<200x128xf32, #tpu.memory_space<vmem>>, vector<1x16xf32>,
        %swap3A_2112 = vector.shape_cast %swap3A_2111 : vector<1x16xf32> to vector<16xf32>
        %swap3A_2113 = vector.shape_cast %mul3A_2108 : vector<16xf32> to vector<1x16xf32>
        tpu.vector_store %arg10[%swap3A_2109, %swap3A_2110], %swap3A_2113 {strides = array<i32>} : memref<200x128xf32, #tpu.memory_space<vmem>>, vector<1x16xf32>,
        %get3A_2114 = arith.index_cast %add3A_2083 : i32 to index
        %get3A_2115 = arith.constant 48 : index
        %get3A_2116 = tpu.vector_load %arg10[%get3A_2114, %get3A_2115] {strides = array<i32>} : memref<200x128xf32, #tpu.memory_space<vmem>>, vector<1x16xf32>,
        %get3A_2117 = vector.shape_cast %get3A_2116 : vector<1x16xf32> to vector<16xf32>
        %mul3A_2118 = arith.mulf %get3A_2117, %broadcast_in_dim3A_2079 : vector<16xf32>
        %swap3A_2119 = arith.index_cast %add3A_2083 : i32 to index
        %swap3A_2120 = arith.constant 48 : index
        %swap3A_2121 = tpu.vector_load %arg10[%swap3A_2119, %swap3A_2120] {strides = array<i32>} : memref<200x128xf32, #tpu.memory_space<vmem>>, vector<1x16xf32>,
        %swap3A_2122 = vector.shape_cast %swap3A_2121 : vector<1x16xf32> to vector<16xf32>
        %swap3A_2123 = vector.shape_cast %mul3A_2118 : vector<16xf32> to vector<1x16xf32>
        tpu.vector_store %arg10[%swap3A_2119, %swap3A_2120], %swap3A_2123 {strides = array<i32>} : memref<200x128xf32, #tpu.memory_space<vmem>>, vector<1x16xf32>,
        %get3A_2124 = arith.index_cast %add3A_2083 : i32 to index
        %get3A_2125 = arith.constant 64 : index
        %get3A_2126 = tpu.vector_load %arg10[%get3A_2124, %get3A_2125] {strides = array<i32>} : memref<200x128xf32, #tpu.memory_space<vmem>>, vector<1x16xf32>,
        %get3A_2127 = vector.shape_cast %get3A_2126 : vector<1x16xf32> to vector<16xf32>
        %mul3A_2128 = arith.mulf %get3A_2127, %broadcast_in_dim3A_2079 : vector<16xf32>
        %swap3A_2129 = arith.index_cast %add3A_2083 : i32 to index
        %swap3A_2130 = arith.constant 64 : index
        %swap3A_2131 = tpu.vector_load %arg10[%swap3A_2129, %swap3A_2130] {strides = array<i32>} : memref<200x128xf32, #tpu.memory_space<vmem>>, vector<1x16xf32>,
        %swap3A_2132 = vector.shape_cast %swap3A_2131 : vector<1x16xf32> to vector<16xf32>
        %swap3A_2133 = vector.shape_cast %mul3A_2128 : vector<16xf32> to vector<1x16xf32>
        tpu.vector_store %arg10[%swap3A_2129, %swap3A_2130], %swap3A_2133 {strides = array<i32>} : memref<200x128xf32, #tpu.memory_space<vmem>>, vector<1x16xf32>,
        %get3A_2134 = arith.index_cast %add3A_2083 : i32 to index
        %get3A_2135 = arith.constant 80 : index
        %get3A_2136 = tpu.vector_load %arg10[%get3A_2134, %get3A_2135] {strides = array<i32>} : memref<200x128xf32, #tpu.memory_space<vmem>>, vector<1x16xf32>,
        %get3A_2137 = vector.shape_cast %get3A_2136 : vector<1x16xf32> to vector<16xf32>
        %mul3A_2138 = arith.mulf %get3A_2137, %broadcast_in_dim3A_2079 : vector<16xf32>
        %swap3A_2139 = arith.index_cast %add3A_2083 : i32 to index
        %swap3A_2140 = arith.constant 80 : index
        %swap3A_2141 = tpu.vector_load %arg10[%swap3A_2139, %swap3A_2140] {strides = array<i32>} : memref<200x128xf32, #tpu.memory_space<vmem>>, vector<1x16xf32>,
        %swap3A_2142 = vector.shape_cast %swap3A_2141 : vector<1x16xf32> to vector<16xf32>
        %swap3A_2143 = vector.shape_cast %mul3A_2138 : vector<16xf32> to vector<1x16xf32>
        tpu.vector_store %arg10[%swap3A_2139, %swap3A_2140], %swap3A_2143 {strides = array<i32>} : memref<200x128xf32, #tpu.memory_space<vmem>>, vector<1x16xf32>,
        %get3A_2144 = arith.index_cast %add3A_2083 : i32 to index
        %get3A_2145 = arith.constant 96 : index
        %get3A_2146 = tpu.vector_load %arg10[%get3A_2144, %get3A_2145] {strides = array<i32>} : memref<200x128xf32, #tpu.memory_space<vmem>>, vector<1x16xf32>,
        %get3A_2147 = vector.shape_cast %get3A_2146 : vector<1x16xf32> to vector<16xf32>
        %mul3A_2148 = arith.mulf %get3A_2147, %broadcast_in_dim3A_2079 : vector<16xf32>
        %swap3A_2149 = arith.index_cast %add3A_2083 : i32 to index
        %swap3A_2150 = arith.constant 96 : index
        %swap3A_2151 = tpu.vector_load %arg10[%swap3A_2149, %swap3A_2150] {strides = array<i32>} : memref<200x128xf32, #tpu.memory_space<vmem>>, vector<1x16xf32>,
        %swap3A_2152 = vector.shape_cast %swap3A_2151 : vector<1x16xf32> to vector<16xf32>
        %swap3A_2153 = vector.shape_cast %mul3A_2148 : vector<16xf32> to vector<1x16xf32>
        tpu.vector_store %arg10[%swap3A_2149, %swap3A_2150], %swap3A_2153 {strides = array<i32>} : memref<200x128xf32, #tpu.memory_space<vmem>>, vector<1x16xf32>,
        %get3A_2154 = arith.index_cast %add3A_2083 : i32 to index
        %get3A_2155 = arith.constant 112 : index
        %get3A_2156 = tpu.vector_load %arg10[%get3A_2154, %get3A_2155] {strides = array<i32>} : memref<200x128xf32, #tpu.memory_space<vmem>>, vector<1x16xf32>,
        %get3A_2157 = vector.shape_cast %get3A_2156 : vector<1x16xf32> to vector<16xf32>
        %mul3A_2158 = arith.mulf %get3A_2157, %broadcast_in_dim3A_2079 : vector<16xf32>
        %swap3A_2159 = arith.index_cast %add3A_2083 : i32 to index
        %swap3A_2160 = arith.constant 112 : index
        %swap3A_2161 = tpu.vector_load %arg10[%swap3A_2159, %swap3A_2160] {strides = array<i32>} : memref<200x128xf32, #tpu.memory_space<vmem>>, vector<1x16xf32>,
        %swap3A_2162 = vector.shape_cast %swap3A_2161 : vector<1x16xf32> to vector<16xf32>
        %swap3A_2163 = vector.shape_cast %mul3A_2158 : vector<16xf32> to vector<1x16xf32>
        tpu.vector_store %arg10[%swap3A_2159, %swap3A_2160], %swap3A_2163 {strides = array<i32>} : memref<200x128xf32, #tpu.memory_space<vmem>>, vector<1x16xf32>,
        %slice3A_2164 = vector.extract_strided_slice %get3A_858 {offsets = [15], sizes = [1], strides = [1]} : vector<16xf32> to vector<1xf32>
        %squeeze3A_2165 = vector.extract %slice3A_2164[0] : f32 from vector<1xf32>
        %broadcast_in_dim3A_2166 = vector.broadcast %squeeze3A_2165 : f32 to vector<16xf32>
        %mul3A_2167 = arith.constant 16 : i32
        %mul3A_2168 = arith.muli %scan3A_852, %mul3A_2167 : i32
        %add3A_2169 = arith.constant 15 : i32
        %add3A_2170 = arith.addi %mul3A_2168, %add3A_2169 : i32
        %get3A_2171 = arith.index_cast %add3A_2170 : i32 to index
        %get3A_2172 = arith.constant 0 : index
        %get3A_2173 = tpu.vector_load %arg10[%get3A_2171, %get3A_2172] {strides = array<i32>} : memref<200x128xf32, #tpu.memory_space<vmem>>, vector<1x16xf32>,
        %get3A_2174 = vector.shape_cast %get3A_2173 : vector<1x16xf32> to vector<16xf32>
        %mul3A_2175 = arith.mulf %get3A_2174, %broadcast_in_dim3A_2166 : vector<16xf32>
        %swap3A_2176 = arith.index_cast %add3A_2170 : i32 to index
        %swap3A_2177 = arith.constant 0 : index
        %swap3A_2178 = tpu.vector_load %arg10[%swap3A_2176, %swap3A_2177] {strides = array<i32>} : memref<200x128xf32, #tpu.memory_space<vmem>>, vector<1x16xf32>,
        %swap3A_2179 = vector.shape_cast %swap3A_2178 : vector<1x16xf32> to vector<16xf32>
        %swap3A_2180 = vector.shape_cast %mul3A_2175 : vector<16xf32> to vector<1x16xf32>
        tpu.vector_store %arg10[%swap3A_2176, %swap3A_2177], %swap3A_2180 {strides = array<i32>} : memref<200x128xf32, #tpu.memory_space<vmem>>, vector<1x16xf32>,
        %get3A_2181 = arith.index_cast %add3A_2170 : i32 to index
        %get3A_2182 = arith.constant 16 : index
        %get3A_2183 = tpu.vector_load %arg10[%get3A_2181, %get3A_2182] {strides = array<i32>} : memref<200x128xf32, #tpu.memory_space<vmem>>, vector<1x16xf32>,
        %get3A_2184 = vector.shape_cast %get3A_2183 : vector<1x16xf32> to vector<16xf32>
        %mul3A_2185 = arith.mulf %get3A_2184, %broadcast_in_dim3A_2166 : vector<16xf32>
        %swap3A_2186 = arith.index_cast %add3A_2170 : i32 to index
        %swap3A_2187 = arith.constant 16 : index
        %swap3A_2188 = tpu.vector_load %arg10[%swap3A_2186, %swap3A_2187] {strides = array<i32>} : memref<200x128xf32, #tpu.memory_space<vmem>>, vector<1x16xf32>,
        %swap3A_2189 = vector.shape_cast %swap3A_2188 : vector<1x16xf32> to vector<16xf32>
        %swap3A_2190 = vector.shape_cast %mul3A_2185 : vector<16xf32> to vector<1x16xf32>
        tpu.vector_store %arg10[%swap3A_2186, %swap3A_2187], %swap3A_2190 {strides = array<i32>} : memref<200x128xf32, #tpu.memory_space<vmem>>, vector<1x16xf32>,
        %get3A_2191 = arith.index_cast %add3A_2170 : i32 to index
        %get3A_2192 = arith.constant 32 : index
        %get3A_2193 = tpu.vector_load %arg10[%get3A_2191, %get3A_2192] {strides = array<i32>} : memref<200x128xf32, #tpu.memory_space<vmem>>, vector<1x16xf32>,
        %get3A_2194 = vector.shape_cast %get3A_2193 : vector<1x16xf32> to vector<16xf32>
        %mul3A_2195 = arith.mulf %get3A_2194, %broadcast_in_dim3A_2166 : vector<16xf32>
        %swap3A_2196 = arith.index_cast %add3A_2170 : i32 to index
        %swap3A_2197 = arith.constant 32 : index
        %swap3A_2198 = tpu.vector_load %arg10[%swap3A_2196, %swap3A_2197] {strides = array<i32>} : memref<200x128xf32, #tpu.memory_space<vmem>>, vector<1x16xf32>,
        %swap3A_2199 = vector.shape_cast %swap3A_2198 : vector<1x16xf32> to vector<16xf32>
        %swap3A_2200 = vector.shape_cast %mul3A_2195 : vector<16xf32> to vector<1x16xf32>
        tpu.vector_store %arg10[%swap3A_2196, %swap3A_2197], %swap3A_2200 {strides = array<i32>} : memref<200x128xf32, #tpu.memory_space<vmem>>, vector<1x16xf32>,
        %get3A_2201 = arith.index_cast %add3A_2170 : i32 to index
        %get3A_2202 = arith.constant 48 : index
        %get3A_2203 = tpu.vector_load %arg10[%get3A_2201, %get3A_2202] {strides = array<i32>} : memref<200x128xf32, #tpu.memory_space<vmem>>, vector<1x16xf32>,
        %get3A_2204 = vector.shape_cast %get3A_2203 : vector<1x16xf32> to vector<16xf32>
        %mul3A_2205 = arith.mulf %get3A_2204, %broadcast_in_dim3A_2166 : vector<16xf32>
        %swap3A_2206 = arith.index_cast %add3A_2170 : i32 to index
        %swap3A_2207 = arith.constant 48 : index
        %swap3A_2208 = tpu.vector_load %arg10[%swap3A_2206, %swap3A_2207] {strides = array<i32>} : memref<200x128xf32, #tpu.memory_space<vmem>>, vector<1x16xf32>,
        %swap3A_2209 = vector.shape_cast %swap3A_2208 : vector<1x16xf32> to vector<16xf32>
        %swap3A_2210 = vector.shape_cast %mul3A_2205 : vector<16xf32> to vector<1x16xf32>
        tpu.vector_store %arg10[%swap3A_2206, %swap3A_2207], %swap3A_2210 {strides = array<i32>} : memref<200x128xf32, #tpu.memory_space<vmem>>, vector<1x16xf32>,
        %get3A_2211 = arith.index_cast %add3A_2170 : i32 to index
        %get3A_2212 = arith.constant 64 : index
        %get3A_2213 = tpu.vector_load %arg10[%get3A_2211, %get3A_2212] {strides = array<i32>} : memref<200x128xf32, #tpu.memory_space<vmem>>, vector<1x16xf32>,
        %get3A_2214 = vector.shape_cast %get3A_2213 : vector<1x16xf32> to vector<16xf32>
        %mul3A_2215 = arith.mulf %get3A_2214, %broadcast_in_dim3A_2166 : vector<16xf32>
        %swap3A_2216 = arith.index_cast %add3A_2170 : i32 to index
        %swap3A_2217 = arith.constant 64 : index
        %swap3A_2218 = tpu.vector_load %arg10[%swap3A_2216, %swap3A_2217] {strides = array<i32>} : memref<200x128xf32, #tpu.memory_space<vmem>>, vector<1x16xf32>,
        %swap3A_2219 = vector.shape_cast %swap3A_2218 : vector<1x16xf32> to vector<16xf32>
        %swap3A_2220 = vector.shape_cast %mul3A_2215 : vector<16xf32> to vector<1x16xf32>
        tpu.vector_store %arg10[%swap3A_2216, %swap3A_2217], %swap3A_2220 {strides = array<i32>} : memref<200x128xf32, #tpu.memory_space<vmem>>, vector<1x16xf32>,
        %get3A_2221 = arith.index_cast %add3A_2170 : i32 to index
        %get3A_2222 = arith.constant 80 : index
        %get3A_2223 = tpu.vector_load %arg10[%get3A_2221, %get3A_2222] {strides = array<i32>} : memref<200x128xf32, #tpu.memory_space<vmem>>, vector<1x16xf32>,
        %get3A_2224 = vector.shape_cast %get3A_2223 : vector<1x16xf32> to vector<16xf32>
        %mul3A_2225 = arith.mulf %get3A_2224, %broadcast_in_dim3A_2166 : vector<16xf32>
        %swap3A_2226 = arith.index_cast %add3A_2170 : i32 to index
        %swap3A_2227 = arith.constant 80 : index
        %swap3A_2228 = tpu.vector_load %arg10[%swap3A_2226, %swap3A_2227] {strides = array<i32>} : memref<200x128xf32, #tpu.memory_space<vmem>>, vector<1x16xf32>,
        %swap3A_2229 = vector.shape_cast %swap3A_2228 : vector<1x16xf32> to vector<16xf32>
        %swap3A_2230 = vector.shape_cast %mul3A_2225 : vector<16xf32> to vector<1x16xf32>
        tpu.vector_store %arg10[%swap3A_2226, %swap3A_2227], %swap3A_2230 {strides = array<i32>} : memref<200x128xf32, #tpu.memory_space<vmem>>, vector<1x16xf32>,
        %get3A_2231 = arith.index_cast %add3A_2170 : i32 to index
        %get3A_2232 = arith.constant 96 : index
        %get3A_2233 = tpu.vector_load %arg10[%get3A_2231, %get3A_2232] {strides = array<i32>} : memref<200x128xf32, #tpu.memory_space<vmem>>, vector<1x16xf32>,
        %get3A_2234 = vector.shape_cast %get3A_2233 : vector<1x16xf32> to vector<16xf32>
        %mul3A_2235 = arith.mulf %get3A_2234, %broadcast_in_dim3A_2166 : vector<16xf32>
        %swap3A_2236 = arith.index_cast %add3A_2170 : i32 to index
        %swap3A_2237 = arith.constant 96 : index
        %swap3A_2238 = tpu.vector_load %arg10[%swap3A_2236, %swap3A_2237] {strides = array<i32>} : memref<200x128xf32, #tpu.memory_space<vmem>>, vector<1x16xf32>,
        %swap3A_2239 = vector.shape_cast %swap3A_2238 : vector<1x16xf32> to vector<16xf32>
        %swap3A_2240 = vector.shape_cast %mul3A_2235 : vector<16xf32> to vector<1x16xf32>
        tpu.vector_store %arg10[%swap3A_2236, %swap3A_2237], %swap3A_2240 {strides = array<i32>} : memref<200x128xf32, #tpu.memory_space<vmem>>, vector<1x16xf32>,
        %get3A_2241 = arith.index_cast %add3A_2170 : i32 to index
        %get3A_2242 = arith.constant 112 : index
        %get3A_2243 = tpu.vector_load %arg10[%get3A_2241, %get3A_2242] {strides = array<i32>} : memref<200x128xf32, #tpu.memory_space<vmem>>, vector<1x16xf32>,
        %get3A_2244 = vector.shape_cast %get3A_2243 : vector<1x16xf32> to vector<16xf32>
        %mul3A_2245 = arith.mulf %get3A_2244, %broadcast_in_dim3A_2166 : vector<16xf32>
        %swap3A_2246 = arith.index_cast %add3A_2170 : i32 to index
        %swap3A_2247 = arith.constant 112 : index
        %swap3A_2248 = tpu.vector_load %arg10[%swap3A_2246, %swap3A_2247] {strides = array<i32>} : memref<200x128xf32, #tpu.memory_space<vmem>>, vector<1x16xf32>,
        %swap3A_2249 = vector.shape_cast %swap3A_2248 : vector<1x16xf32> to vector<16xf32>
        %swap3A_2250 = vector.shape_cast %mul3A_2245 : vector<16xf32> to vector<1x16xf32>
        tpu.vector_store %arg10[%swap3A_2246, %swap3A_2247], %swap3A_2250 {strides = array<i32>} : memref<200x128xf32, #tpu.memory_space<vmem>>, vector<1x16xf32>,
        %scan3A_2251 = arith.constant 0 : i32
        scf.yield %scan3A_2251 : i32
      }
      %scan3A_60 = arith.constant 12 : i32
      %get3A = arith.constant 192 : index
      %get3A_61 = tpu.vector_load %arg9[%get3A] {strides = array<i32>} : memref<208xf32, #tpu.memory_space<vmem>>, vector<16xf32>,
      %get3A_62 = vector.shape_cast %get3A_61 : vector<16xf32> to vector<16xf32>
      %slice3A = vector.extract_strided_slice %get3A_62 {offsets = [0], sizes = [1], strides = [1]} : vector<16xf32> to vector<1xf32>
      %squeeze3A = vector.extract %slice3A[0] : f32 from vector<1xf32>
      %broadcast_in_dim3A = vector.broadcast %squeeze3A : f32 to vector<16xf32>
      %get3A_63 = arith.constant 192 : i32
      %get3A_64 = arith.index_cast %get3A_63 : i32 to index
      %get3A_65 = arith.constant 0 : index
      %get3A_66 = tpu.vector_load %arg10[%get3A_64, %get3A_65] {strides = array<i32>} : memref<200x128xf32, #tpu.memory_space<vmem>>, vector<1x16xf32>,
      %get3A_67 = vector.shape_cast %get3A_66 : vector<1x16xf32> to vector<16xf32>
      %mul3A_68 = arith.mulf %get3A_67, %broadcast_in_dim3A : vector<16xf32>
      %swap3A = arith.constant 192 : i32
      %swap3A_69 = arith.index_cast %swap3A : i32 to index
      %swap3A_70 = arith.constant 0 : index
      %swap3A_71 = tpu.vector_load %arg10[%swap3A_69, %swap3A_70] {strides = array<i32>} : memref<200x128xf32, #tpu.memory_space<vmem>>, vector<1x16xf32>,
      %swap3A_72 = vector.shape_cast %swap3A_71 : vector<1x16xf32> to vector<16xf32>
      %swap3A_73 = vector.shape_cast %mul3A_68 : vector<16xf32> to vector<1x16xf32>
      tpu.vector_store %arg10[%swap3A_69, %swap3A_70], %swap3A_73 {strides = array<i32>} : memref<200x128xf32, #tpu.memory_space<vmem>>, vector<1x16xf32>,
      %get3A_74 = arith.constant 192 : i32
      %get3A_75 = arith.index_cast %get3A_74 : i32 to index
      %get3A_76 = arith.constant 16 : index
      %get3A_77 = tpu.vector_load %arg10[%get3A_75, %get3A_76] {strides = array<i32>} : memref<200x128xf32, #tpu.memory_space<vmem>>, vector<1x16xf32>,
      %get3A_78 = vector.shape_cast %get3A_77 : vector<1x16xf32> to vector<16xf32>
      %mul3A_79 = arith.mulf %get3A_78, %broadcast_in_dim3A : vector<16xf32>
      %swap3A_80 = arith.constant 192 : i32
      %swap3A_81 = arith.index_cast %swap3A_80 : i32 to index
      %swap3A_82 = arith.constant 16 : index
      %swap3A_83 = tpu.vector_load %arg10[%swap3A_81, %swap3A_82] {strides = array<i32>} : memref<200x128xf32, #tpu.memory_space<vmem>>, vector<1x16xf32>,
      %swap3A_84 = vector.shape_cast %swap3A_83 : vector<1x16xf32> to vector<16xf32>
      %swap3A_85 = vector.shape_cast %mul3A_79 : vector<16xf32> to vector<1x16xf32>
      tpu.vector_store %arg10[%swap3A_81, %swap3A_82], %swap3A_85 {strides = array<i32>} : memref<200x128xf32, #tpu.memory_space<vmem>>, vector<1x16xf32>,
      %get3A_86 = arith.constant 192 : i32
      %get3A_87 = arith.index_cast %get3A_86 : i32 to index
      %get3A_88 = arith.constant 32 : index
      %get3A_89 = tpu.vector_load %arg10[%get3A_87, %get3A_88] {strides = array<i32>} : memref<200x128xf32, #tpu.memory_space<vmem>>, vector<1x16xf32>,
      %get3A_90 = vector.shape_cast %get3A_89 : vector<1x16xf32> to vector<16xf32>
      %mul3A_91 = arith.mulf %get3A_90, %broadcast_in_dim3A : vector<16xf32>
      %swap3A_92 = arith.constant 192 : i32
      %swap3A_93 = arith.index_cast %swap3A_92 : i32 to index
      %swap3A_94 = arith.constant 32 : index
      %swap3A_95 = tpu.vector_load %arg10[%swap3A_93, %swap3A_94] {strides = array<i32>} : memref<200x128xf32, #tpu.memory_space<vmem>>, vector<1x16xf32>,
      %swap3A_96 = vector.shape_cast %swap3A_95 : vector<1x16xf32> to vector<16xf32>
      %swap3A_97 = vector.shape_cast %mul3A_91 : vector<16xf32> to vector<1x16xf32>
      tpu.vector_store %arg10[%swap3A_93, %swap3A_94], %swap3A_97 {strides = array<i32>} : memref<200x128xf32, #tpu.memory_space<vmem>>, vector<1x16xf32>,
      %get3A_98 = arith.constant 192 : i32
      %get3A_99 = arith.index_cast %get3A_98 : i32 to index
      %get3A_100 = arith.constant 48 : index
      %get3A_101 = tpu.vector_load %arg10[%get3A_99, %get3A_100] {strides = array<i32>} : memref<200x128xf32, #tpu.memory_space<vmem>>, vector<1x16xf32>,
      %get3A_102 = vector.shape_cast %get3A_101 : vector<1x16xf32> to vector<16xf32>
      %mul3A_103 = arith.mulf %get3A_102, %broadcast_in_dim3A : vector<16xf32>
      %swap3A_104 = arith.constant 192 : i32
      %swap3A_105 = arith.index_cast %swap3A_104 : i32 to index
      %swap3A_106 = arith.constant 48 : index
      %swap3A_107 = tpu.vector_load %arg10[%swap3A_105, %swap3A_106] {strides = array<i32>} : memref<200x128xf32, #tpu.memory_space<vmem>>, vector<1x16xf32>,
      %swap3A_108 = vector.shape_cast %swap3A_107 : vector<1x16xf32> to vector<16xf32>
      %swap3A_109 = vector.shape_cast %mul3A_103 : vector<16xf32> to vector<1x16xf32>
      tpu.vector_store %arg10[%swap3A_105, %swap3A_106], %swap3A_109 {strides = array<i32>} : memref<200x128xf32, #tpu.memory_space<vmem>>, vector<1x16xf32>,
      %get3A_110 = arith.constant 192 : i32
      %get3A_111 = arith.index_cast %get3A_110 : i32 to index
      %get3A_112 = arith.constant 64 : index
      %get3A_113 = tpu.vector_load %arg10[%get3A_111, %get3A_112] {strides = array<i32>} : memref<200x128xf32, #tpu.memory_space<vmem>>, vector<1x16xf32>,
      %get3A_114 = vector.shape_cast %get3A_113 : vector<1x16xf32> to vector<16xf32>
      %mul3A_115 = arith.mulf %get3A_114, %broadcast_in_dim3A : vector<16xf32>
      %swap3A_116 = arith.constant 192 : i32
      %swap3A_117 = arith.index_cast %swap3A_116 : i32 to index
      %swap3A_118 = arith.constant 64 : index
      %swap3A_119 = tpu.vector_load %arg10[%swap3A_117, %swap3A_118] {strides = array<i32>} : memref<200x128xf32, #tpu.memory_space<vmem>>, vector<1x16xf32>,
      %swap3A_120 = vector.shape_cast %swap3A_119 : vector<1x16xf32> to vector<16xf32>
      %swap3A_121 = vector.shape_cast %mul3A_115 : vector<16xf32> to vector<1x16xf32>
      tpu.vector_store %arg10[%swap3A_117, %swap3A_118], %swap3A_121 {strides = array<i32>} : memref<200x128xf32, #tpu.memory_space<vmem>>, vector<1x16xf32>,
      %get3A_122 = arith.constant 192 : i32
      %get3A_123 = arith.index_cast %get3A_122 : i32 to index
      %get3A_124 = arith.constant 80 : index
      %get3A_125 = tpu.vector_load %arg10[%get3A_123, %get3A_124] {strides = array<i32>} : memref<200x128xf32, #tpu.memory_space<vmem>>, vector<1x16xf32>,
      %get3A_126 = vector.shape_cast %get3A_125 : vector<1x16xf32> to vector<16xf32>
      %mul3A_127 = arith.mulf %get3A_126, %broadcast_in_dim3A : vector<16xf32>
      %swap3A_128 = arith.constant 192 : i32
      %swap3A_129 = arith.index_cast %swap3A_128 : i32 to index
      %swap3A_130 = arith.constant 80 : index
      %swap3A_131 = tpu.vector_load %arg10[%swap3A_129, %swap3A_130] {strides = array<i32>} : memref<200x128xf32, #tpu.memory_space<vmem>>, vector<1x16xf32>,
      %swap3A_132 = vector.shape_cast %swap3A_131 : vector<1x16xf32> to vector<16xf32>
      %swap3A_133 = vector.shape_cast %mul3A_127 : vector<16xf32> to vector<1x16xf32>
      tpu.vector_store %arg10[%swap3A_129, %swap3A_130], %swap3A_133 {strides = array<i32>} : memref<200x128xf32, #tpu.memory_space<vmem>>, vector<1x16xf32>,
      %get3A_134 = arith.constant 192 : i32
      %get3A_135 = arith.index_cast %get3A_134 : i32 to index
      %get3A_136 = arith.constant 96 : index
      %get3A_137 = tpu.vector_load %arg10[%get3A_135, %get3A_136] {strides = array<i32>} : memref<200x128xf32, #tpu.memory_space<vmem>>, vector<1x16xf32>,
      %get3A_138 = vector.shape_cast %get3A_137 : vector<1x16xf32> to vector<16xf32>
      %mul3A_139 = arith.mulf %get3A_138, %broadcast_in_dim3A : vector<16xf32>
      %swap3A_140 = arith.constant 192 : i32
      %swap3A_141 = arith.index_cast %swap3A_140 : i32 to index
      %swap3A_142 = arith.constant 96 : index
      %swap3A_143 = tpu.vector_load %arg10[%swap3A_141, %swap3A_142] {strides = array<i32>} : memref<200x128xf32, #tpu.memory_space<vmem>>, vector<1x16xf32>,
      %swap3A_144 = vector.shape_cast %swap3A_143 : vector<1x16xf32> to vector<16xf32>
      %swap3A_145 = vector.shape_cast %mul3A_139 : vector<16xf32> to vector<1x16xf32>
      tpu.vector_store %arg10[%swap3A_141, %swap3A_142], %swap3A_145 {strides = array<i32>} : memref<200x128xf32, #tpu.memory_space<vmem>>, vector<1x16xf32>,
      %get3A_146 = arith.constant 192 : i32
      %get3A_147 = arith.index_cast %get3A_146 : i32 to index
      %get3A_148 = arith.constant 112 : index
      %get3A_149 = tpu.vector_load %arg10[%get3A_147, %get3A_148] {strides = array<i32>} : memref<200x128xf32, #tpu.memory_space<vmem>>, vector<1x16xf32>,
      %get3A_150 = vector.shape_cast %get3A_149 : vector<1x16xf32> to vector<16xf32>
      %mul3A_151 = arith.mulf %get3A_150, %broadcast_in_dim3A : vector<16xf32>
      %swap3A_152 = arith.constant 192 : i32
      %swap3A_153 = arith.index_cast %swap3A_152 : i32 to index
      %swap3A_154 = arith.constant 112 : index
      %swap3A_155 = tpu.vector_load %arg10[%swap3A_153, %swap3A_154] {strides = array<i32>} : memref<200x128xf32, #tpu.memory_space<vmem>>, vector<1x16xf32>,
      %swap3A_156 = vector.shape_cast %swap3A_155 : vector<1x16xf32> to vector<16xf32>
      %swap3A_157 = vector.shape_cast %mul3A_151 : vector<16xf32> to vector<1x16xf32>
      tpu.vector_store %arg10[%swap3A_153, %swap3A_154], %swap3A_157 {strides = array<i32>} : memref<200x128xf32, #tpu.memory_space<vmem>>, vector<1x16xf32>,
      %slice3A_158 = vector.extract_strided_slice %get3A_62 {offsets = [1], sizes = [1], strides = [1]} : vector<16xf32> to vector<1xf32>
      %squeeze3A_159 = vector.extract %slice3A_158[0] : f32 from vector<1xf32>
      %broadcast_in_dim3A_160 = vector.broadcast %squeeze3A_159 : f32 to vector<16xf32>
      %get3A_161 = arith.constant 193 : i32
      %get3A_162 = arith.index_cast %get3A_161 : i32 to index
      %get3A_163 = arith.constant 0 : index
      %get3A_164 = tpu.vector_load %arg10[%get3A_162, %get3A_163] {strides = array<i32>} : memref<200x128xf32, #tpu.memory_space<vmem>>, vector<1x16xf32>,
      %get3A_165 = vector.shape_cast %get3A_164 : vector<1x16xf32> to vector<16xf32>
      %mul3A_166 = arith.mulf %get3A_165, %broadcast_in_dim3A_160 : vector<16xf32>
      %swap3A_167 = arith.constant 193 : i32
      %swap3A_168 = arith.index_cast %swap3A_167 : i32 to index
      %swap3A_169 = arith.constant 0 : index
      %swap3A_170 = tpu.vector_load %arg10[%swap3A_168, %swap3A_169] {strides = array<i32>} : memref<200x128xf32, #tpu.memory_space<vmem>>, vector<1x16xf32>,
      %swap3A_171 = vector.shape_cast %swap3A_170 : vector<1x16xf32> to vector<16xf32>
      %swap3A_172 = vector.shape_cast %mul3A_166 : vector<16xf32> to vector<1x16xf32>
      tpu.vector_store %arg10[%swap3A_168, %swap3A_169], %swap3A_172 {strides = array<i32>} : memref<200x128xf32, #tpu.memory_space<vmem>>, vector<1x16xf32>,
      %get3A_173 = arith.constant 193 : i32
      %get3A_174 = arith.index_cast %get3A_173 : i32 to index
      %get3A_175 = arith.constant 16 : index
      %get3A_176 = tpu.vector_load %arg10[%get3A_174, %get3A_175] {strides = array<i32>} : memref<200x128xf32, #tpu.memory_space<vmem>>, vector<1x16xf32>,
      %get3A_177 = vector.shape_cast %get3A_176 : vector<1x16xf32> to vector<16xf32>
      %mul3A_178 = arith.mulf %get3A_177, %broadcast_in_dim3A_160 : vector<16xf32>
      %swap3A_179 = arith.constant 193 : i32
      %swap3A_180 = arith.index_cast %swap3A_179 : i32 to index
      %swap3A_181 = arith.constant 16 : index
      %swap3A_182 = tpu.vector_load %arg10[%swap3A_180, %swap3A_181] {strides = array<i32>} : memref<200x128xf32, #tpu.memory_space<vmem>>, vector<1x16xf32>,
      %swap3A_183 = vector.shape_cast %swap3A_182 : vector<1x16xf32> to vector<16xf32>
      %swap3A_184 = vector.shape_cast %mul3A_178 : vector<16xf32> to vector<1x16xf32>
      tpu.vector_store %arg10[%swap3A_180, %swap3A_181], %swap3A_184 {strides = array<i32>} : memref<200x128xf32, #tpu.memory_space<vmem>>, vector<1x16xf32>,
      %get3A_185 = arith.constant 193 : i32
      %get3A_186 = arith.index_cast %get3A_185 : i32 to index
      %get3A_187 = arith.constant 32 : index
      %get3A_188 = tpu.vector_load %arg10[%get3A_186, %get3A_187] {strides = array<i32>} : memref<200x128xf32, #tpu.memory_space<vmem>>, vector<1x16xf32>,
      %get3A_189 = vector.shape_cast %get3A_188 : vector<1x16xf32> to vector<16xf32>
      %mul3A_190 = arith.mulf %get3A_189, %broadcast_in_dim3A_160 : vector<16xf32>
      %swap3A_191 = arith.constant 193 : i32
      %swap3A_192 = arith.index_cast %swap3A_191 : i32 to index
      %swap3A_193 = arith.constant 32 : index
      %swap3A_194 = tpu.vector_load %arg10[%swap3A_192, %swap3A_193] {strides = array<i32>} : memref<200x128xf32, #tpu.memory_space<vmem>>, vector<1x16xf32>,
      %swap3A_195 = vector.shape_cast %swap3A_194 : vector<1x16xf32> to vector<16xf32>
      %swap3A_196 = vector.shape_cast %mul3A_190 : vector<16xf32> to vector<1x16xf32>
      tpu.vector_store %arg10[%swap3A_192, %swap3A_193], %swap3A_196 {strides = array<i32>} : memref<200x128xf32, #tpu.memory_space<vmem>>, vector<1x16xf32>,
      %get3A_197 = arith.constant 193 : i32
      %get3A_198 = arith.index_cast %get3A_197 : i32 to index
      %get3A_199 = arith.constant 48 : index
      %get3A_200 = tpu.vector_load %arg10[%get3A_198, %get3A_199] {strides = array<i32>} : memref<200x128xf32, #tpu.memory_space<vmem>>, vector<1x16xf32>,
      %get3A_201 = vector.shape_cast %get3A_200 : vector<1x16xf32> to vector<16xf32>
      %mul3A_202 = arith.mulf %get3A_201, %broadcast_in_dim3A_160 : vector<16xf32>
      %swap3A_203 = arith.constant 193 : i32
      %swap3A_204 = arith.index_cast %swap3A_203 : i32 to index
      %swap3A_205 = arith.constant 48 : index
      %swap3A_206 = tpu.vector_load %arg10[%swap3A_204, %swap3A_205] {strides = array<i32>} : memref<200x128xf32, #tpu.memory_space<vmem>>, vector<1x16xf32>,
      %swap3A_207 = vector.shape_cast %swap3A_206 : vector<1x16xf32> to vector<16xf32>
      %swap3A_208 = vector.shape_cast %mul3A_202 : vector<16xf32> to vector<1x16xf32>
      tpu.vector_store %arg10[%swap3A_204, %swap3A_205], %swap3A_208 {strides = array<i32>} : memref<200x128xf32, #tpu.memory_space<vmem>>, vector<1x16xf32>,
      %get3A_209 = arith.constant 193 : i32
      %get3A_210 = arith.index_cast %get3A_209 : i32 to index
      %get3A_211 = arith.constant 64 : index
      %get3A_212 = tpu.vector_load %arg10[%get3A_210, %get3A_211] {strides = array<i32>} : memref<200x128xf32, #tpu.memory_space<vmem>>, vector<1x16xf32>,
      %get3A_213 = vector.shape_cast %get3A_212 : vector<1x16xf32> to vector<16xf32>
      %mul3A_214 = arith.mulf %get3A_213, %broadcast_in_dim3A_160 : vector<16xf32>
      %swap3A_215 = arith.constant 193 : i32
      %swap3A_216 = arith.index_cast %swap3A_215 : i32 to index
      %swap3A_217 = arith.constant 64 : index
      %swap3A_218 = tpu.vector_load %arg10[%swap3A_216, %swap3A_217] {strides = array<i32>} : memref<200x128xf32, #tpu.memory_space<vmem>>, vector<1x16xf32>,
      %swap3A_219 = vector.shape_cast %swap3A_218 : vector<1x16xf32> to vector<16xf32>
      %swap3A_220 = vector.shape_cast %mul3A_214 : vector<16xf32> to vector<1x16xf32>
      tpu.vector_store %arg10[%swap3A_216, %swap3A_217], %swap3A_220 {strides = array<i32>} : memref<200x128xf32, #tpu.memory_space<vmem>>, vector<1x16xf32>,
      %get3A_221 = arith.constant 193 : i32
      %get3A_222 = arith.index_cast %get3A_221 : i32 to index
      %get3A_223 = arith.constant 80 : index
      %get3A_224 = tpu.vector_load %arg10[%get3A_222, %get3A_223] {strides = array<i32>} : memref<200x128xf32, #tpu.memory_space<vmem>>, vector<1x16xf32>,
      %get3A_225 = vector.shape_cast %get3A_224 : vector<1x16xf32> to vector<16xf32>
      %mul3A_226 = arith.mulf %get3A_225, %broadcast_in_dim3A_160 : vector<16xf32>
      %swap3A_227 = arith.constant 193 : i32
      %swap3A_228 = arith.index_cast %swap3A_227 : i32 to index
      %swap3A_229 = arith.constant 80 : index
      %swap3A_230 = tpu.vector_load %arg10[%swap3A_228, %swap3A_229] {strides = array<i32>} : memref<200x128xf32, #tpu.memory_space<vmem>>, vector<1x16xf32>,
      %swap3A_231 = vector.shape_cast %swap3A_230 : vector<1x16xf32> to vector<16xf32>
      %swap3A_232 = vector.shape_cast %mul3A_226 : vector<16xf32> to vector<1x16xf32>
      tpu.vector_store %arg10[%swap3A_228, %swap3A_229], %swap3A_232 {strides = array<i32>} : memref<200x128xf32, #tpu.memory_space<vmem>>, vector<1x16xf32>,
      %get3A_233 = arith.constant 193 : i32
      %get3A_234 = arith.index_cast %get3A_233 : i32 to index
      %get3A_235 = arith.constant 96 : index
      %get3A_236 = tpu.vector_load %arg10[%get3A_234, %get3A_235] {strides = array<i32>} : memref<200x128xf32, #tpu.memory_space<vmem>>, vector<1x16xf32>,
      %get3A_237 = vector.shape_cast %get3A_236 : vector<1x16xf32> to vector<16xf32>
      %mul3A_238 = arith.mulf %get3A_237, %broadcast_in_dim3A_160 : vector<16xf32>
      %swap3A_239 = arith.constant 193 : i32
      %swap3A_240 = arith.index_cast %swap3A_239 : i32 to index
      %swap3A_241 = arith.constant 96 : index
      %swap3A_242 = tpu.vector_load %arg10[%swap3A_240, %swap3A_241] {strides = array<i32>} : memref<200x128xf32, #tpu.memory_space<vmem>>, vector<1x16xf32>,
      %swap3A_243 = vector.shape_cast %swap3A_242 : vector<1x16xf32> to vector<16xf32>
      %swap3A_244 = vector.shape_cast %mul3A_238 : vector<16xf32> to vector<1x16xf32>
      tpu.vector_store %arg10[%swap3A_240, %swap3A_241], %swap3A_244 {strides = array<i32>} : memref<200x128xf32, #tpu.memory_space<vmem>>, vector<1x16xf32>,
      %get3A_245 = arith.constant 193 : i32
      %get3A_246 = arith.index_cast %get3A_245 : i32 to index
      %get3A_247 = arith.constant 112 : index
      %get3A_248 = tpu.vector_load %arg10[%get3A_246, %get3A_247] {strides = array<i32>} : memref<200x128xf32, #tpu.memory_space<vmem>>, vector<1x16xf32>,
      %get3A_249 = vector.shape_cast %get3A_248 : vector<1x16xf32> to vector<16xf32>
      %mul3A_250 = arith.mulf %get3A_249, %broadcast_in_dim3A_160 : vector<16xf32>
      %swap3A_251 = arith.constant 193 : i32
      %swap3A_252 = arith.index_cast %swap3A_251 : i32 to index
      %swap3A_253 = arith.constant 112 : index
      %swap3A_254 = tpu.vector_load %arg10[%swap3A_252, %swap3A_253] {strides = array<i32>} : memref<200x128xf32, #tpu.memory_space<vmem>>, vector<1x16xf32>,
      %swap3A_255 = vector.shape_cast %swap3A_254 : vector<1x16xf32> to vector<16xf32>
      %swap3A_256 = vector.shape_cast %mul3A_250 : vector<16xf32> to vector<1x16xf32>
      tpu.vector_store %arg10[%swap3A_252, %swap3A_253], %swap3A_256 {strides = array<i32>} : memref<200x128xf32, #tpu.memory_space<vmem>>, vector<1x16xf32>,
      %slice3A_257 = vector.extract_strided_slice %get3A_62 {offsets = [2], sizes = [1], strides = [1]} : vector<16xf32> to vector<1xf32>
      %squeeze3A_258 = vector.extract %slice3A_257[0] : f32 from vector<1xf32>
      %broadcast_in_dim3A_259 = vector.broadcast %squeeze3A_258 : f32 to vector<16xf32>
      %get3A_260 = arith.constant 194 : i32
      %get3A_261 = arith.index_cast %get3A_260 : i32 to index
      %get3A_262 = arith.constant 0 : index
      %get3A_263 = tpu.vector_load %arg10[%get3A_261, %get3A_262] {strides = array<i32>} : memref<200x128xf32, #tpu.memory_space<vmem>>, vector<1x16xf32>,
      %get3A_264 = vector.shape_cast %get3A_263 : vector<1x16xf32> to vector<16xf32>
      %mul3A_265 = arith.mulf %get3A_264, %broadcast_in_dim3A_259 : vector<16xf32>
      %swap3A_266 = arith.constant 194 : i32
      %swap3A_267 = arith.index_cast %swap3A_266 : i32 to index
      %swap3A_268 = arith.constant 0 : index
      %swap3A_269 = tpu.vector_load %arg10[%swap3A_267, %swap3A_268] {strides = array<i32>} : memref<200x128xf32, #tpu.memory_space<vmem>>, vector<1x16xf32>,
      %swap3A_270 = vector.shape_cast %swap3A_269 : vector<1x16xf32> to vector<16xf32>
      %swap3A_271 = vector.shape_cast %mul3A_265 : vector<16xf32> to vector<1x16xf32>
      tpu.vector_store %arg10[%swap3A_267, %swap3A_268], %swap3A_271 {strides = array<i32>} : memref<200x128xf32, #tpu.memory_space<vmem>>, vector<1x16xf32>,
      %get3A_272 = arith.constant 194 : i32
      %get3A_273 = arith.index_cast %get3A_272 : i32 to index
      %get3A_274 = arith.constant 16 : index
      %get3A_275 = tpu.vector_load %arg10[%get3A_273, %get3A_274] {strides = array<i32>} : memref<200x128xf32, #tpu.memory_space<vmem>>, vector<1x16xf32>,
      %get3A_276 = vector.shape_cast %get3A_275 : vector<1x16xf32> to vector<16xf32>
      %mul3A_277 = arith.mulf %get3A_276, %broadcast_in_dim3A_259 : vector<16xf32>
      %swap3A_278 = arith.constant 194 : i32
      %swap3A_279 = arith.index_cast %swap3A_278 : i32 to index
      %swap3A_280 = arith.constant 16 : index
      %swap3A_281 = tpu.vector_load %arg10[%swap3A_279, %swap3A_280] {strides = array<i32>} : memref<200x128xf32, #tpu.memory_space<vmem>>, vector<1x16xf32>,
      %swap3A_282 = vector.shape_cast %swap3A_281 : vector<1x16xf32> to vector<16xf32>
      %swap3A_283 = vector.shape_cast %mul3A_277 : vector<16xf32> to vector<1x16xf32>
      tpu.vector_store %arg10[%swap3A_279, %swap3A_280], %swap3A_283 {strides = array<i32>} : memref<200x128xf32, #tpu.memory_space<vmem>>, vector<1x16xf32>,
      %get3A_284 = arith.constant 194 : i32
      %get3A_285 = arith.index_cast %get3A_284 : i32 to index
      %get3A_286 = arith.constant 32 : index
      %get3A_287 = tpu.vector_load %arg10[%get3A_285, %get3A_286] {strides = array<i32>} : memref<200x128xf32, #tpu.memory_space<vmem>>, vector<1x16xf32>,
      %get3A_288 = vector.shape_cast %get3A_287 : vector<1x16xf32> to vector<16xf32>
      %mul3A_289 = arith.mulf %get3A_288, %broadcast_in_dim3A_259 : vector<16xf32>
      %swap3A_290 = arith.constant 194 : i32
      %swap3A_291 = arith.index_cast %swap3A_290 : i32 to index
      %swap3A_292 = arith.constant 32 : index
      %swap3A_293 = tpu.vector_load %arg10[%swap3A_291, %swap3A_292] {strides = array<i32>} : memref<200x128xf32, #tpu.memory_space<vmem>>, vector<1x16xf32>,
      %swap3A_294 = vector.shape_cast %swap3A_293 : vector<1x16xf32> to vector<16xf32>
      %swap3A_295 = vector.shape_cast %mul3A_289 : vector<16xf32> to vector<1x16xf32>
      tpu.vector_store %arg10[%swap3A_291, %swap3A_292], %swap3A_295 {strides = array<i32>} : memref<200x128xf32, #tpu.memory_space<vmem>>, vector<1x16xf32>,
      %get3A_296 = arith.constant 194 : i32
      %get3A_297 = arith.index_cast %get3A_296 : i32 to index
      %get3A_298 = arith.constant 48 : index
      %get3A_299 = tpu.vector_load %arg10[%get3A_297, %get3A_298] {strides = array<i32>} : memref<200x128xf32, #tpu.memory_space<vmem>>, vector<1x16xf32>,
      %get3A_300 = vector.shape_cast %get3A_299 : vector<1x16xf32> to vector<16xf32>
      %mul3A_301 = arith.mulf %get3A_300, %broadcast_in_dim3A_259 : vector<16xf32>
      %swap3A_302 = arith.constant 194 : i32
      %swap3A_303 = arith.index_cast %swap3A_302 : i32 to index
      %swap3A_304 = arith.constant 48 : index
      %swap3A_305 = tpu.vector_load %arg10[%swap3A_303, %swap3A_304] {strides = array<i32>} : memref<200x128xf32, #tpu.memory_space<vmem>>, vector<1x16xf32>,
      %swap3A_306 = vector.shape_cast %swap3A_305 : vector<1x16xf32> to vector<16xf32>
      %swap3A_307 = vector.shape_cast %mul3A_301 : vector<16xf32> to vector<1x16xf32>
      tpu.vector_store %arg10[%swap3A_303, %swap3A_304], %swap3A_307 {strides = array<i32>} : memref<200x128xf32, #tpu.memory_space<vmem>>, vector<1x16xf32>,
      %get3A_308 = arith.constant 194 : i32
      %get3A_309 = arith.index_cast %get3A_308 : i32 to index
      %get3A_310 = arith.constant 64 : index
      %get3A_311 = tpu.vector_load %arg10[%get3A_309, %get3A_310] {strides = array<i32>} : memref<200x128xf32, #tpu.memory_space<vmem>>, vector<1x16xf32>,
      %get3A_312 = vector.shape_cast %get3A_311 : vector<1x16xf32> to vector<16xf32>
      %mul3A_313 = arith.mulf %get3A_312, %broadcast_in_dim3A_259 : vector<16xf32>
      %swap3A_314 = arith.constant 194 : i32
      %swap3A_315 = arith.index_cast %swap3A_314 : i32 to index
      %swap3A_316 = arith.constant 64 : index
      %swap3A_317 = tpu.vector_load %arg10[%swap3A_315, %swap3A_316] {strides = array<i32>} : memref<200x128xf32, #tpu.memory_space<vmem>>, vector<1x16xf32>,
      %swap3A_318 = vector.shape_cast %swap3A_317 : vector<1x16xf32> to vector<16xf32>
      %swap3A_319 = vector.shape_cast %mul3A_313 : vector<16xf32> to vector<1x16xf32>
      tpu.vector_store %arg10[%swap3A_315, %swap3A_316], %swap3A_319 {strides = array<i32>} : memref<200x128xf32, #tpu.memory_space<vmem>>, vector<1x16xf32>,
      %get3A_320 = arith.constant 194 : i32
      %get3A_321 = arith.index_cast %get3A_320 : i32 to index
      %get3A_322 = arith.constant 80 : index
      %get3A_323 = tpu.vector_load %arg10[%get3A_321, %get3A_322] {strides = array<i32>} : memref<200x128xf32, #tpu.memory_space<vmem>>, vector<1x16xf32>,
      %get3A_324 = vector.shape_cast %get3A_323 : vector<1x16xf32> to vector<16xf32>
      %mul3A_325 = arith.mulf %get3A_324, %broadcast_in_dim3A_259 : vector<16xf32>
      %swap3A_326 = arith.constant 194 : i32
      %swap3A_327 = arith.index_cast %swap3A_326 : i32 to index
      %swap3A_328 = arith.constant 80 : index
      %swap3A_329 = tpu.vector_load %arg10[%swap3A_327, %swap3A_328] {strides = array<i32>} : memref<200x128xf32, #tpu.memory_space<vmem>>, vector<1x16xf32>,
      %swap3A_330 = vector.shape_cast %swap3A_329 : vector<1x16xf32> to vector<16xf32>
      %swap3A_331 = vector.shape_cast %mul3A_325 : vector<16xf32> to vector<1x16xf32>
      tpu.vector_store %arg10[%swap3A_327, %swap3A_328], %swap3A_331 {strides = array<i32>} : memref<200x128xf32, #tpu.memory_space<vmem>>, vector<1x16xf32>,
      %get3A_332 = arith.constant 194 : i32
      %get3A_333 = arith.index_cast %get3A_332 : i32 to index
      %get3A_334 = arith.constant 96 : index
      %get3A_335 = tpu.vector_load %arg10[%get3A_333, %get3A_334] {strides = array<i32>} : memref<200x128xf32, #tpu.memory_space<vmem>>, vector<1x16xf32>,
      %get3A_336 = vector.shape_cast %get3A_335 : vector<1x16xf32> to vector<16xf32>
      %mul3A_337 = arith.mulf %get3A_336, %broadcast_in_dim3A_259 : vector<16xf32>
      %swap3A_338 = arith.constant 194 : i32
      %swap3A_339 = arith.index_cast %swap3A_338 : i32 to index
      %swap3A_340 = arith.constant 96 : index
      %swap3A_341 = tpu.vector_load %arg10[%swap3A_339, %swap3A_340] {strides = array<i32>} : memref<200x128xf32, #tpu.memory_space<vmem>>, vector<1x16xf32>,
      %swap3A_342 = vector.shape_cast %swap3A_341 : vector<1x16xf32> to vector<16xf32>
      %swap3A_343 = vector.shape_cast %mul3A_337 : vector<16xf32> to vector<1x16xf32>
      tpu.vector_store %arg10[%swap3A_339, %swap3A_340], %swap3A_343 {strides = array<i32>} : memref<200x128xf32, #tpu.memory_space<vmem>>, vector<1x16xf32>,
      %get3A_344 = arith.constant 194 : i32
      %get3A_345 = arith.index_cast %get3A_344 : i32 to index
      %get3A_346 = arith.constant 112 : index
      %get3A_347 = tpu.vector_load %arg10[%get3A_345, %get3A_346] {strides = array<i32>} : memref<200x128xf32, #tpu.memory_space<vmem>>, vector<1x16xf32>,
      %get3A_348 = vector.shape_cast %get3A_347 : vector<1x16xf32> to vector<16xf32>
      %mul3A_349 = arith.mulf %get3A_348, %broadcast_in_dim3A_259 : vector<16xf32>
      %swap3A_350 = arith.constant 194 : i32
      %swap3A_351 = arith.index_cast %swap3A_350 : i32 to index
      %swap3A_352 = arith.constant 112 : index
      %swap3A_353 = tpu.vector_load %arg10[%swap3A_351, %swap3A_352] {strides = array<i32>} : memref<200x128xf32, #tpu.memory_space<vmem>>, vector<1x16xf32>,
      %swap3A_354 = vector.shape_cast %swap3A_353 : vector<1x16xf32> to vector<16xf32>
      %swap3A_355 = vector.shape_cast %mul3A_349 : vector<16xf32> to vector<1x16xf32>
      tpu.vector_store %arg10[%swap3A_351, %swap3A_352], %swap3A_355 {strides = array<i32>} : memref<200x128xf32, #tpu.memory_space<vmem>>, vector<1x16xf32>,
      %slice3A_356 = vector.extract_strided_slice %get3A_62 {offsets = [3], sizes = [1], strides = [1]} : vector<16xf32> to vector<1xf32>
      %squeeze3A_357 = vector.extract %slice3A_356[0] : f32 from vector<1xf32>
      %broadcast_in_dim3A_358 = vector.broadcast %squeeze3A_357 : f32 to vector<16xf32>
      %get3A_359 = arith.constant 195 : i32
      %get3A_360 = arith.index_cast %get3A_359 : i32 to index
      %get3A_361 = arith.constant 0 : index
      %get3A_362 = tpu.vector_load %arg10[%get3A_360, %get3A_361] {strides = array<i32>} : memref<200x128xf32, #tpu.memory_space<vmem>>, vector<1x16xf32>,
      %get3A_363 = vector.shape_cast %get3A_362 : vector<1x16xf32> to vector<16xf32>
      %mul3A_364 = arith.mulf %get3A_363, %broadcast_in_dim3A_358 : vector<16xf32>
      %swap3A_365 = arith.constant 195 : i32
      %swap3A_366 = arith.index_cast %swap3A_365 : i32 to index
      %swap3A_367 = arith.constant 0 : index
      %swap3A_368 = tpu.vector_load %arg10[%swap3A_366, %swap3A_367] {strides = array<i32>} : memref<200x128xf32, #tpu.memory_space<vmem>>, vector<1x16xf32>,
      %swap3A_369 = vector.shape_cast %swap3A_368 : vector<1x16xf32> to vector<16xf32>
      %swap3A_370 = vector.shape_cast %mul3A_364 : vector<16xf32> to vector<1x16xf32>
      tpu.vector_store %arg10[%swap3A_366, %swap3A_367], %swap3A_370 {strides = array<i32>} : memref<200x128xf32, #tpu.memory_space<vmem>>, vector<1x16xf32>,
      %get3A_371 = arith.constant 195 : i32
      %get3A_372 = arith.index_cast %get3A_371 : i32 to index
      %get3A_373 = arith.constant 16 : index
      %get3A_374 = tpu.vector_load %arg10[%get3A_372, %get3A_373] {strides = array<i32>} : memref<200x128xf32, #tpu.memory_space<vmem>>, vector<1x16xf32>,
      %get3A_375 = vector.shape_cast %get3A_374 : vector<1x16xf32> to vector<16xf32>
      %mul3A_376 = arith.mulf %get3A_375, %broadcast_in_dim3A_358 : vector<16xf32>
      %swap3A_377 = arith.constant 195 : i32
      %swap3A_378 = arith.index_cast %swap3A_377 : i32 to index
      %swap3A_379 = arith.constant 16 : index
      %swap3A_380 = tpu.vector_load %arg10[%swap3A_378, %swap3A_379] {strides = array<i32>} : memref<200x128xf32, #tpu.memory_space<vmem>>, vector<1x16xf32>,
      %swap3A_381 = vector.shape_cast %swap3A_380 : vector<1x16xf32> to vector<16xf32>
      %swap3A_382 = vector.shape_cast %mul3A_376 : vector<16xf32> to vector<1x16xf32>
      tpu.vector_store %arg10[%swap3A_378, %swap3A_379], %swap3A_382 {strides = array<i32>} : memref<200x128xf32, #tpu.memory_space<vmem>>, vector<1x16xf32>,
      %get3A_383 = arith.constant 195 : i32
      %get3A_384 = arith.index_cast %get3A_383 : i32 to index
      %get3A_385 = arith.constant 32 : index
      %get3A_386 = tpu.vector_load %arg10[%get3A_384, %get3A_385] {strides = array<i32>} : memref<200x128xf32, #tpu.memory_space<vmem>>, vector<1x16xf32>,
      %get3A_387 = vector.shape_cast %get3A_386 : vector<1x16xf32> to vector<16xf32>
      %mul3A_388 = arith.mulf %get3A_387, %broadcast_in_dim3A_358 : vector<16xf32>
      %swap3A_389 = arith.constant 195 : i32
      %swap3A_390 = arith.index_cast %swap3A_389 : i32 to index
      %swap3A_391 = arith.constant 32 : index
      %swap3A_392 = tpu.vector_load %arg10[%swap3A_390, %swap3A_391] {strides = array<i32>} : memref<200x128xf32, #tpu.memory_space<vmem>>, vector<1x16xf32>,
      %swap3A_393 = vector.shape_cast %swap3A_392 : vector<1x16xf32> to vector<16xf32>
      %swap3A_394 = vector.shape_cast %mul3A_388 : vector<16xf32> to vector<1x16xf32>
      tpu.vector_store %arg10[%swap3A_390, %swap3A_391], %swap3A_394 {strides = array<i32>} : memref<200x128xf32, #tpu.memory_space<vmem>>, vector<1x16xf32>,
      %get3A_395 = arith.constant 195 : i32
      %get3A_396 = arith.index_cast %get3A_395 : i32 to index
      %get3A_397 = arith.constant 48 : index
      %get3A_398 = tpu.vector_load %arg10[%get3A_396, %get3A_397] {strides = array<i32>} : memref<200x128xf32, #tpu.memory_space<vmem>>, vector<1x16xf32>,
      %get3A_399 = vector.shape_cast %get3A_398 : vector<1x16xf32> to vector<16xf32>
      %mul3A_400 = arith.mulf %get3A_399, %broadcast_in_dim3A_358 : vector<16xf32>
      %swap3A_401 = arith.constant 195 : i32
      %swap3A_402 = arith.index_cast %swap3A_401 : i32 to index
      %swap3A_403 = arith.constant 48 : index
      %swap3A_404 = tpu.vector_load %arg10[%swap3A_402, %swap3A_403] {strides = array<i32>} : memref<200x128xf32, #tpu.memory_space<vmem>>, vector<1x16xf32>,
      %swap3A_405 = vector.shape_cast %swap3A_404 : vector<1x16xf32> to vector<16xf32>
      %swap3A_406 = vector.shape_cast %mul3A_400 : vector<16xf32> to vector<1x16xf32>
      tpu.vector_store %arg10[%swap3A_402, %swap3A_403], %swap3A_406 {strides = array<i32>} : memref<200x128xf32, #tpu.memory_space<vmem>>, vector<1x16xf32>,
      %get3A_407 = arith.constant 195 : i32
      %get3A_408 = arith.index_cast %get3A_407 : i32 to index
      %get3A_409 = arith.constant 64 : index
      %get3A_410 = tpu.vector_load %arg10[%get3A_408, %get3A_409] {strides = array<i32>} : memref<200x128xf32, #tpu.memory_space<vmem>>, vector<1x16xf32>,
      %get3A_411 = vector.shape_cast %get3A_410 : vector<1x16xf32> to vector<16xf32>
      %mul3A_412 = arith.mulf %get3A_411, %broadcast_in_dim3A_358 : vector<16xf32>
      %swap3A_413 = arith.constant 195 : i32
      %swap3A_414 = arith.index_cast %swap3A_413 : i32 to index
      %swap3A_415 = arith.constant 64 : index
      %swap3A_416 = tpu.vector_load %arg10[%swap3A_414, %swap3A_415] {strides = array<i32>} : memref<200x128xf32, #tpu.memory_space<vmem>>, vector<1x16xf32>,
      %swap3A_417 = vector.shape_cast %swap3A_416 : vector<1x16xf32> to vector<16xf32>
      %swap3A_418 = vector.shape_cast %mul3A_412 : vector<16xf32> to vector<1x16xf32>
      tpu.vector_store %arg10[%swap3A_414, %swap3A_415], %swap3A_418 {strides = array<i32>} : memref<200x128xf32, #tpu.memory_space<vmem>>, vector<1x16xf32>,
      %get3A_419 = arith.constant 195 : i32
      %get3A_420 = arith.index_cast %get3A_419 : i32 to index
      %get3A_421 = arith.constant 80 : index
      %get3A_422 = tpu.vector_load %arg10[%get3A_420, %get3A_421] {strides = array<i32>} : memref<200x128xf32, #tpu.memory_space<vmem>>, vector<1x16xf32>,
      %get3A_423 = vector.shape_cast %get3A_422 : vector<1x16xf32> to vector<16xf32>
      %mul3A_424 = arith.mulf %get3A_423, %broadcast_in_dim3A_358 : vector<16xf32>
      %swap3A_425 = arith.constant 195 : i32
      %swap3A_426 = arith.index_cast %swap3A_425 : i32 to index
      %swap3A_427 = arith.constant 80 : index
      %swap3A_428 = tpu.vector_load %arg10[%swap3A_426, %swap3A_427] {strides = array<i32>} : memref<200x128xf32, #tpu.memory_space<vmem>>, vector<1x16xf32>,
      %swap3A_429 = vector.shape_cast %swap3A_428 : vector<1x16xf32> to vector<16xf32>
      %swap3A_430 = vector.shape_cast %mul3A_424 : vector<16xf32> to vector<1x16xf32>
      tpu.vector_store %arg10[%swap3A_426, %swap3A_427], %swap3A_430 {strides = array<i32>} : memref<200x128xf32, #tpu.memory_space<vmem>>, vector<1x16xf32>,
      %get3A_431 = arith.constant 195 : i32
      %get3A_432 = arith.index_cast %get3A_431 : i32 to index
      %get3A_433 = arith.constant 96 : index
      %get3A_434 = tpu.vector_load %arg10[%get3A_432, %get3A_433] {strides = array<i32>} : memref<200x128xf32, #tpu.memory_space<vmem>>, vector<1x16xf32>,
      %get3A_435 = vector.shape_cast %get3A_434 : vector<1x16xf32> to vector<16xf32>
      %mul3A_436 = arith.mulf %get3A_435, %broadcast_in_dim3A_358 : vector<16xf32>
      %swap3A_437 = arith.constant 195 : i32
      %swap3A_438 = arith.index_cast %swap3A_437 : i32 to index
      %swap3A_439 = arith.constant 96 : index
      %swap3A_440 = tpu.vector_load %arg10[%swap3A_438, %swap3A_439] {strides = array<i32>} : memref<200x128xf32, #tpu.memory_space<vmem>>, vector<1x16xf32>,
      %swap3A_441 = vector.shape_cast %swap3A_440 : vector<1x16xf32> to vector<16xf32>
      %swap3A_442 = vector.shape_cast %mul3A_436 : vector<16xf32> to vector<1x16xf32>
      tpu.vector_store %arg10[%swap3A_438, %swap3A_439], %swap3A_442 {strides = array<i32>} : memref<200x128xf32, #tpu.memory_space<vmem>>, vector<1x16xf32>,
      %get3A_443 = arith.constant 195 : i32
      %get3A_444 = arith.index_cast %get3A_443 : i32 to index
      %get3A_445 = arith.constant 112 : index
      %get3A_446 = tpu.vector_load %arg10[%get3A_444, %get3A_445] {strides = array<i32>} : memref<200x128xf32, #tpu.memory_space<vmem>>, vector<1x16xf32>,
      %get3A_447 = vector.shape_cast %get3A_446 : vector<1x16xf32> to vector<16xf32>
      %mul3A_448 = arith.mulf %get3A_447, %broadcast_in_dim3A_358 : vector<16xf32>
      %swap3A_449 = arith.constant 195 : i32
      %swap3A_450 = arith.index_cast %swap3A_449 : i32 to index
      %swap3A_451 = arith.constant 112 : index
      %swap3A_452 = tpu.vector_load %arg10[%swap3A_450, %swap3A_451] {strides = array<i32>} : memref<200x128xf32, #tpu.memory_space<vmem>>, vector<1x16xf32>,
      %swap3A_453 = vector.shape_cast %swap3A_452 : vector<1x16xf32> to vector<16xf32>
      %swap3A_454 = vector.shape_cast %mul3A_448 : vector<16xf32> to vector<1x16xf32>
      tpu.vector_store %arg10[%swap3A_450, %swap3A_451], %swap3A_454 {strides = array<i32>} : memref<200x128xf32, #tpu.memory_space<vmem>>, vector<1x16xf32>,
      %slice3A_455 = vector.extract_strided_slice %get3A_62 {offsets = [4], sizes = [1], strides = [1]} : vector<16xf32> to vector<1xf32>
      %squeeze3A_456 = vector.extract %slice3A_455[0] : f32 from vector<1xf32>
      %broadcast_in_dim3A_457 = vector.broadcast %squeeze3A_456 : f32 to vector<16xf32>
      %get3A_458 = arith.constant 196 : i32
      %get3A_459 = arith.index_cast %get3A_458 : i32 to index
      %get3A_460 = arith.constant 0 : index
      %get3A_461 = tpu.vector_load %arg10[%get3A_459, %get3A_460] {strides = array<i32>} : memref<200x128xf32, #tpu.memory_space<vmem>>, vector<1x16xf32>,
      %get3A_462 = vector.shape_cast %get3A_461 : vector<1x16xf32> to vector<16xf32>
      %mul3A_463 = arith.mulf %get3A_462, %broadcast_in_dim3A_457 : vector<16xf32>
      %swap3A_464 = arith.constant 196 : i32
      %swap3A_465 = arith.index_cast %swap3A_464 : i32 to index
      %swap3A_466 = arith.constant 0 : index
      %swap3A_467 = tpu.vector_load %arg10[%swap3A_465, %swap3A_466] {strides = array<i32>} : memref<200x128xf32, #tpu.memory_space<vmem>>, vector<1x16xf32>,
      %swap3A_468 = vector.shape_cast %swap3A_467 : vector<1x16xf32> to vector<16xf32>
      %swap3A_469 = vector.shape_cast %mul3A_463 : vector<16xf32> to vector<1x16xf32>
      tpu.vector_store %arg10[%swap3A_465, %swap3A_466], %swap3A_469 {strides = array<i32>} : memref<200x128xf32, #tpu.memory_space<vmem>>, vector<1x16xf32>,
      %get3A_470 = arith.constant 196 : i32
      %get3A_471 = arith.index_cast %get3A_470 : i32 to index
      %get3A_472 = arith.constant 16 : index
      %get3A_473 = tpu.vector_load %arg10[%get3A_471, %get3A_472] {strides = array<i32>} : memref<200x128xf32, #tpu.memory_space<vmem>>, vector<1x16xf32>,
      %get3A_474 = vector.shape_cast %get3A_473 : vector<1x16xf32> to vector<16xf32>
      %mul3A_475 = arith.mulf %get3A_474, %broadcast_in_dim3A_457 : vector<16xf32>
      %swap3A_476 = arith.constant 196 : i32
      %swap3A_477 = arith.index_cast %swap3A_476 : i32 to index
      %swap3A_478 = arith.constant 16 : index
      %swap3A_479 = tpu.vector_load %arg10[%swap3A_477, %swap3A_478] {strides = array<i32>} : memref<200x128xf32, #tpu.memory_space<vmem>>, vector<1x16xf32>,
      %swap3A_480 = vector.shape_cast %swap3A_479 : vector<1x16xf32> to vector<16xf32>
      %swap3A_481 = vector.shape_cast %mul3A_475 : vector<16xf32> to vector<1x16xf32>
      tpu.vector_store %arg10[%swap3A_477, %swap3A_478], %swap3A_481 {strides = array<i32>} : memref<200x128xf32, #tpu.memory_space<vmem>>, vector<1x16xf32>,
      %get3A_482 = arith.constant 196 : i32
      %get3A_483 = arith.index_cast %get3A_482 : i32 to index
      %get3A_484 = arith.constant 32 : index
      %get3A_485 = tpu.vector_load %arg10[%get3A_483, %get3A_484] {strides = array<i32>} : memref<200x128xf32, #tpu.memory_space<vmem>>, vector<1x16xf32>,
      %get3A_486 = vector.shape_cast %get3A_485 : vector<1x16xf32> to vector<16xf32>
      %mul3A_487 = arith.mulf %get3A_486, %broadcast_in_dim3A_457 : vector<16xf32>
      %swap3A_488 = arith.constant 196 : i32
      %swap3A_489 = arith.index_cast %swap3A_488 : i32 to index
      %swap3A_490 = arith.constant 32 : index
      %swap3A_491 = tpu.vector_load %arg10[%swap3A_489, %swap3A_490] {strides = array<i32>} : memref<200x128xf32, #tpu.memory_space<vmem>>, vector<1x16xf32>,
      %swap3A_492 = vector.shape_cast %swap3A_491 : vector<1x16xf32> to vector<16xf32>
      %swap3A_493 = vector.shape_cast %mul3A_487 : vector<16xf32> to vector<1x16xf32>
      tpu.vector_store %arg10[%swap3A_489, %swap3A_490], %swap3A_493 {strides = array<i32>} : memref<200x128xf32, #tpu.memory_space<vmem>>, vector<1x16xf32>,
      %get3A_494 = arith.constant 196 : i32
      %get3A_495 = arith.index_cast %get3A_494 : i32 to index
      %get3A_496 = arith.constant 48 : index
      %get3A_497 = tpu.vector_load %arg10[%get3A_495, %get3A_496] {strides = array<i32>} : memref<200x128xf32, #tpu.memory_space<vmem>>, vector<1x16xf32>,
      %get3A_498 = vector.shape_cast %get3A_497 : vector<1x16xf32> to vector<16xf32>
      %mul3A_499 = arith.mulf %get3A_498, %broadcast_in_dim3A_457 : vector<16xf32>
      %swap3A_500 = arith.constant 196 : i32
      %swap3A_501 = arith.index_cast %swap3A_500 : i32 to index
      %swap3A_502 = arith.constant 48 : index
      %swap3A_503 = tpu.vector_load %arg10[%swap3A_501, %swap3A_502] {strides = array<i32>} : memref<200x128xf32, #tpu.memory_space<vmem>>, vector<1x16xf32>,
      %swap3A_504 = vector.shape_cast %swap3A_503 : vector<1x16xf32> to vector<16xf32>
      %swap3A_505 = vector.shape_cast %mul3A_499 : vector<16xf32> to vector<1x16xf32>
      tpu.vector_store %arg10[%swap3A_501, %swap3A_502], %swap3A_505 {strides = array<i32>} : memref<200x128xf32, #tpu.memory_space<vmem>>, vector<1x16xf32>,
      %get3A_506 = arith.constant 196 : i32
      %get3A_507 = arith.index_cast %get3A_506 : i32 to index
      %get3A_508 = arith.constant 64 : index
      %get3A_509 = tpu.vector_load %arg10[%get3A_507, %get3A_508] {strides = array<i32>} : memref<200x128xf32, #tpu.memory_space<vmem>>, vector<1x16xf32>,
      %get3A_510 = vector.shape_cast %get3A_509 : vector<1x16xf32> to vector<16xf32>
      %mul3A_511 = arith.mulf %get3A_510, %broadcast_in_dim3A_457 : vector<16xf32>
      %swap3A_512 = arith.constant 196 : i32
      %swap3A_513 = arith.index_cast %swap3A_512 : i32 to index
      %swap3A_514 = arith.constant 64 : index
      %swap3A_515 = tpu.vector_load %arg10[%swap3A_513, %swap3A_514] {strides = array<i32>} : memref<200x128xf32, #tpu.memory_space<vmem>>, vector<1x16xf32>,
      %swap3A_516 = vector.shape_cast %swap3A_515 : vector<1x16xf32> to vector<16xf32>
      %swap3A_517 = vector.shape_cast %mul3A_511 : vector<16xf32> to vector<1x16xf32>
      tpu.vector_store %arg10[%swap3A_513, %swap3A_514], %swap3A_517 {strides = array<i32>} : memref<200x128xf32, #tpu.memory_space<vmem>>, vector<1x16xf32>,
      %get3A_518 = arith.constant 196 : i32
      %get3A_519 = arith.index_cast %get3A_518 : i32 to index
      %get3A_520 = arith.constant 80 : index
      %get3A_521 = tpu.vector_load %arg10[%get3A_519, %get3A_520] {strides = array<i32>} : memref<200x128xf32, #tpu.memory_space<vmem>>, vector<1x16xf32>,
      %get3A_522 = vector.shape_cast %get3A_521 : vector<1x16xf32> to vector<16xf32>
      %mul3A_523 = arith.mulf %get3A_522, %broadcast_in_dim3A_457 : vector<16xf32>
      %swap3A_524 = arith.constant 196 : i32
      %swap3A_525 = arith.index_cast %swap3A_524 : i32 to index
      %swap3A_526 = arith.constant 80 : index
      %swap3A_527 = tpu.vector_load %arg10[%swap3A_525, %swap3A_526] {strides = array<i32>} : memref<200x128xf32, #tpu.memory_space<vmem>>, vector<1x16xf32>,
      %swap3A_528 = vector.shape_cast %swap3A_527 : vector<1x16xf32> to vector<16xf32>
      %swap3A_529 = vector.shape_cast %mul3A_523 : vector<16xf32> to vector<1x16xf32>
      tpu.vector_store %arg10[%swap3A_525, %swap3A_526], %swap3A_529 {strides = array<i32>} : memref<200x128xf32, #tpu.memory_space<vmem>>, vector<1x16xf32>,
      %get3A_530 = arith.constant 196 : i32
      %get3A_531 = arith.index_cast %get3A_530 : i32 to index
      %get3A_532 = arith.constant 96 : index
      %get3A_533 = tpu.vector_load %arg10[%get3A_531, %get3A_532] {strides = array<i32>} : memref<200x128xf32, #tpu.memory_space<vmem>>, vector<1x16xf32>,
      %get3A_534 = vector.shape_cast %get3A_533 : vector<1x16xf32> to vector<16xf32>
      %mul3A_535 = arith.mulf %get3A_534, %broadcast_in_dim3A_457 : vector<16xf32>
      %swap3A_536 = arith.constant 196 : i32
      %swap3A_537 = arith.index_cast %swap3A_536 : i32 to index
      %swap3A_538 = arith.constant 96 : index
      %swap3A_539 = tpu.vector_load %arg10[%swap3A_537, %swap3A_538] {strides = array<i32>} : memref<200x128xf32, #tpu.memory_space<vmem>>, vector<1x16xf32>,
      %swap3A_540 = vector.shape_cast %swap3A_539 : vector<1x16xf32> to vector<16xf32>
      %swap3A_541 = vector.shape_cast %mul3A_535 : vector<16xf32> to vector<1x16xf32>
      tpu.vector_store %arg10[%swap3A_537, %swap3A_538], %swap3A_541 {strides = array<i32>} : memref<200x128xf32, #tpu.memory_space<vmem>>, vector<1x16xf32>,
      %get3A_542 = arith.constant 196 : i32
      %get3A_543 = arith.index_cast %get3A_542 : i32 to index
      %get3A_544 = arith.constant 112 : index
      %get3A_545 = tpu.vector_load %arg10[%get3A_543, %get3A_544] {strides = array<i32>} : memref<200x128xf32, #tpu.memory_space<vmem>>, vector<1x16xf32>,
      %get3A_546 = vector.shape_cast %get3A_545 : vector<1x16xf32> to vector<16xf32>
      %mul3A_547 = arith.mulf %get3A_546, %broadcast_in_dim3A_457 : vector<16xf32>
      %swap3A_548 = arith.constant 196 : i32
      %swap3A_549 = arith.index_cast %swap3A_548 : i32 to index
      %swap3A_550 = arith.constant 112 : index
      %swap3A_551 = tpu.vector_load %arg10[%swap3A_549, %swap3A_550] {strides = array<i32>} : memref<200x128xf32, #tpu.memory_space<vmem>>, vector<1x16xf32>,
      %swap3A_552 = vector.shape_cast %swap3A_551 : vector<1x16xf32> to vector<16xf32>
      %swap3A_553 = vector.shape_cast %mul3A_547 : vector<16xf32> to vector<1x16xf32>
      tpu.vector_store %arg10[%swap3A_549, %swap3A_550], %swap3A_553 {strides = array<i32>} : memref<200x128xf32, #tpu.memory_space<vmem>>, vector<1x16xf32>,
      %slice3A_554 = vector.extract_strided_slice %get3A_62 {offsets = [5], sizes = [1], strides = [1]} : vector<16xf32> to vector<1xf32>
      %squeeze3A_555 = vector.extract %slice3A_554[0] : f32 from vector<1xf32>
      %broadcast_in_dim3A_556 = vector.broadcast %squeeze3A_555 : f32 to vector<16xf32>
      %get3A_557 = arith.constant 197 : i32
      %get3A_558 = arith.index_cast %get3A_557 : i32 to index
      %get3A_559 = arith.constant 0 : index
      %get3A_560 = tpu.vector_load %arg10[%get3A_558, %get3A_559] {strides = array<i32>} : memref<200x128xf32, #tpu.memory_space<vmem>>, vector<1x16xf32>,
      %get3A_561 = vector.shape_cast %get3A_560 : vector<1x16xf32> to vector<16xf32>
      %mul3A_562 = arith.mulf %get3A_561, %broadcast_in_dim3A_556 : vector<16xf32>
      %swap3A_563 = arith.constant 197 : i32
      %swap3A_564 = arith.index_cast %swap3A_563 : i32 to index
      %swap3A_565 = arith.constant 0 : index
      %swap3A_566 = tpu.vector_load %arg10[%swap3A_564, %swap3A_565] {strides = array<i32>} : memref<200x128xf32, #tpu.memory_space<vmem>>, vector<1x16xf32>,
      %swap3A_567 = vector.shape_cast %swap3A_566 : vector<1x16xf32> to vector<16xf32>
      %swap3A_568 = vector.shape_cast %mul3A_562 : vector<16xf32> to vector<1x16xf32>
      tpu.vector_store %arg10[%swap3A_564, %swap3A_565], %swap3A_568 {strides = array<i32>} : memref<200x128xf32, #tpu.memory_space<vmem>>, vector<1x16xf32>,
      %get3A_569 = arith.constant 197 : i32
      %get3A_570 = arith.index_cast %get3A_569 : i32 to index
      %get3A_571 = arith.constant 16 : index
      %get3A_572 = tpu.vector_load %arg10[%get3A_570, %get3A_571] {strides = array<i32>} : memref<200x128xf32, #tpu.memory_space<vmem>>, vector<1x16xf32>,
      %get3A_573 = vector.shape_cast %get3A_572 : vector<1x16xf32> to vector<16xf32>
      %mul3A_574 = arith.mulf %get3A_573, %broadcast_in_dim3A_556 : vector<16xf32>
      %swap3A_575 = arith.constant 197 : i32
      %swap3A_576 = arith.index_cast %swap3A_575 : i32 to index
      %swap3A_577 = arith.constant 16 : index
      %swap3A_578 = tpu.vector_load %arg10[%swap3A_576, %swap3A_577] {strides = array<i32>} : memref<200x128xf32, #tpu.memory_space<vmem>>, vector<1x16xf32>,
      %swap3A_579 = vector.shape_cast %swap3A_578 : vector<1x16xf32> to vector<16xf32>
      %swap3A_580 = vector.shape_cast %mul3A_574 : vector<16xf32> to vector<1x16xf32>
      tpu.vector_store %arg10[%swap3A_576, %swap3A_577], %swap3A_580 {strides = array<i32>} : memref<200x128xf32, #tpu.memory_space<vmem>>, vector<1x16xf32>,
      %get3A_581 = arith.constant 197 : i32
      %get3A_582 = arith.index_cast %get3A_581 : i32 to index
      %get3A_583 = arith.constant 32 : index
      %get3A_584 = tpu.vector_load %arg10[%get3A_582, %get3A_583] {strides = array<i32>} : memref<200x128xf32, #tpu.memory_space<vmem>>, vector<1x16xf32>,
      %get3A_585 = vector.shape_cast %get3A_584 : vector<1x16xf32> to vector<16xf32>
      %mul3A_586 = arith.mulf %get3A_585, %broadcast_in_dim3A_556 : vector<16xf32>
      %swap3A_587 = arith.constant 197 : i32
      %swap3A_588 = arith.index_cast %swap3A_587 : i32 to index
      %swap3A_589 = arith.constant 32 : index
      %swap3A_590 = tpu.vector_load %arg10[%swap3A_588, %swap3A_589] {strides = array<i32>} : memref<200x128xf32, #tpu.memory_space<vmem>>, vector<1x16xf32>,
      %swap3A_591 = vector.shape_cast %swap3A_590 : vector<1x16xf32> to vector<16xf32>
      %swap3A_592 = vector.shape_cast %mul3A_586 : vector<16xf32> to vector<1x16xf32>
      tpu.vector_store %arg10[%swap3A_588, %swap3A_589], %swap3A_592 {strides = array<i32>} : memref<200x128xf32, #tpu.memory_space<vmem>>, vector<1x16xf32>,
      %get3A_593 = arith.constant 197 : i32
      %get3A_594 = arith.index_cast %get3A_593 : i32 to index
      %get3A_595 = arith.constant 48 : index
      %get3A_596 = tpu.vector_load %arg10[%get3A_594, %get3A_595] {strides = array<i32>} : memref<200x128xf32, #tpu.memory_space<vmem>>, vector<1x16xf32>,
      %get3A_597 = vector.shape_cast %get3A_596 : vector<1x16xf32> to vector<16xf32>
      %mul3A_598 = arith.mulf %get3A_597, %broadcast_in_dim3A_556 : vector<16xf32>
      %swap3A_599 = arith.constant 197 : i32
      %swap3A_600 = arith.index_cast %swap3A_599 : i32 to index
      %swap3A_601 = arith.constant 48 : index
      %swap3A_602 = tpu.vector_load %arg10[%swap3A_600, %swap3A_601] {strides = array<i32>} : memref<200x128xf32, #tpu.memory_space<vmem>>, vector<1x16xf32>,
      %swap3A_603 = vector.shape_cast %swap3A_602 : vector<1x16xf32> to vector<16xf32>
      %swap3A_604 = vector.shape_cast %mul3A_598 : vector<16xf32> to vector<1x16xf32>
      tpu.vector_store %arg10[%swap3A_600, %swap3A_601], %swap3A_604 {strides = array<i32>} : memref<200x128xf32, #tpu.memory_space<vmem>>, vector<1x16xf32>,
      %get3A_605 = arith.constant 197 : i32
      %get3A_606 = arith.index_cast %get3A_605 : i32 to index
      %get3A_607 = arith.constant 64 : index
      %get3A_608 = tpu.vector_load %arg10[%get3A_606, %get3A_607] {strides = array<i32>} : memref<200x128xf32, #tpu.memory_space<vmem>>, vector<1x16xf32>,
      %get3A_609 = vector.shape_cast %get3A_608 : vector<1x16xf32> to vector<16xf32>
      %mul3A_610 = arith.mulf %get3A_609, %broadcast_in_dim3A_556 : vector<16xf32>
      %swap3A_611 = arith.constant 197 : i32
      %swap3A_612 = arith.index_cast %swap3A_611 : i32 to index
      %swap3A_613 = arith.constant 64 : index
      %swap3A_614 = tpu.vector_load %arg10[%swap3A_612, %swap3A_613] {strides = array<i32>} : memref<200x128xf32, #tpu.memory_space<vmem>>, vector<1x16xf32>,
      %swap3A_615 = vector.shape_cast %swap3A_614 : vector<1x16xf32> to vector<16xf32>
      %swap3A_616 = vector.shape_cast %mul3A_610 : vector<16xf32> to vector<1x16xf32>
      tpu.vector_store %arg10[%swap3A_612, %swap3A_613], %swap3A_616 {strides = array<i32>} : memref<200x128xf32, #tpu.memory_space<vmem>>, vector<1x16xf32>,
      %get3A_617 = arith.constant 197 : i32
      %get3A_618 = arith.index_cast %get3A_617 : i32 to index
      %get3A_619 = arith.constant 80 : index
      %get3A_620 = tpu.vector_load %arg10[%get3A_618, %get3A_619] {strides = array<i32>} : memref<200x128xf32, #tpu.memory_space<vmem>>, vector<1x16xf32>,
      %get3A_621 = vector.shape_cast %get3A_620 : vector<1x16xf32> to vector<16xf32>
      %mul3A_622 = arith.mulf %get3A_621, %broadcast_in_dim3A_556 : vector<16xf32>
      %swap3A_623 = arith.constant 197 : i32
      %swap3A_624 = arith.index_cast %swap3A_623 : i32 to index
      %swap3A_625 = arith.constant 80 : index
      %swap3A_626 = tpu.vector_load %arg10[%swap3A_624, %swap3A_625] {strides = array<i32>} : memref<200x128xf32, #tpu.memory_space<vmem>>, vector<1x16xf32>,
      %swap3A_627 = vector.shape_cast %swap3A_626 : vector<1x16xf32> to vector<16xf32>
      %swap3A_628 = vector.shape_cast %mul3A_622 : vector<16xf32> to vector<1x16xf32>
      tpu.vector_store %arg10[%swap3A_624, %swap3A_625], %swap3A_628 {strides = array<i32>} : memref<200x128xf32, #tpu.memory_space<vmem>>, vector<1x16xf32>,
      %get3A_629 = arith.constant 197 : i32
      %get3A_630 = arith.index_cast %get3A_629 : i32 to index
      %get3A_631 = arith.constant 96 : index
      %get3A_632 = tpu.vector_load %arg10[%get3A_630, %get3A_631] {strides = array<i32>} : memref<200x128xf32, #tpu.memory_space<vmem>>, vector<1x16xf32>,
      %get3A_633 = vector.shape_cast %get3A_632 : vector<1x16xf32> to vector<16xf32>
      %mul3A_634 = arith.mulf %get3A_633, %broadcast_in_dim3A_556 : vector<16xf32>
      %swap3A_635 = arith.constant 197 : i32
      %swap3A_636 = arith.index_cast %swap3A_635 : i32 to index
      %swap3A_637 = arith.constant 96 : index
      %swap3A_638 = tpu.vector_load %arg10[%swap3A_636, %swap3A_637] {strides = array<i32>} : memref<200x128xf32, #tpu.memory_space<vmem>>, vector<1x16xf32>,
      %swap3A_639 = vector.shape_cast %swap3A_638 : vector<1x16xf32> to vector<16xf32>
      %swap3A_640 = vector.shape_cast %mul3A_634 : vector<16xf32> to vector<1x16xf32>
      tpu.vector_store %arg10[%swap3A_636, %swap3A_637], %swap3A_640 {strides = array<i32>} : memref<200x128xf32, #tpu.memory_space<vmem>>, vector<1x16xf32>,
      %get3A_641 = arith.constant 197 : i32
      %get3A_642 = arith.index_cast %get3A_641 : i32 to index
      %get3A_643 = arith.constant 112 : index
      %get3A_644 = tpu.vector_load %arg10[%get3A_642, %get3A_643] {strides = array<i32>} : memref<200x128xf32, #tpu.memory_space<vmem>>, vector<1x16xf32>,
      %get3A_645 = vector.shape_cast %get3A_644 : vector<1x16xf32> to vector<16xf32>
      %mul3A_646 = arith.mulf %get3A_645, %broadcast_in_dim3A_556 : vector<16xf32>
      %swap3A_647 = arith.constant 197 : i32
      %swap3A_648 = arith.index_cast %swap3A_647 : i32 to index
      %swap3A_649 = arith.constant 112 : index
      %swap3A_650 = tpu.vector_load %arg10[%swap3A_648, %swap3A_649] {strides = array<i32>} : memref<200x128xf32, #tpu.memory_space<vmem>>, vector<1x16xf32>,
      %swap3A_651 = vector.shape_cast %swap3A_650 : vector<1x16xf32> to vector<16xf32>
      %swap3A_652 = vector.shape_cast %mul3A_646 : vector<16xf32> to vector<1x16xf32>
      tpu.vector_store %arg10[%swap3A_648, %swap3A_649], %swap3A_652 {strides = array<i32>} : memref<200x128xf32, #tpu.memory_space<vmem>>, vector<1x16xf32>,
      %slice3A_653 = vector.extract_strided_slice %get3A_62 {offsets = [6], sizes = [1], strides = [1]} : vector<16xf32> to vector<1xf32>
      %squeeze3A_654 = vector.extract %slice3A_653[0] : f32 from vector<1xf32>
      %broadcast_in_dim3A_655 = vector.broadcast %squeeze3A_654 : f32 to vector<16xf32>
      %get3A_656 = arith.constant 198 : i32
      %get3A_657 = arith.index_cast %get3A_656 : i32 to index
      %get3A_658 = arith.constant 0 : index
      %get3A_659 = tpu.vector_load %arg10[%get3A_657, %get3A_658] {strides = array<i32>} : memref<200x128xf32, #tpu.memory_space<vmem>>, vector<1x16xf32>,
      %get3A_660 = vector.shape_cast %get3A_659 : vector<1x16xf32> to vector<16xf32>
      %mul3A_661 = arith.mulf %get3A_660, %broadcast_in_dim3A_655 : vector<16xf32>
      %swap3A_662 = arith.constant 198 : i32
      %swap3A_663 = arith.index_cast %swap3A_662 : i32 to index
      %swap3A_664 = arith.constant 0 : index
      %swap3A_665 = tpu.vector_load %arg10[%swap3A_663, %swap3A_664] {strides = array<i32>} : memref<200x128xf32, #tpu.memory_space<vmem>>, vector<1x16xf32>,
      %swap3A_666 = vector.shape_cast %swap3A_665 : vector<1x16xf32> to vector<16xf32>
      %swap3A_667 = vector.shape_cast %mul3A_661 : vector<16xf32> to vector<1x16xf32>
      tpu.vector_store %arg10[%swap3A_663, %swap3A_664], %swap3A_667 {strides = array<i32>} : memref<200x128xf32, #tpu.memory_space<vmem>>, vector<1x16xf32>,
      %get3A_668 = arith.constant 198 : i32
      %get3A_669 = arith.index_cast %get3A_668 : i32 to index
      %get3A_670 = arith.constant 16 : index
      %get3A_671 = tpu.vector_load %arg10[%get3A_669, %get3A_670] {strides = array<i32>} : memref<200x128xf32, #tpu.memory_space<vmem>>, vector<1x16xf32>,
      %get3A_672 = vector.shape_cast %get3A_671 : vector<1x16xf32> to vector<16xf32>
      %mul3A_673 = arith.mulf %get3A_672, %broadcast_in_dim3A_655 : vector<16xf32>
      %swap3A_674 = arith.constant 198 : i32
      %swap3A_675 = arith.index_cast %swap3A_674 : i32 to index
      %swap3A_676 = arith.constant 16 : index
      %swap3A_677 = tpu.vector_load %arg10[%swap3A_675, %swap3A_676] {strides = array<i32>} : memref<200x128xf32, #tpu.memory_space<vmem>>, vector<1x16xf32>,
      %swap3A_678 = vector.shape_cast %swap3A_677 : vector<1x16xf32> to vector<16xf32>
      %swap3A_679 = vector.shape_cast %mul3A_673 : vector<16xf32> to vector<1x16xf32>
      tpu.vector_store %arg10[%swap3A_675, %swap3A_676], %swap3A_679 {strides = array<i32>} : memref<200x128xf32, #tpu.memory_space<vmem>>, vector<1x16xf32>,
      %get3A_680 = arith.constant 198 : i32
      %get3A_681 = arith.index_cast %get3A_680 : i32 to index
      %get3A_682 = arith.constant 32 : index
      %get3A_683 = tpu.vector_load %arg10[%get3A_681, %get3A_682] {strides = array<i32>} : memref<200x128xf32, #tpu.memory_space<vmem>>, vector<1x16xf32>,
      %get3A_684 = vector.shape_cast %get3A_683 : vector<1x16xf32> to vector<16xf32>
      %mul3A_685 = arith.mulf %get3A_684, %broadcast_in_dim3A_655 : vector<16xf32>
      %swap3A_686 = arith.constant 198 : i32
      %swap3A_687 = arith.index_cast %swap3A_686 : i32 to index
      %swap3A_688 = arith.constant 32 : index
      %swap3A_689 = tpu.vector_load %arg10[%swap3A_687, %swap3A_688] {strides = array<i32>} : memref<200x128xf32, #tpu.memory_space<vmem>>, vector<1x16xf32>,
      %swap3A_690 = vector.shape_cast %swap3A_689 : vector<1x16xf32> to vector<16xf32>
      %swap3A_691 = vector.shape_cast %mul3A_685 : vector<16xf32> to vector<1x16xf32>
      tpu.vector_store %arg10[%swap3A_687, %swap3A_688], %swap3A_691 {strides = array<i32>} : memref<200x128xf32, #tpu.memory_space<vmem>>, vector<1x16xf32>,
      %get3A_692 = arith.constant 198 : i32
      %get3A_693 = arith.index_cast %get3A_692 : i32 to index
      %get3A_694 = arith.constant 48 : index
      %get3A_695 = tpu.vector_load %arg10[%get3A_693, %get3A_694] {strides = array<i32>} : memref<200x128xf32, #tpu.memory_space<vmem>>, vector<1x16xf32>,
      %get3A_696 = vector.shape_cast %get3A_695 : vector<1x16xf32> to vector<16xf32>
      %mul3A_697 = arith.mulf %get3A_696, %broadcast_in_dim3A_655 : vector<16xf32>
      %swap3A_698 = arith.constant 198 : i32
      %swap3A_699 = arith.index_cast %swap3A_698 : i32 to index
      %swap3A_700 = arith.constant 48 : index
      %swap3A_701 = tpu.vector_load %arg10[%swap3A_699, %swap3A_700] {strides = array<i32>} : memref<200x128xf32, #tpu.memory_space<vmem>>, vector<1x16xf32>,
      %swap3A_702 = vector.shape_cast %swap3A_701 : vector<1x16xf32> to vector<16xf32>
      %swap3A_703 = vector.shape_cast %mul3A_697 : vector<16xf32> to vector<1x16xf32>
      tpu.vector_store %arg10[%swap3A_699, %swap3A_700], %swap3A_703 {strides = array<i32>} : memref<200x128xf32, #tpu.memory_space<vmem>>, vector<1x16xf32>,
      %get3A_704 = arith.constant 198 : i32
      %get3A_705 = arith.index_cast %get3A_704 : i32 to index
      %get3A_706 = arith.constant 64 : index
      %get3A_707 = tpu.vector_load %arg10[%get3A_705, %get3A_706] {strides = array<i32>} : memref<200x128xf32, #tpu.memory_space<vmem>>, vector<1x16xf32>,
      %get3A_708 = vector.shape_cast %get3A_707 : vector<1x16xf32> to vector<16xf32>
      %mul3A_709 = arith.mulf %get3A_708, %broadcast_in_dim3A_655 : vector<16xf32>
      %swap3A_710 = arith.constant 198 : i32
      %swap3A_711 = arith.index_cast %swap3A_710 : i32 to index
      %swap3A_712 = arith.constant 64 : index
      %swap3A_713 = tpu.vector_load %arg10[%swap3A_711, %swap3A_712] {strides = array<i32>} : memref<200x128xf32, #tpu.memory_space<vmem>>, vector<1x16xf32>,
      %swap3A_714 = vector.shape_cast %swap3A_713 : vector<1x16xf32> to vector<16xf32>
      %swap3A_715 = vector.shape_cast %mul3A_709 : vector<16xf32> to vector<1x16xf32>
      tpu.vector_store %arg10[%swap3A_711, %swap3A_712], %swap3A_715 {strides = array<i32>} : memref<200x128xf32, #tpu.memory_space<vmem>>, vector<1x16xf32>,
      %get3A_716 = arith.constant 198 : i32
      %get3A_717 = arith.index_cast %get3A_716 : i32 to index
      %get3A_718 = arith.constant 80 : index
      %get3A_719 = tpu.vector_load %arg10[%get3A_717, %get3A_718] {strides = array<i32>} : memref<200x128xf32, #tpu.memory_space<vmem>>, vector<1x16xf32>,
      %get3A_720 = vector.shape_cast %get3A_719 : vector<1x16xf32> to vector<16xf32>
      %mul3A_721 = arith.mulf %get3A_720, %broadcast_in_dim3A_655 : vector<16xf32>
      %swap3A_722 = arith.constant 198 : i32
      %swap3A_723 = arith.index_cast %swap3A_722 : i32 to index
      %swap3A_724 = arith.constant 80 : index
      %swap3A_725 = tpu.vector_load %arg10[%swap3A_723, %swap3A_724] {strides = array<i32>} : memref<200x128xf32, #tpu.memory_space<vmem>>, vector<1x16xf32>,
      %swap3A_726 = vector.shape_cast %swap3A_725 : vector<1x16xf32> to vector<16xf32>
      %swap3A_727 = vector.shape_cast %mul3A_721 : vector<16xf32> to vector<1x16xf32>
      tpu.vector_store %arg10[%swap3A_723, %swap3A_724], %swap3A_727 {strides = array<i32>} : memref<200x128xf32, #tpu.memory_space<vmem>>, vector<1x16xf32>,
      %get3A_728 = arith.constant 198 : i32
      %get3A_729 = arith.index_cast %get3A_728 : i32 to index
      %get3A_730 = arith.constant 96 : index
      %get3A_731 = tpu.vector_load %arg10[%get3A_729, %get3A_730] {strides = array<i32>} : memref<200x128xf32, #tpu.memory_space<vmem>>, vector<1x16xf32>,
      %get3A_732 = vector.shape_cast %get3A_731 : vector<1x16xf32> to vector<16xf32>
      %mul3A_733 = arith.mulf %get3A_732, %broadcast_in_dim3A_655 : vector<16xf32>
      %swap3A_734 = arith.constant 198 : i32
      %swap3A_735 = arith.index_cast %swap3A_734 : i32 to index
      %swap3A_736 = arith.constant 96 : index
      %swap3A_737 = tpu.vector_load %arg10[%swap3A_735, %swap3A_736] {strides = array<i32>} : memref<200x128xf32, #tpu.memory_space<vmem>>, vector<1x16xf32>,
      %swap3A_738 = vector.shape_cast %swap3A_737 : vector<1x16xf32> to vector<16xf32>
      %swap3A_739 = vector.shape_cast %mul3A_733 : vector<16xf32> to vector<1x16xf32>
      tpu.vector_store %arg10[%swap3A_735, %swap3A_736], %swap3A_739 {strides = array<i32>} : memref<200x128xf32, #tpu.memory_space<vmem>>, vector<1x16xf32>,
      %get3A_740 = arith.constant 198 : i32
      %get3A_741 = arith.index_cast %get3A_740 : i32 to index
      %get3A_742 = arith.constant 112 : index
      %get3A_743 = tpu.vector_load %arg10[%get3A_741, %get3A_742] {strides = array<i32>} : memref<200x128xf32, #tpu.memory_space<vmem>>, vector<1x16xf32>,
      %get3A_744 = vector.shape_cast %get3A_743 : vector<1x16xf32> to vector<16xf32>
      %mul3A_745 = arith.mulf %get3A_744, %broadcast_in_dim3A_655 : vector<16xf32>
      %swap3A_746 = arith.constant 198 : i32
      %swap3A_747 = arith.index_cast %swap3A_746 : i32 to index
      %swap3A_748 = arith.constant 112 : index
      %swap3A_749 = tpu.vector_load %arg10[%swap3A_747, %swap3A_748] {strides = array<i32>} : memref<200x128xf32, #tpu.memory_space<vmem>>, vector<1x16xf32>,
      %swap3A_750 = vector.shape_cast %swap3A_749 : vector<1x16xf32> to vector<16xf32>
      %swap3A_751 = vector.shape_cast %mul3A_745 : vector<16xf32> to vector<1x16xf32>
      tpu.vector_store %arg10[%swap3A_747, %swap3A_748], %swap3A_751 {strides = array<i32>} : memref<200x128xf32, #tpu.memory_space<vmem>>, vector<1x16xf32>,
      %slice3A_752 = vector.extract_strided_slice %get3A_62 {offsets = [7], sizes = [1], strides = [1]} : vector<16xf32> to vector<1xf32>
      %squeeze3A_753 = vector.extract %slice3A_752[0] : f32 from vector<1xf32>
      %broadcast_in_dim3A_754 = vector.broadcast %squeeze3A_753 : f32 to vector<16xf32>
      %get3A_755 = arith.constant 199 : i32
      %get3A_756 = arith.index_cast %get3A_755 : i32 to index
      %get3A_757 = arith.constant 0 : index
      %get3A_758 = tpu.vector_load %arg10[%get3A_756, %get3A_757] {strides = array<i32>} : memref<200x128xf32, #tpu.memory_space<vmem>>, vector<1x16xf32>,
      %get3A_759 = vector.shape_cast %get3A_758 : vector<1x16xf32> to vector<16xf32>
      %mul3A_760 = arith.mulf %get3A_759, %broadcast_in_dim3A_754 : vector<16xf32>
      %swap3A_761 = arith.constant 199 : i32
      %swap3A_762 = arith.index_cast %swap3A_761 : i32 to index
      %swap3A_763 = arith.constant 0 : index
      %swap3A_764 = tpu.vector_load %arg10[%swap3A_762, %swap3A_763] {strides = array<i32>} : memref<200x128xf32, #tpu.memory_space<vmem>>, vector<1x16xf32>,
      %swap3A_765 = vector.shape_cast %swap3A_764 : vector<1x16xf32> to vector<16xf32>
      %swap3A_766 = vector.shape_cast %mul3A_760 : vector<16xf32> to vector<1x16xf32>
      tpu.vector_store %arg10[%swap3A_762, %swap3A_763], %swap3A_766 {strides = array<i32>} : memref<200x128xf32, #tpu.memory_space<vmem>>, vector<1x16xf32>,
      %get3A_767 = arith.constant 199 : i32
      %get3A_768 = arith.index_cast %get3A_767 : i32 to index
      %get3A_769 = arith.constant 16 : index
      %get3A_770 = tpu.vector_load %arg10[%get3A_768, %get3A_769] {strides = array<i32>} : memref<200x128xf32, #tpu.memory_space<vmem>>, vector<1x16xf32>,
      %get3A_771 = vector.shape_cast %get3A_770 : vector<1x16xf32> to vector<16xf32>
      %mul3A_772 = arith.mulf %get3A_771, %broadcast_in_dim3A_754 : vector<16xf32>
      %swap3A_773 = arith.constant 199 : i32
      %swap3A_774 = arith.index_cast %swap3A_773 : i32 to index
      %swap3A_775 = arith.constant 16 : index
      %swap3A_776 = tpu.vector_load %arg10[%swap3A_774, %swap3A_775] {strides = array<i32>} : memref<200x128xf32, #tpu.memory_space<vmem>>, vector<1x16xf32>,
      %swap3A_777 = vector.shape_cast %swap3A_776 : vector<1x16xf32> to vector<16xf32>
      %swap3A_778 = vector.shape_cast %mul3A_772 : vector<16xf32> to vector<1x16xf32>
      tpu.vector_store %arg10[%swap3A_774, %swap3A_775], %swap3A_778 {strides = array<i32>} : memref<200x128xf32, #tpu.memory_space<vmem>>, vector<1x16xf32>,
      %get3A_779 = arith.constant 199 : i32
      %get3A_780 = arith.index_cast %get3A_779 : i32 to index
      %get3A_781 = arith.constant 32 : index
      %get3A_782 = tpu.vector_load %arg10[%get3A_780, %get3A_781] {strides = array<i32>} : memref<200x128xf32, #tpu.memory_space<vmem>>, vector<1x16xf32>,
      %get3A_783 = vector.shape_cast %get3A_782 : vector<1x16xf32> to vector<16xf32>
      %mul3A_784 = arith.mulf %get3A_783, %broadcast_in_dim3A_754 : vector<16xf32>
      %swap3A_785 = arith.constant 199 : i32
      %swap3A_786 = arith.index_cast %swap3A_785 : i32 to index
      %swap3A_787 = arith.constant 32 : index
      %swap3A_788 = tpu.vector_load %arg10[%swap3A_786, %swap3A_787] {strides = array<i32>} : memref<200x128xf32, #tpu.memory_space<vmem>>, vector<1x16xf32>,
      %swap3A_789 = vector.shape_cast %swap3A_788 : vector<1x16xf32> to vector<16xf32>
      %swap3A_790 = vector.shape_cast %mul3A_784 : vector<16xf32> to vector<1x16xf32>
      tpu.vector_store %arg10[%swap3A_786, %swap3A_787], %swap3A_790 {strides = array<i32>} : memref<200x128xf32, #tpu.memory_space<vmem>>, vector<1x16xf32>,
      %get3A_791 = arith.constant 199 : i32
      %get3A_792 = arith.index_cast %get3A_791 : i32 to index
      %get3A_793 = arith.constant 48 : index
      %get3A_794 = tpu.vector_load %arg10[%get3A_792, %get3A_793] {strides = array<i32>} : memref<200x128xf32, #tpu.memory_space<vmem>>, vector<1x16xf32>,
      %get3A_795 = vector.shape_cast %get3A_794 : vector<1x16xf32> to vector<16xf32>
      %mul3A_796 = arith.mulf %get3A_795, %broadcast_in_dim3A_754 : vector<16xf32>
      %swap3A_797 = arith.constant 199 : i32
      %swap3A_798 = arith.index_cast %swap3A_797 : i32 to index
      %swap3A_799 = arith.constant 48 : index
      %swap3A_800 = tpu.vector_load %arg10[%swap3A_798, %swap3A_799] {strides = array<i32>} : memref<200x128xf32, #tpu.memory_space<vmem>>, vector<1x16xf32>,
      %swap3A_801 = vector.shape_cast %swap3A_800 : vector<1x16xf32> to vector<16xf32>
      %swap3A_802 = vector.shape_cast %mul3A_796 : vector<16xf32> to vector<1x16xf32>
      tpu.vector_store %arg10[%swap3A_798, %swap3A_799], %swap3A_802 {strides = array<i32>} : memref<200x128xf32, #tpu.memory_space<vmem>>, vector<1x16xf32>,
      %get3A_803 = arith.constant 199 : i32
      %get3A_804 = arith.index_cast %get3A_803 : i32 to index
      %get3A_805 = arith.constant 64 : index
      %get3A_806 = tpu.vector_load %arg10[%get3A_804, %get3A_805] {strides = array<i32>} : memref<200x128xf32, #tpu.memory_space<vmem>>, vector<1x16xf32>,
      %get3A_807 = vector.shape_cast %get3A_806 : vector<1x16xf32> to vector<16xf32>
      %mul3A_808 = arith.mulf %get3A_807, %broadcast_in_dim3A_754 : vector<16xf32>
      %swap3A_809 = arith.constant 199 : i32
      %swap3A_810 = arith.index_cast %swap3A_809 : i32 to index
      %swap3A_811 = arith.constant 64 : index
      %swap3A_812 = tpu.vector_load %arg10[%swap3A_810, %swap3A_811] {strides = array<i32>} : memref<200x128xf32, #tpu.memory_space<vmem>>, vector<1x16xf32>,
      %swap3A_813 = vector.shape_cast %swap3A_812 : vector<1x16xf32> to vector<16xf32>
      %swap3A_814 = vector.shape_cast %mul3A_808 : vector<16xf32> to vector<1x16xf32>
      tpu.vector_store %arg10[%swap3A_810, %swap3A_811], %swap3A_814 {strides = array<i32>} : memref<200x128xf32, #tpu.memory_space<vmem>>, vector<1x16xf32>,
      %get3A_815 = arith.constant 199 : i32
      %get3A_816 = arith.index_cast %get3A_815 : i32 to index
      %get3A_817 = arith.constant 80 : index
      %get3A_818 = tpu.vector_load %arg10[%get3A_816, %get3A_817] {strides = array<i32>} : memref<200x128xf32, #tpu.memory_space<vmem>>, vector<1x16xf32>,
      %get3A_819 = vector.shape_cast %get3A_818 : vector<1x16xf32> to vector<16xf32>
      %mul3A_820 = arith.mulf %get3A_819, %broadcast_in_dim3A_754 : vector<16xf32>
      %swap3A_821 = arith.constant 199 : i32
      %swap3A_822 = arith.index_cast %swap3A_821 : i32 to index
      %swap3A_823 = arith.constant 80 : index
      %swap3A_824 = tpu.vector_load %arg10[%swap3A_822, %swap3A_823] {strides = array<i32>} : memref<200x128xf32, #tpu.memory_space<vmem>>, vector<1x16xf32>,
      %swap3A_825 = vector.shape_cast %swap3A_824 : vector<1x16xf32> to vector<16xf32>
      %swap3A_826 = vector.shape_cast %mul3A_820 : vector<16xf32> to vector<1x16xf32>
      tpu.vector_store %arg10[%swap3A_822, %swap3A_823], %swap3A_826 {strides = array<i32>} : memref<200x128xf32, #tpu.memory_space<vmem>>, vector<1x16xf32>,
      %get3A_827 = arith.constant 199 : i32
      %get3A_828 = arith.index_cast %get3A_827 : i32 to index
      %get3A_829 = arith.constant 96 : index
      %get3A_830 = tpu.vector_load %arg10[%get3A_828, %get3A_829] {strides = array<i32>} : memref<200x128xf32, #tpu.memory_space<vmem>>, vector<1x16xf32>,
      %get3A_831 = vector.shape_cast %get3A_830 : vector<1x16xf32> to vector<16xf32>
      %mul3A_832 = arith.mulf %get3A_831, %broadcast_in_dim3A_754 : vector<16xf32>
      %swap3A_833 = arith.constant 199 : i32
      %swap3A_834 = arith.index_cast %swap3A_833 : i32 to index
      %swap3A_835 = arith.constant 96 : index
      %swap3A_836 = tpu.vector_load %arg10[%swap3A_834, %swap3A_835] {strides = array<i32>} : memref<200x128xf32, #tpu.memory_space<vmem>>, vector<1x16xf32>,
      %swap3A_837 = vector.shape_cast %swap3A_836 : vector<1x16xf32> to vector<16xf32>
      %swap3A_838 = vector.shape_cast %mul3A_832 : vector<16xf32> to vector<1x16xf32>
      tpu.vector_store %arg10[%swap3A_834, %swap3A_835], %swap3A_838 {strides = array<i32>} : memref<200x128xf32, #tpu.memory_space<vmem>>, vector<1x16xf32>,
      %get3A_839 = arith.constant 199 : i32
      %get3A_840 = arith.index_cast %get3A_839 : i32 to index
      %get3A_841 = arith.constant 112 : index
      %get3A_842 = tpu.vector_load %arg10[%get3A_840, %get3A_841] {strides = array<i32>} : memref<200x128xf32, #tpu.memory_space<vmem>>, vector<1x16xf32>,
      %get3A_843 = vector.shape_cast %get3A_842 : vector<1x16xf32> to vector<16xf32>
      %mul3A_844 = arith.mulf %get3A_843, %broadcast_in_dim3A_754 : vector<16xf32>
      %swap3A_845 = arith.constant 199 : i32
      %swap3A_846 = arith.index_cast %swap3A_845 : i32 to index
      %swap3A_847 = arith.constant 112 : index
      %swap3A_848 = tpu.vector_load %arg10[%swap3A_846, %swap3A_847] {strides = array<i32>} : memref<200x128xf32, #tpu.memory_space<vmem>>, vector<1x16xf32>,
      %swap3A_849 = vector.shape_cast %swap3A_848 : vector<1x16xf32> to vector<16xf32>
      %swap3A_850 = vector.shape_cast %mul3A_844 : vector<16xf32> to vector<1x16xf32>
      tpu.vector_store %arg10[%swap3A_846, %swap3A_847], %swap3A_850 {strides = array<i32>} : memref<200x128xf32, #tpu.memory_space<vmem>>, vector<1x16xf32>,
      "tpu.region"() ({
        %run_scoped3A = tpu.sem_alloc : memref<!tpu.dma_semaphore, #tpu.memory_space<semaphore_mem>>
        %dma_start3A_852 = arith.constant 0 : i32
        %dma_start3A_853 = arith.constant 0 : i32
        %dma_start3A_854 = tpu.memref_slice %arg12[%dma_start3A_852, %dma_start3A_853] : memref<10000x128xf32, #tpu.memory_space<vmem_shared>> -> memref<10000x128xf32, #tpu.memory_space<vmem_shared>>
        tpu.enqueue_indirect_dma source(%arg10 : memref<200x128xf32, #tpu.memory_space<vmem>>) target(%dma_start3A_854 : memref<10000x128xf32, #tpu.memory_space<vmem_shared>>) offsets(%arg8 : memref<200xi32, #tpu.memory_space<vmem>>) semaphore(%run_scoped3A : memref<!tpu.dma_semaphore, #tpu.memory_space<semaphore_mem>>) {add = true}
        %dma_wait3A_855 = arith.constant 0 : i32
        %dma_wait3A_856 = arith.constant 0 : i32
        %dma_wait3A_857 = tpu.memref_slice %arg12[%dma_wait3A_855, %dma_wait3A_856] : memref<10000x128xf32, #tpu.memory_space<vmem_shared>> -> memref<10000x128xf32, #tpu.memory_space<vmem_shared>>
        tpu.wait_indirect_dma semaphore(%run_scoped3A : memref<!tpu.dma_semaphore, #tpu.memory_space<semaphore_mem>>) src(%arg10 : memref<200x128xf32, #tpu.memory_space<vmem>>) dst(%dma_wait3A_857 : memref<10000x128xf32, #tpu.memory_space<vmem_shared>>)
        tpu.yield
      }) : () -> ()
      %scan3A_851 = arith.constant 0 : i32
      scf.yield %scan3A_851 : i32
    }
    %scan3A_31 = arith.constant 50 : i32
    %barrier3A_32 = arith.constant 0 : index
    tpu.barrier barrier_id(%barrier3A_32)
    %mul3A_33 = arith.constant 10000 : i32
    %mul3A_34 = arith.muli %arg0, %mul3A_33 : i32
    %add3A_35 = arith.addi %mul3A_34, %mul3A_6 : i32
    %eq3A_36 = arith.constant 15 : i32
    %eq3A_37 = arith.cmpi eq, %arg1, %eq3A_36 : i32
    %convert_element_type3A_38 = arith.extui %eq3A_37 : i1 to i32
    %cond3A_39 = arith.constant 0 : i32
    %cond3A_40 = arith.cmpi ne, %convert_element_type3A_38, %cond3A_39 : i32
    scf.if %cond3A_40 {
      "tpu.region"() ({
        %run_scoped3A = tpu.sem_alloc : memref<!tpu.dma_semaphore, #tpu.memory_space<semaphore_mem>>
        %dma_start3A = arith.constant 0 : i32
        %dma_start3A_45 = tpu.memref_slice %arg6[%add3A_35, %dma_start3A] : memref<20000x128xf32, #tpu.memory_space<hbm>> -> memref<640x128xf32, #tpu.memory_space<hbm>>
        %dma_start3A_46 = arith.constant 0 : i32
        %dma_start3A_47 = tpu.memref_slice %arg12[%mul3A_6, %dma_start3A_46] : memref<10000x128xf32, #tpu.memory_space<vmem_shared>> -> memref<640x128xf32, #tpu.memory_space<vmem_shared>>
        tpu.enqueue_dma source(%dma_start3A_47 : memref<640x128xf32, #tpu.memory_space<vmem_shared>>) target(%dma_start3A_45 : memref<640x128xf32, #tpu.memory_space<hbm>>) target_semaphore(%run_scoped3A : memref<!tpu.dma_semaphore, #tpu.memory_space<semaphore_mem>>)
        %dma_wait3A = arith.constant 0 : i32
        %dma_wait3A_48 = tpu.memref_slice %arg6[%add3A_35, %dma_wait3A] : memref<20000x128xf32, #tpu.memory_space<hbm>> -> memref<640x128xf32, #tpu.memory_space<hbm>>
        %dma_wait3A_49 = arith.constant 0 : i32
        %dma_wait3A_50 = tpu.memref_slice %arg12[%mul3A_6, %dma_wait3A_49] : memref<10000x128xf32, #tpu.memory_space<vmem_shared>> -> memref<640x128xf32, #tpu.memory_space<vmem_shared>>
        tpu.wait_dma2 semaphore(%run_scoped3A : memref<!tpu.dma_semaphore, #tpu.memory_space<semaphore_mem>>) src(%dma_wait3A_50 : memref<640x128xf32, #tpu.memory_space<vmem_shared>>) dst(%dma_wait3A_48 : memref<640x128xf32, #tpu.memory_space<hbm>>)
        tpu.yield
      }) : () -> ()
    } else {
    }
    %lt3A = arith.constant 15 : i32
    %lt3A_41 = arith.cmpi slt, %arg1, %lt3A : i32
    %convert_element_type3A_42 = arith.extui %lt3A_41 : i1 to i32
    %cond3A_43 = arith.constant 0 : i32
    %cond3A_44 = arith.cmpi ne, %convert_element_type3A_42, %cond3A_43 : i32
    scf.if %cond3A_44 {
      "tpu.region"() ({
        %run_scoped3A = tpu.sem_alloc : memref<!tpu.dma_semaphore, #tpu.memory_space<semaphore_mem>>
        %dma_start3A = arith.constant 0 : i32
        %dma_start3A_45 = tpu.memref_slice %arg6[%add3A_35, %dma_start3A] : memref<20000x128xf32, #tpu.memory_space<hbm>> -> memref<624x128xf32, #tpu.memory_space<hbm>>
        %dma_start3A_46 = arith.constant 0 : i32
        %dma_start3A_47 = tpu.memref_slice %arg12[%mul3A_6, %dma_start3A_46] : memref<10000x128xf32, #tpu.memory_space<vmem_shared>> -> memref<624x128xf32, #tpu.memory_space<vmem_shared>>
        tpu.enqueue_dma source(%dma_start3A_47 : memref<624x128xf32, #tpu.memory_space<vmem_shared>>) target(%dma_start3A_45 : memref<624x128xf32, #tpu.memory_space<hbm>>) target_semaphore(%run_scoped3A : memref<!tpu.dma_semaphore, #tpu.memory_space<semaphore_mem>>)
        %dma_wait3A = arith.constant 0 : i32
        %dma_wait3A_48 = tpu.memref_slice %arg6[%add3A_35, %dma_wait3A] : memref<20000x128xf32, #tpu.memory_space<hbm>> -> memref<624x128xf32, #tpu.memory_space<hbm>>
        %dma_wait3A_49 = arith.constant 0 : i32
        %dma_wait3A_50 = tpu.memref_slice %arg12[%mul3A_6, %dma_wait3A_49] : memref<10000x128xf32, #tpu.memory_space<vmem_shared>> -> memref<624x128xf32, #tpu.memory_space<vmem_shared>>
        tpu.wait_dma2 semaphore(%run_scoped3A : memref<!tpu.dma_semaphore, #tpu.memory_space<semaphore_mem>>) src(%dma_wait3A_50 : memref<624x128xf32, #tpu.memory_space<vmem_shared>>) dst(%dma_wait3A_48 : memref<624x128xf32, #tpu.memory_space<hbm>>)
        tpu.yield
      }) : () -> ()
    } else {
    }
    return
  }
}

</mosaic_0001>

<sc_bundles>
// kernel: _sc_agg.3.cloned.1.call-start
scs
__scs_entry_jumppad:
0x0: {  	(pc) =	sbr.rel $0x88, $3  }
0x1: {  	(tag) =	ssettag $0x0;
	lr =	simm.s32 $0x1  }
0x2: {  	[smem:$0x3F9D] =	sst lr;
	_ =	strace $0xD0000000  }
0x3: {  	_ = 	snop  }
0x4: {  	_ = 	snop  }
0x5: {  	_ = 	snop  }
0x6: {  	_ = 	snop  }
0x7: {  	_ = 	snop  }
__scs_overlays_trampoline_lowered:
0x8: {  	[smem:$0x3FAC] =	sst s0  }
0x9: {  	[smem:$0x3FAD] =	sst s1  }
0xa: {  	[smem:$0x3FAE] =	sst s2  }
0xb: {  	[smem:$0x3FAF] =	sst s3  }
0xc: {  	[smem:$0x3FB0] =	sst s4  }
0xd: {  	[smem:$0x3FB1] =	sst s5  }
0xe: {  	[smem:$0x3FB2] =	sst s6  }
0xf: {  	[smem:$0x3FB3] =	sst s7  }
0x10: {  	[smem:$0x3FB4] =	sst s8  }
0x11: {  	[smem:$0x3FB5] =	sst s9;
	s0 =	simm.s32 @!p0 $0x0  }
0x12: {  	s1 =	sld [smem:$0x3F9B];
	s0 =	simm.s32 @p0 $0x1  }
0x13: {  	[smem:$0x3FB6] =	sst s0;
	s0 =	simm.s32 @!p1 $0x0  }
0x14: {  	s2 =	sld [smem:$0x3F9A];
	s0 =	simm.s32 @p1 $0x1  }
0x15: {  	[smem:$0x3FB7] =	sst s0;
	s0 =	simm.s32 @!p2 $0x0  }
0x16: {  	s3 =	sld [smem:$0x3FDB];
	s0 =	simm.s32 @p2 $0x1  }
0x17: {  	s4 =	simm.s32 $0x1BF5;
	[smem:$0x3FB9] =	sst s0  }
0x18: {  	s0 =	sld [smem:$0x3F9C];
	_ =	swait.ge [sflag:s4], $0x0  }
0x19: {  	s7 =	sld [smem:$0x3F9D]  }
0x1a: {  	s8 =	sadd.s32 $0xFFFFE003, lr  }
0x1b: {  	s9 =	sadd.s32 $0xFFFFFEF7, lr;
	s5 =	simm.s32 $0xFFFFFFFF;
	p2 =	slt.u32 s8, $0xFFFFF086  }
0x1c: {  	p1 =	slt.u32 s9, $0xF7A;
	s5 =	simm.s32 @!p2 $0x0  }
0x1d: {  	s5 =	simm.s32 @p1 $0x1;
	p0 =	seq.s32 s7, s2  }
0x1e: {  	s7 =	smul.u32 @!p0 $0xF7A, s2;
	p2 =	seq.s32 @!p0 s5, $0x0  }
0x1f: {  	s9 =	smul.u32 $0xF7A, s1;
	s8 =	simm.s32 @!p0 $0x1BF5;
	p2 =	por !p2, p0  }
0x20: {  	[sflag:s8] =	ssyncset.s32 @!p0 $0xFFFFF086;
	s6 =	sadd.s32 @!p0 s3, s7;
	s7 =	simm.s32 @!p0 $0x108  }
0x21: {  	s3 =	sadd.s32 s3, s9;
	s6 =	sadd.s32 @!p0 $0x88, s6;
	s7 =	simm.s32 @p2 $0x1082  }
0x22: {  	[simem:s7], [sflag:s8] =	dma.local @!p0 [hbm:s6], $0xF7A  }
0x23: {  	s9 =	sor.u32 $0xD0000000, s2;
	s6 =	simm.s32 $0x108;
	_ =	swait.ge @!p0 [sflag:s8], $0x0  }
0x24: {  	s3 =	sadd.s32 $0x88, s3;
	s6 =	simm.s32 @!p1 $0x1082;
	[sflag:s4] =	ssyncset.s32 $0xFFFFF086  }
0x25: {  	[simem:s6], [sflag:s4] =	dma.local [hbm:s3], $0xF7A  }
0x26: {  	[smem:$0x3F9D] =	sst s1;
	(tag) =	ssettag s2;
	_ =	strace s9  }
0x27: {  	s1 =	sld [smem:$0x3FAD]  }
0x28: {  	s2 =	sld [smem:$0x3FAE]  }
0x29: {  	s4 =	sld [smem:$0x3FB0]  }
0x2a: {  	p0 =	seq.s32 s5, $0x0;
	s5 =	sld [smem:$0x3FB1]  }
0x2b: {  	s6 =	sld [smem:$0x3FB2]  }
0x2c: {  	s7 =	sld [smem:$0x3FB3]  }
0x2d: {  	s3 =	simm.s32 $0x108;
	s8 =	sld [smem:$0x3FB4]  }
0x2e: {  	s3 =	simm.s32 @!p0 $0x1082;
	s9 =	sld [smem:$0x3FB5]  }
0x2f: {  	lr =	sadd.s32 s0, s3;
	s0 =	sld [smem:$0x3FAC]  }
0x30: {  	s3 =	sld [smem:$0x3FAF]  }
0x31: {  	[smem:$0x3FB8] =	sst s10  }
0x32: {  	s10 =	sld [smem:$0x3FB6];
	_ =	sdelay $0x3  }
0x33: {  	p0 =	seq.s32 s10, $0x1;
	s10 =	sld [smem:$0x3FB8];
	_ =	sdelay $0x3  }
0x34: {  	[smem:$0x3FB8] =	sst s10  }
0x35: {  	s10 =	sld [smem:$0x3FB7];
	_ =	sdelay $0x3  }
0x36: {  	p1 =	seq.s32 s10, $0x1;
	s10 =	sld [smem:$0x3FB8];
	_ =	sdelay $0x3  }
0x37: {  	[smem:$0x3FB8] =	sst s10  }
0x38: {  	s10 =	sld [smem:$0x3FB9]  }
0x39: {  	_ = 	snop;
	(pc) =	sbr.ind lr, $3  }
0x3a: {  	_ = 	snop  }
0x3b: {  	_ = 	snop  }
0x3c: {  	p2 =	seq.s32 s10, $0x1;
	s10 =	sld [smem:$0x3FB8]  }
0x3d: {  	_ =	shalt  }
0x3e: {  	_ =	shalt  }
0x3f: {  	_ =	shalt  }
0x40: {  	_ =	shalt  }
0x41: {  	_ =	shalt  }
0x42: {  	_ =	shalt  }
0x43: {  	_ =	shalt  }
0x44: {  	_ =	shalt  }
0x45: {  	_ =	shalt  }
0x46: {  	_ =	shalt  }
0x47: {  	_ =	shalt  }
0x48: {  	_ =	shalt  }
0x49: {  	_ =	shalt  }
0x4a: {  	_ =	shalt  }
0x4b: {  	_ =	shalt  }
0x4c: {  	_ =	shalt  }
0x4d: {  	_ =	shalt  }
0x4e: {  	_ =	shalt  }
0x4f: {  	_ =	shalt  }
0x50: {  	_ =	shalt  }
0x51: {  	_ =	shalt  }
0x52: {  	_ =	shalt  }
0x53: {  	_ =	shalt  }
0x54: {  	_ =	shalt  }
0x55: {  	_ =	shalt  }
0x56: {  	_ =	shalt  }
0x57: {  	_ =	shalt  }
0x58: {  	_ =	shalt  }
0x59: {  	_ =	shalt  }
0x5a: {  	_ =	shalt  }
0x5b: {  	_ =	shalt  }
0x5c: {  	_ =	shalt  }
0x5d: {  	_ =	shalt  }
0x5e: {  	_ =	shalt  }
0x5f: {  	_ =	shalt  }
0x60: {  	_ =	shalt  }
0x61: {  	_ =	shalt  }
0x62: {  	_ =	shalt  }
0x63: {  	_ =	shalt  }
0x64: {  	_ =	shalt  }
0x65: {  	_ =	shalt  }
0x66: {  	_ =	shalt  }
0x67: {  	_ =	shalt  }
0x68: {  	_ =	shalt  }
0x69: {  	_ =	shalt  }
0x6a: {  	_ =	shalt  }
0x6b: {  	_ =	shalt  }
0x6c: {  	_ =	shalt  }
0x6d: {  	_ =	shalt  }
0x6e: {  	_ =	shalt  }
0x6f: {  	_ =	shalt  }
0x70: {  	_ =	shalt  }
0x71: {  	_ =	shalt  }
0x72: {  	_ =	shalt  }
0x73: {  	_ =	shalt  }
0x74: {  	_ =	shalt  }
0x75: {  	_ =	shalt  }
0x76: {  	_ =	shalt  }
0x77: {  	_ =	shalt  }
0x78: {  	_ =	shalt  }
0x79: {  	_ =	shalt  }
0x7a: {  	_ =	shalt  }
0x7b: {  	_ =	shalt  }
0x7c: {  	_ =	shalt  }
0x7d: {  	_ =	shalt  }
0x7e: {  	_ =	shalt  }
0x7f: {  	_ =	shalt  }
0x80: {  	_ =	shalt  }
0x81: {  	_ =	shalt  }
0x82: {  	_ =	shalt  }
0x83: {  	_ =	shalt  }
0x84: {  	_ =	shalt  }
0x85: {  	_ =	shalt  }
0x86: {  	_ =	shalt  }
0x87: {  	_ =	shalt  }
.Lfunc_end0:
.L_simem_size_0:
called_computation_lowered:
.L_overlay_start_0:
0x88: {  	s2 =	sld [smem:$0x3FD9]  }
0x89: {  	s3 =	sld [smem:$0x3FFE];
	_ =	sdelay $0x1  }
0x8a: {  	s1 =	srdreg.scid  }
0x8b: {  	s0 =	sand.u32 $0x1, s1  }
0x8c: {  	s18 =	sshll.u32 s0, $0xA;
	s2 =	sadd.s32 s3, s2  }
0x8d: {  	s2 =	sadd.s32 s2, s18  }
0x8e: {  	[smem:$0x3FC4] =	sst s2  }
0x8f: {  	_ = 	snop  }
0x90: {  	s2 =	sld [smem:$0x3FC9]  }
0x91: {  	s19 =	sld [smem:$0x3FC8]  }
0x92: {  	s4 =	sld [smem:$0x3FC7]  }
0x93: {  	s5 =	sld [smem:$0x3FC6]  }
0x94: {  	s6 =	sld [smem:$0x3FD0];
	(tm) =	ssettm $0x1  }
0x95: {  	s7 =	sld [smem:$0x3FFB];
	_ =	sdelay $0x3  }
0x96: {  	_ =	strace s7  }
0x97: {  	s7 =	sld [smem:$0x3FFC];
	_ =	sdelay $0x3  }
0x98: {  	_ =	strace s7  }
0x99: {  	s7 =	sld [smem:$0x3FFD];
	_ =	sdelay $0x3  }
0x9a: {  	_ =	strace s7  }
0x9b: {  	_ =	strace $0x8FFFFFFF  }
0x9c: {  	s20 =	sld [smem:$0x3FDB];
	_ =	sdelay $0x1  }
0x9d: {  	s8 =	simm.s32 $_scs_section_size  }
0x9e: {  	s9 =	simm.s32 $_size__tile_overlayer_lowered;
	s10 =	simm.s32 $_tile_overlayer_lowered  }
0x9f: {  	s23 =	simm.s32 $0x1BFF;
	s22 =	sshll.u32 s10, $0x1;
	s7 =	sadd.s32 s8, s20  }
0xa0: {  	s11 =	simm.s32 $0x0;
	s21 =	sshll.u32 s9, $0x1;
	s9 =	sadd.s32 s22, s7  }
0xa1: {  	[timem:s11], [sflag:s23] =	dma.local [hbm:s9], s21  }
0xa2: {  	_ =	swait.ge [sflag:s23], s21  }
0xa3: {  	s8 =	ssub.s32 $0x0, s21;
	[sflag:s23] =	ssyncset.done $0x0  }
0xa4: {  	[sflag:s23] =	ssyncadd.s32 s8;
	_ =	sdelay $0x1  }
0xa5: {  	s24 =	simm.s32 $0x1B8B  }
0xa6: {  	_ =	swait.ge [sflag:s24], $0x1  }
0xa7: {  	[sflag:s24] =	ssyncset.done $0x0  }
0xa8: {  	s25 =	simm.s32 $0x1B8E;
	[sflag:s24] =	ssyncadd.s32 $0xFFFFFFFF  }
0xa9: {  	s26 =	simm.s32 $execute0_lowered;
	[smem:$0x3FD2] =	sst s25  }
0xaa: {  	s8 =	sshll.u32 s26, $0x1;
	_ =	strace $0x80000046;
	[dreg:$0x1] =	wrdreg $0xFFFFFFFF  }
0xab: {  	s28 =	simm.s32 $_size_execute0_lowered;
	s7 =	sadd.s32 s7, s8;
	[dreg:$0x0] =	wrdreg $0x0  }
0xac: {  	s8 =	sshll.u32 s28, $0x1;
	[dreg:$0x2] =	wrdreg s7  }
0xad: {  	[dreg:$0x3] =	wrdreg s8  }
0xae: {  	[dreg:$0x4] =	wrdreg $0xC0  }
0xaf: {  	_ =	task [dreg:s11], $0x5FFFF  }
0xb0: {  	[dreg:$0x1] =	wrdreg $0xFFFFFFFF  }
0xb1: {  	[dreg:$0x0] =	wrdreg $0x60  }
0xb2: {  	[dreg:$0x2] =	wrdreg s2  }
0xb3: {  	[dreg:$0x3] =	wrdreg s19  }
0xb4: {  	[dreg:$0x4] =	wrdreg s4  }
0xb5: {  	[dreg:$0x5] =	wrdreg s5  }
0xb6: {  	[dreg:$0x6] =	wrdreg s6  }
0xb7: {  	[dreg:$0x7] =	wrdreg $0x9B000  }
0xb8: {  	[dreg:$0x8] =	wrdreg $0x9  }
0xb9: {  	_ =	task.clear_ibuf [dreg:s11], $0x9FFFF;
	_ =	strace $0x90000046  }
0xba: {  	s29 =	simm.s32 $0x9;
	_ =	strace $0x80000048  }
0xbb: {  	_ =	swait.ge [sflag:s29], $0x1  }
0xbc: {  	[sflag:s29] =	ssyncadd.s32 $0xFFFFFFFF  }
0xbd: {  	_ =	strace $0x90000048  }
0xbe: {  	_ =	sfence  }
0xbf: {  	s30 =	sld [smem:$0x0];
	_ =	sdelay $0x2  }
0xc0: {  	s31 =	sshll.u32 s1, $0xD;
	s1 =	sshrl.u32 s1, $0x2  }
0xc1: {  	s3 =	sand.u32 $0x4000, s31;
	s1 =	sadd.s32 s1, s30  }
0xc2: {  	s0 =	sor.u32 s3, s0;
	s1 =	sshll.u32 s1, $0x11  }
0xc3: {  	s0 =	sor.u32 s1, s0  }
0xc4: {  	s0 =	sadd.s32 $0x8F2B, s0  }
0xc5: {  	[sflag:s0] =	ssyncadd.remote.s32 $0x1  }
0xc6: {  	_ =	sfence.sel $0xFFFF  }
0xc7: {  	[dreg:$0x0] =	wrdreg $0xFFFFFFFF;
	(pc) =	sbr.abs _section_cstart, $3  }
0xc8: {  	[dreg:$0x1] =	wrdreg $0xFFFFFFFF  }
0xc9: {  	_ =	task.clear_ibuf [dreg:s11], $0x2FFFF;
	_ =	strace $0x9FFFFFFF  }
0xca: {  	(tm) =	ssettm $0x7FFFFFFF  }
0xcb: {  	_ =	shalt  }
tec
execute0_lowered:
.L_overlay_start_1:
0x0: {  	(tag) =	ssettag $0x1  }
0x1: {  	s1 =	rddreg [dreg:$0x0]  }
0x2: {  	s2 =	rddreg [dreg:$0x1]  }
0x3: {  	s3 =	rddreg [dreg:$0x2]  }
0x4: {  	s4 =	rddreg [dreg:$0x3]  }
0x5: {  	s16 =	rddreg [dreg:$0x4]  }
0x6: {  	s6 =	rddreg [dreg:$0x5]  }
0x7: {  	s0 =	rddreg [dreg:$0x6];
	s7 =	simm.s32 $0x0;
	s8 =	srdreg.scid  }
0x8: {  	s5 =	stileid.u32;
	s20 =	simm.s32 $0x100;
	s21 =	simm.s32 $0x200  }
0x9: {  	s22 =	simm.s32 $0xC8;
	s23 =	simm.s32 $0x300;
	s31 =	smul.u32 $0x4E000, s5  }
0xa: {  	s24 =	simm.s32 $0x1;
	[smem:$0x7FF] =	sst s7;
	s12 =	smul.u32 $0x270, s5  }
0xb: {  	s11 =	sand.u32 $0x1, s8;
	s18 =	smul.u32 $0x2710, s5;
	p0 =	sne.s32 s5, $0xF  }
0xc: {  	_ =	strace $0x80000047;
	s9 =	ssub.s32 $0x2, s11;
	s13 =	smul.u32 $0x2710, s11  }
0xd: {  	s15 =	smul.u32 $0x27100, s11;
	s10 =	sshrl.u32 s9, $0x1;
	s8 =	sshrl.u32 s31, $0x2  }
0xe: {  	s17 =	ssub.s32 s9, s10;
	s8 =	sadd.s32 s8, s6;
	s14 =	sadd.s32 s12, s13  }
0xf: {  	s15 =	sadd.s32 s18, s15;
	s18 =	simm.s32 $0x6700;
	s9 =	sadd.s32 $0x3400, s8  }
0x10: {  	s10 =	sadd.s32 $0x6800, s8;
	s11 =	sadd.s32 $0x9C00, s8;
	s12 =	sadd.s32 $0xD000, s8  }
0x11: {  	s13 =	sadd.s32 $0x10400, s8;
	s19 =	sshll.u32 s14, $0x4;
	s14 =	sadd.s32 $0x138000, s6  }
0x12: {  	v0 =	vimm.f32 $0.0e+00;
	s17 =	smax.u32 s17, $0x1;
	s16 =	sadd.s32 s16, s19;
	s19 =	simm.s32 $0x2  }
.LBB2_1:
0x13: {  	s25 =	simm.s32 $0x0;
	s26 =	simm.s32 $0x200  }
.LBB2_2:
0x14: {  	p1 =	sne.s32 s26, $0xCE00;
	[tilespmem:s25+$0x6770] =	vst v0  }
0x15: {  	[tilespmem:s25+$0x6700] =	vst v0  }
0x16: {  	[tilespmem:s25+$0x6710] =	vst v0  }
.Ltmp0:
0x17: {  	[tilespmem:s25+$0x6720] =	vst v0;
	(pc) =	sbr.rel @p1 .LBB2_2-.Ltmp0, $4  }
0x18: {  	[tilespmem:s25+$0x6730] =	vst v0  }
0x19: {  	[tilespmem:s25+$0x6740] =	vst v0  }
0x1a: {  	[tilespmem:s25+$0x6750] =	vst v0  }
0x1b: {  	[tilespmem:s25+$0x6760] =	vst v0;
	s25 =	sshra.s32 s26, $0x2;
	s26 =	sadd.s32 $0x200, s26  }
0x1c: {  	[tilespmem:s25+$0x6770] =	vst v0  }
0x1d: {  	[tilespmem:s25+$0x6700] =	vst v0  }
0x1e: {  	[tilespmem:s25+$0x6710] =	vst v0  }
0x1f: {  	[tilespmem:s25+$0x6720] =	vst v0  }
0x20: {  	[tilespmem:s25+$0x6730] =	vst v0  }
0x21: {  	[tilespmem:s25+$0x6740] =	vst v0  }
0x22: {  	[tilespmem:s25+$0x6750] =	vst v0  }
0x23: {  	[tilespmem:s25+$0x6760] =	vst v0  }
0x24: {  	[spmem:s8] =	stream.linear.scatter [tilespmem:s18], [sflag:$0x2], $0x3400, $0x38;
	[tilespmem:$0x1D380] =	vst v63  }
0x25: {  	_ =	swait.ge [sflag:s19], $0x3400  }
0x26: {  	[sflag:s19] =	ssyncset.done $0x0  }
0x27: {  	[sflag:s19] =	ssyncadd.s32 $0xFFFFCC00  }
0x28: {  	[spmem:s9] =	stream.linear.scatter [tilespmem:s18], [sflag:$0x2], $0x3400, $0x38;
	[tilespmem:$0x1D380] =	vst v63  }
0x29: {  	_ =	swait.ge [sflag:s19], $0x3400  }
0x2a: {  	[sflag:s19] =	ssyncset.done $0x0  }
0x2b: {  	[sflag:s19] =	ssyncadd.s32 $0xFFFFCC00  }
0x2c: {  	[spmem:s10] =	stream.linear.scatter [tilespmem:s18], [sflag:$0x2], $0x3400, $0x38;
	[tilespmem:$0x1D380] =	vst v63  }
0x2d: {  	_ =	swait.ge [sflag:s19], $0x3400  }
0x2e: {  	[sflag:s19] =	ssyncset.done $0x0  }
0x2f: {  	[sflag:s19] =	ssyncadd.s32 $0xFFFFCC00  }
0x30: {  	[spmem:s11] =	stream.linear.scatter [tilespmem:s18], [sflag:$0x2], $0x3400, $0x38;
	[tilespmem:$0x1D380] =	vst v63  }
0x31: {  	_ =	swait.ge [sflag:s19], $0x3400  }
0x32: {  	[sflag:s19] =	ssyncset.done $0x0  }
0x33: {  	[sflag:s19] =	ssyncadd.s32 $0xFFFFCC00  }
0x34: {  	[spmem:s12] =	stream.linear.scatter [tilespmem:s18], [sflag:$0x2], $0x3400, $0x38;
	[tilespmem:$0x1D380] =	vst v63  }
0x35: {  	_ =	swait.ge [sflag:s19], $0x3400  }
0x36: {  	[sflag:s19] =	ssyncset.done $0x0  }
0x37: {  	[sflag:s19] =	ssyncadd.s32 $0xFFFFCC00  }
0x38: {  	[spmem:s13] =	stream.linear.scatter [tilespmem:s18], [sflag:$0x2], $0x3400, $0x38;
	[tilespmem:$0x1D380] =	vst v63  }
0x39: {  	_ =	swait.ge [sflag:s19], $0x3400  }
0x3a: {  	[sflag:s19] =	ssyncset.done $0x0  }
0x3b: {  	s25 =	simm.s32 @!p0 $0x6700;
	[sflag:s19] =	ssyncadd.s32 $0xFFFFCC00  }
0x3c: {  	[spmem:s14] =	stream.linear.scatter @!p0 [tilespmem:s25], [sflag:$0x2], $0x800, $0x38;
	[tilespmem:$0x1D380] =	vst v63  }
0x3d: {  	s25 =	simm.s32 @!p0 $0x2  }
0x3e: {  	_ =	swait.ge @!p0 [sflag:s25], $0x800  }
0x3f: {  	[sflag:s25] =	ssyncset.done @!p0 $0x0  }
0x40: {  	[sflag:s25] =	ssyncadd.s32 @!p0 $0xFFFFF800  }
0x41: {  	s26 =	simm.s32 $0x0;
	s25 =	simm.s32 $0x0;
	[bflag:$0x0] =	sbarrier.arrive $0xFFFF  }
.LBB2_4:
0x42: {  	s28 =	smul.u32 $0xC8, s26;
	_ =	sdelay $0x1  }
0x43: {  	s28 =	sadd.s32 s28, s15  }
0x44: {  	s28 =	sshrl.u32 s28, $0x3  }
0x45: {  	s29 =	sadd.s32 s2, s28  }
0x46: {  	[tilespmem:s25], [sflag:$0x2] =	stream.linear.gather [hbm4b:s29+s25], $0xC8, $0x38;
	[tilespmem:$0x1D380] =	vst v63  }
0x47: {  	_ =	swait.ge [sflag:s19], $0xC8  }
0x48: {  	[sflag:s19] =	ssyncset.done $0x0  }
0x49: {  	s31 =	sadd.s32 s3, s28;
	[sflag:s19] =	ssyncadd.s32 $0xFFFFFF38  }
0x4a: {  	[tilespmem:s20], [sflag:$0x2] =	stream.linear.gather [hbm4b:s31+s25], $0xC8, $0x38;
	[tilespmem:$0x1D380] =	vst v63  }
0x4b: {  	_ =	swait.ge [sflag:s19], $0xC8  }
0x4c: {  	[sflag:s19] =	ssyncset.done $0x0  }
0x4d: {  	s28 =	sadd.s32 s4, s28;
	[sflag:s19] =	ssyncadd.s32 $0xFFFFFF38  }
0x4e: {  	[tilespmem:s21], [sflag:$0x2] =	stream.linear.gather [hbm4b:s28+s25], $0xC8, $0x38;
	[tilespmem:$0x1D380] =	vst v63  }
0x4f: {  	_ =	swait.ge [sflag:s19], $0xC8  }
0x50: {  	[sflag:s19] =	ssyncset.done $0x0  }
0x51: {  	[sflag:s19] =	ssyncadd.s32 $0xFFFFFF38  }
0x52: {  	[tilespmem:s23], [sflag:$0x1] =	stream.indirect.gather [hbm4b:s1+s22], $0x80, s25, s22, $0xb8;
	[tilespmem:$0x1D380] =	vst v63  }
0x53: {  	_ =	swait.ge [sflag:s24], $0x6400  }
0x54: {  	[sflag:s24] =	ssyncset.done $0x0  }
0x55: {  	s28 =	simm.s32 $0x0;
	[sflag:s24] =	ssyncadd.s32 $0xFFFF9C00  }
.LBB2_5:
0x56: {  	s29 =	sshll.u32 s28, $0x4  }
0x57: {  	s29 =	sand.u32 $0x3FFFFFF0, s29  }
0x58: {  	s31 =	sshll.u32 s28, $0xB;
	v1 =	vld [tilespmem:s29+$0x200]  }
0x59: {  	s29 =	sand.u32 $0x3FFFF800, s31  }
0x5a: {  	v2 =	vld [tilespmem:s29+$0x300]  }
0x5b: {  	v3 =	vld [tilespmem:s29+$0x310]  }
0x5c: {  	v4 =	vld [tilespmem:s29+$0x320]  }
0x5d: {  	v6 =	vld [tilespmem:s29+$0x330];
	v5 =	vbroadcast v1, $0x0  }
0x5e: {  	v7 =	vld [tilespmem:s29+$0x340]  }
0x5f: {  	v8 =	vld [tilespmem:s29+$0x350];
	v2 =	vmul.f32 v5, v2  }
0x60: {  	v9 =	vld [tilespmem:s29+$0x360];
	v3 =	vmul.f32 v3, v5  }
0x61: {  	v34 =	vld [tilespmem:s29+$0x370];
	[tilespmem:s29+$0x300] =	vst v2;
	v2 =	vmul.f32 v4, v5  }
0x62: {  	v35 =	vld [tilespmem:s29+$0x380];
	[tilespmem:s29+$0x310] =	vst v3;
	v3 =	vmul.f32 v6, v5  }
0x63: {  	v36 =	vld [tilespmem:s29+$0x390];
	[tilespmem:s29+$0x320] =	vst v2;
	v2 =	vmul.f32 v7, v5  }
0x64: {  	v37 =	vld [tilespmem:s29+$0x3A0];
	[tilespmem:s29+$0x330] =	vst v3;
	v3 =	vmul.f32 v8, v5  }
0x65: {  	v10 =	vld [tilespmem:s29+$0x3B0];
	v38 =	vbroadcast v1, $0x1;
	[tilespmem:s29+$0x340] =	vst v2;
	v2 =	vmul.f32 v9, v5  }
0x66: {  	v39 =	vld [tilespmem:s29+$0x3C0];
	[tilespmem:s29+$0x350] =	vst v3;
	v3 =	vmul.f32 v34, v5  }
0x67: {  	v40 =	vld [tilespmem:s29+$0x3D0];
	[tilespmem:s29+$0x360] =	vst v2;
	v2 =	vmul.f32 v35, v38  }
0x68: {  	v41 =	vld [tilespmem:s29+$0x3E0];
	[tilespmem:s29+$0x370] =	vst v3;
	v3 =	vmul.f32 v36, v38  }
0x69: {  	v42 =	vld [tilespmem:s29+$0x3F0];
	[tilespmem:s29+$0x380] =	vst v2;
	v2 =	vmul.f32 v37, v38  }
0x6a: {  	v43 =	vld [tilespmem:s29+$0x400];
	[tilespmem:s29+$0x390] =	vst v3;
	v3 =	vmul.f32 v10, v38  }
0x6b: {  	v44 =	vld [tilespmem:s29+$0x410];
	[tilespmem:s29+$0x3A0] =	vst v2;
	v2 =	vmul.f32 v39, v38  }
0x6c: {  	v45 =	vld [tilespmem:s29+$0x420];
	[tilespmem:s29+$0x3B0] =	vst v3;
	v3 =	vmul.f32 v40, v38  }
0x6d: {  	v47 =	vld [tilespmem:s29+$0x430];
	v46 =	vbroadcast v1, $0x2;
	[tilespmem:s29+$0x3C0] =	vst v2;
	v2 =	vmul.f32 v41, v38  }
0x6e: {  	v48 =	vld [tilespmem:s29+$0x440];
	[tilespmem:s29+$0x3D0] =	vst v3;
	v3 =	vmul.f32 v42, v38  }
0x6f: {  	v49 =	vld [tilespmem:s29+$0x450];
	[tilespmem:s29+$0x3E0] =	vst v2;
	v2 =	vmul.f32 v43, v46  }
0x70: {  	v50 =	vld [tilespmem:s29+$0x460];
	[tilespmem:s29+$0x3F0] =	vst v3;
	v3 =	vmul.f32 v44, v46  }
0x71: {  	v51 =	vld [tilespmem:s29+$0x470];
	[tilespmem:s29+$0x400] =	vst v2;
	v2 =	vmul.f32 v45, v46  }
0x72: {  	v52 =	vld [tilespmem:s29+$0x480];
	[tilespmem:s29+$0x410] =	vst v3;
	v3 =	vmul.f32 v47, v46  }
0x73: {  	v53 =	vld [tilespmem:s29+$0x490];
	[tilespmem:s29+$0x420] =	vst v2;
	v2 =	vmul.f32 v48, v46  }
0x74: {  	v54 =	vld [tilespmem:s29+$0x4A0];
	[tilespmem:s29+$0x430] =	vst v3;
	v3 =	vmul.f32 v49, v46  }
0x75: {  	v56 =	vld [tilespmem:s29+$0x4B0];
	v55 =	vbroadcast v1, $0x3;
	[tilespmem:s29+$0x440] =	vst v2;
	v2 =	vmul.f32 v50, v46  }
0x76: {  	v57 =	vld [tilespmem:s29+$0x4C0];
	[tilespmem:s29+$0x450] =	vst v3;
	v3 =	vmul.f32 v51, v46  }
0x77: {  	v58 =	vld [tilespmem:s29+$0x4D0];
	[tilespmem:s29+$0x460] =	vst v2;
	v2 =	vmul.f32 v52, v55  }
0x78: {  	v59 =	vld [tilespmem:s29+$0x4E0];
	[tilespmem:s29+$0x470] =	vst v3;
	v3 =	vmul.f32 v53, v55  }
0x79: {  	v60 =	vld [tilespmem:s29+$0x4F0];
	[tilespmem:s29+$0x480] =	vst v2;
	v2 =	vmul.f32 v54, v55  }
0x7a: {  	v61 =	vld [tilespmem:s29+$0x500];
	[tilespmem:s29+$0x490] =	vst v3;
	v3 =	vmul.f32 v56, v55  }
0x7b: {  	v62 =	vld [tilespmem:s29+$0x510];
	[tilespmem:s29+$0x4A0] =	vst v2;
	v2 =	vmul.f32 v57, v55  }
0x7c: {  	v63 =	vld [tilespmem:s29+$0x520];
	[tilespmem:s29+$0x4B0] =	vst v3;
	v3 =	vmul.f32 v58, v55  }
0x7d: {  	v13 =	vld [tilespmem:s29+$0x530];
	v12 =	vbroadcast v1, $0x4;
	[tilespmem:s29+$0x4C0] =	vst v2;
	v2 =	vmul.f32 v59, v55  }
0x7e: {  	v14 =	vld [tilespmem:s29+$0x540];
	[tilespmem:s29+$0x4D0] =	vst v3;
	v3 =	vmul.f32 v60, v55  }
0x7f: {  	v15 =	vld [tilespmem:s29+$0x550];
	[tilespmem:s29+$0x4E0] =	vst v2;
	v2 =	vmul.f32 v61, v12  }
0x80: {  	v16 =	vld [tilespmem:s29+$0x560];
	[tilespmem:s29+$0x4F0] =	vst v3;
	v3 =	vmul.f32 v62, v12  }
0x81: {  	v17 =	vld [tilespmem:s29+$0x570];
	[tilespmem:s29+$0x500] =	vst v2;
	v2 =	vmul.f32 v63, v12  }
0x82: {  	v18 =	vld [tilespmem:s29+$0x580];
	[tilespmem:s29+$0x510] =	vst v3;
	v3 =	vmul.f32 v13, v12  }
0x83: {  	v19 =	vld [tilespmem:s29+$0x590];
	[tilespmem:s29+$0x520] =	vst v2;
	v2 =	vmul.f32 v14, v12  }
0x84: {  	v20 =	vld [tilespmem:s29+$0x5A0];
	[tilespmem:s29+$0x530] =	vst v3;
	v3 =	vmul.f32 v15, v12  }
0x85: {  	v22 =	vld [tilespmem:s29+$0x5B0];
	v21 =	vbroadcast v1, $0x5;
	[tilespmem:s29+$0x540] =	vst v2;
	v2 =	vmul.f32 v16, v12  }
0x86: {  	v23 =	vld [tilespmem:s29+$0x5C0];
	[tilespmem:s29+$0x550] =	vst v3;
	v3 =	vmul.f32 v17, v12  }
0x87: {  	v24 =	vld [tilespmem:s29+$0x5D0];
	[tilespmem:s29+$0x560] =	vst v2;
	v2 =	vmul.f32 v18, v21  }
0x88: {  	v25 =	vld [tilespmem:s29+$0x5E0];
	[tilespmem:s29+$0x570] =	vst v3;
	v3 =	vmul.f32 v19, v21  }
0x89: {  	v26 =	vld [tilespmem:s29+$0x5F0];
	[tilespmem:s29+$0x580] =	vst v2;
	v2 =	vmul.f32 v20, v21  }
0x8a: {  	v27 =	vld [tilespmem:s29+$0x600];
	[tilespmem:s29+$0x590] =	vst v3;
	v3 =	vmul.f32 v22, v21  }
0x8b: {  	v28 =	vld [tilespmem:s29+$0x610];
	[tilespmem:s29+$0x5A0] =	vst v2;
	v2 =	vmul.f32 v23, v21  }
0x8c: {  	v29 =	vld [tilespmem:s29+$0x620];
	[tilespmem:s29+$0x5B0] =	vst v3;
	v3 =	vmul.f32 v24, v21  }
0x8d: {  	v31 =	vld [tilespmem:s29+$0x630];
	v30 =	vbroadcast v1, $0x6;
	[tilespmem:s29+$0x5C0] =	vst v2;
	v2 =	vmul.f32 v25, v21  }
0x8e: {  	v32 =	vld [tilespmem:s29+$0x640];
	[tilespmem:s29+$0x5D0] =	vst v3;
	v3 =	vmul.f32 v26, v21  }
0x8f: {  	v33 =	vld [tilespmem:s29+$0x650];
	[tilespmem:s29+$0x5E0] =	vst v2;
	v2 =	vmul.f32 v27, v30  }
0x90: {  	v34 =	vld [tilespmem:s29+$0x660];
	[tilespmem:s29+$0x5F0] =	vst v3;
	v3 =	vmul.f32 v28, v30  }
0x91: {  	v35 =	vld [tilespmem:s29+$0x670];
	[tilespmem:s29+$0x600] =	vst v2;
	v2 =	vmul.f32 v29, v30  }
0x92: {  	v36 =	vld [tilespmem:s29+$0x680];
	[tilespmem:s29+$0x610] =	vst v3;
	v3 =	vmul.f32 v31, v30  }
0x93: {  	v37 =	vld [tilespmem:s29+$0x690];
	[tilespmem:s29+$0x620] =	vst v2;
	v2 =	vmul.f32 v32, v30  }
0x94: {  	v38 =	vld [tilespmem:s29+$0x6A0];
	[tilespmem:s29+$0x630] =	vst v3;
	v3 =	vmul.f32 v33, v30  }
0x95: {  	v39 =	vbroadcast v1, $0x7;
	v40 =	vld [tilespmem:s29+$0x6B0];
	[tilespmem:s29+$0x640] =	vst v2;
	v2 =	vmul.f32 v34, v30  }
0x96: {  	v41 =	vld [tilespmem:s29+$0x6C0];
	[tilespmem:s29+$0x650] =	vst v3;
	v3 =	vmul.f32 v35, v30  }
0x97: {  	v42 =	vld [tilespmem:s29+$0x6D0];
	[tilespmem:s29+$0x660] =	vst v2;
	v2 =	vmul.f32 v36, v39  }
0x98: {  	v43 =	vld [tilespmem:s29+$0x6E0];
	[tilespmem:s29+$0x670] =	vst v3;
	v3 =	vmul.f32 v37, v39  }
0x99: {  	v44 =	vld [tilespmem:s29+$0x6F0];
	[tilespmem:s29+$0x680] =	vst v2;
	v2 =	vmul.f32 v38, v39  }
0x9a: {  	v45 =	vld [tilespmem:s29+$0x700];
	[tilespmem:s29+$0x690] =	vst v3;
	v3 =	vmul.f32 v40, v39  }
0x9b: {  	v46 =	vld [tilespmem:s29+$0x710];
	[tilespmem:s29+$0x6A0] =	vst v2;
	v2 =	vmul.f32 v41, v39  }
0x9c: {  	v47 =	vld [tilespmem:s29+$0x720];
	[tilespmem:s29+$0x6B0] =	vst v3;
	v3 =	vmul.f32 v42, v39  }
0x9d: {  	v48 =	vbroadcast v1, $0x8;
	v49 =	vld [tilespmem:s29+$0x730];
	[tilespmem:s29+$0x6C0] =	vst v2;
	v2 =	vmul.f32 v43, v39  }
0x9e: {  	v50 =	vld [tilespmem:s29+$0x740];
	[tilespmem:s29+$0x6D0] =	vst v3;
	v3 =	vmul.f32 v44, v39  }
0x9f: {  	v51 =	vld [tilespmem:s29+$0x750];
	[tilespmem:s29+$0x6E0] =	vst v2;
	v2 =	vmul.f32 v45, v48  }
0xa0: {  	v52 =	vld [tilespmem:s29+$0x760];
	[tilespmem:s29+$0x6F0] =	vst v3;
	v3 =	vmul.f32 v46, v48  }
0xa1: {  	v53 =	vld [tilespmem:s29+$0x770];
	[tilespmem:s29+$0x700] =	vst v2;
	v2 =	vmul.f32 v47, v48  }
0xa2: {  	v54 =	vld [tilespmem:s29+$0x780];
	[tilespmem:s29+$0x710] =	vst v3;
	v3 =	vmul.f32 v49, v48  }
0xa3: {  	v55 =	vld [tilespmem:s29+$0x790];
	[tilespmem:s29+$0x720] =	vst v2;
	v2 =	vmul.f32 v50, v48  }
0xa4: {  	v56 =	vld [tilespmem:s29+$0x7A0];
	[tilespmem:s29+$0x730] =	vst v3;
	v3 =	vmul.f32 v51, v48  }
0xa5: {  	v57 =	vbroadcast v1, $0x9;
	v58 =	vld [tilespmem:s29+$0x7B0];
	[tilespmem:s29+$0x740] =	vst v2;
	v2 =	vmul.f32 v52, v48  }
0xa6: {  	v59 =	vld [tilespmem:s29+$0x7C0];
	[tilespmem:s29+$0x750] =	vst v3;
	v3 =	vmul.f32 v53, v48  }
0xa7: {  	v60 =	vld [tilespmem:s29+$0x7D0];
	[tilespmem:s29+$0x760] =	vst v2;
	v2 =	vmul.f32 v54, v57  }
0xa8: {  	v61 =	vld [tilespmem:s29+$0x7E0];
	[tilespmem:s29+$0x770] =	vst v3;
	v3 =	vmul.f32 v55, v57  }
0xa9: {  	v62 =	vld [tilespmem:s29+$0x7F0];
	[tilespmem:s29+$0x780] =	vst v2;
	v2 =	vmul.f32 v56, v57  }
0xaa: {  	v63 =	vld [tilespmem:s29+$0x800];
	[tilespmem:s29+$0x790] =	vst v3;
	v3 =	vmul.f32 v58, v57  }
0xab: {  	v12 =	vld [tilespmem:s29+$0x810];
	[tilespmem:s29+$0x7A0] =	vst v2;
	v2 =	vmul.f32 v59, v57  }
0xac: {  	v13 =	vld [tilespmem:s29+$0x820];
	[tilespmem:s29+$0x7B0] =	vst v3;
	v3 =	vmul.f32 v60, v57  }
0xad: {  	v14 =	vbroadcast v1, $0xA;
	v15 =	vld [tilespmem:s29+$0x830];
	[tilespmem:s29+$0x7C0] =	vst v2;
	v2 =	vmul.f32 v61, v57  }
0xae: {  	v16 =	vld [tilespmem:s29+$0x840];
	[tilespmem:s29+$0x7D0] =	vst v3;
	v3 =	vmul.f32 v62, v57  }
0xaf: {  	v17 =	vld [tilespmem:s29+$0x850];
	[tilespmem:s29+$0x7E0] =	vst v2;
	v2 =	vmul.f32 v63, v14  }
0xb0: {  	v18 =	vld [tilespmem:s29+$0x860];
	[tilespmem:s29+$0x7F0] =	vst v3;
	v3 =	vmul.f32 v12, v14  }
0xb1: {  	v19 =	vld [tilespmem:s29+$0x870];
	[tilespmem:s29+$0x800] =	vst v2;
	v2 =	vmul.f32 v13, v14  }
0xb2: {  	v20 =	vld [tilespmem:s29+$0x880];
	[tilespmem:s29+$0x810] =	vst v3;
	v3 =	vmul.f32 v15, v14  }
0xb3: {  	v21 =	vld [tilespmem:s29+$0x890];
	[tilespmem:s29+$0x820] =	vst v2;
	v2 =	vmul.f32 v16, v14  }
0xb4: {  	v22 =	vld [tilespmem:s29+$0x8A0];
	[tilespmem:s29+$0x830] =	vst v3;
	v3 =	vmul.f32 v17, v14  }
0xb5: {  	v23 =	vbroadcast v1, $0xB;
	v24 =	vld [tilespmem:s29+$0x8B0];
	[tilespmem:s29+$0x840] =	vst v2;
	v2 =	vmul.f32 v18, v14  }
0xb6: {  	v25 =	vld [tilespmem:s29+$0x8C0];
	[tilespmem:s29+$0x850] =	vst v3;
	v3 =	vmul.f32 v19, v14  }
0xb7: {  	v26 =	vld [tilespmem:s29+$0x8D0];
	[tilespmem:s29+$0x860] =	vst v2;
	v2 =	vmul.f32 v20, v23  }
0xb8: {  	v27 =	vld [tilespmem:s29+$0x8E0];
	[tilespmem:s29+$0x870] =	vst v3;
	v3 =	vmul.f32 v21, v23  }
0xb9: {  	v28 =	vld [tilespmem:s29+$0x8F0];
	[tilespmem:s29+$0x880] =	vst v2;
	v2 =	vmul.f32 v22, v23  }
0xba: {  	v29 =	vld [tilespmem:s29+$0x900];
	[tilespmem:s29+$0x890] =	vst v3;
	v3 =	vmul.f32 v24, v23  }
0xbb: {  	v30 =	vld [tilespmem:s29+$0x910];
	[tilespmem:s29+$0x8A0] =	vst v2;
	v2 =	vmul.f32 v25, v23  }
0xbc: {  	v31 =	vld [tilespmem:s29+$0x920];
	[tilespmem:s29+$0x8B0] =	vst v3;
	v3 =	vmul.f32 v26, v23  }
0xbd: {  	v32 =	vbroadcast v1, $0xC;
	v33 =	vld [tilespmem:s29+$0x930];
	[tilespmem:s29+$0x8C0] =	vst v2;
	v2 =	vmul.f32 v27, v23  }
0xbe: {  	v34 =	vld [tilespmem:s29+$0x940];
	[tilespmem:s29+$0x8D0] =	vst v3;
	v3 =	vmul.f32 v28, v23  }
0xbf: {  	v35 =	vld [tilespmem:s29+$0x950];
	[tilespmem:s29+$0x8E0] =	vst v2;
	v2 =	vmul.f32 v29, v32  }
0xc0: {  	v36 =	vld [tilespmem:s29+$0x960];
	[tilespmem:s29+$0x8F0] =	vst v3;
	v3 =	vmul.f32 v30, v32  }
0xc1: {  	v37 =	vld [tilespmem:s29+$0x970];
	[tilespmem:s29+$0x900] =	vst v2;
	v2 =	vmul.f32 v31, v32  }
0xc2: {  	v38 =	vld [tilespmem:s29+$0x980];
	[tilespmem:s29+$0x910] =	vst v3;
	v3 =	vmul.f32 v33, v32  }
0xc3: {  	v39 =	vld [tilespmem:s29+$0x990];
	[tilespmem:s29+$0x920] =	vst v2;
	v2 =	vmul.f32 v34, v32  }
0xc4: {  	v40 =	vld [tilespmem:s29+$0x9A0];
	[tilespmem:s29+$0x930] =	vst v3;
	v3 =	vmul.f32 v35, v32  }
0xc5: {  	v41 =	vbroadcast v1, $0xD;
	v42 =	vld [tilespmem:s29+$0x9B0];
	[tilespmem:s29+$0x940] =	vst v2;
	v2 =	vmul.f32 v36, v32  }
0xc6: {  	v43 =	vld [tilespmem:s29+$0x9C0];
	[tilespmem:s29+$0x950] =	vst v3;
	v3 =	vmul.f32 v37, v32  }
0xc7: {  	v44 =	vld [tilespmem:s29+$0x9D0];
	[tilespmem:s29+$0x960] =	vst v2;
	v2 =	vmul.f32 v38, v41  }
0xc8: {  	v45 =	vld [tilespmem:s29+$0x9E0];
	[tilespmem:s29+$0x970] =	vst v3;
	v3 =	vmul.f32 v39, v41  }
0xc9: {  	v46 =	vld [tilespmem:s29+$0x9F0];
	[tilespmem:s29+$0x980] =	vst v2;
	v2 =	vmul.f32 v40, v41  }
0xca: {  	v47 =	vld [tilespmem:s29+$0xA00];
	[tilespmem:s29+$0x990] =	vst v3;
	v3 =	vmul.f32 v42, v41  }
0xcb: {  	v48 =	vld [tilespmem:s29+$0xA10];
	[tilespmem:s29+$0x9A0] =	vst v2;
	v2 =	vmul.f32 v43, v41  }
0xcc: {  	v49 =	vld [tilespmem:s29+$0xA20];
	[tilespmem:s29+$0x9B0] =	vst v3;
	v3 =	vmul.f32 v44, v41  }
0xcd: {  	v50 =	vbroadcast v1, $0xE;
	v51 =	vld [tilespmem:s29+$0xA30];
	[tilespmem:s29+$0x9C0] =	vst v2;
	v2 =	vmul.f32 v45, v41  }
0xce: {  	v52 =	vld [tilespmem:s29+$0xA40];
	[tilespmem:s29+$0x9D0] =	vst v3;
	v3 =	vmul.f32 v46, v41  }
0xcf: {  	v53 =	vld [tilespmem:s29+$0xA50];
	[tilespmem:s29+$0x9E0] =	vst v2;
	v2 =	vmul.f32 v47, v50  }
0xd0: {  	v54 =	vld [tilespmem:s29+$0xA60];
	[tilespmem:s29+$0x9F0] =	vst v3;
	v3 =	vmul.f32 v48, v50  }
0xd1: {  	v55 =	vld [tilespmem:s29+$0xA70];
	[tilespmem:s29+$0xA00] =	vst v2;
	v2 =	vmul.f32 v49, v50  }
0xd2: {  	v56 =	vld [tilespmem:s29+$0xA80];
	[tilespmem:s29+$0xA10] =	vst v3;
	v3 =	vmul.f32 v51, v50  }
0xd3: {  	v57 =	vld [tilespmem:s29+$0xA90];
	[tilespmem:s29+$0xA20] =	vst v2;
	v2 =	vmul.f32 v52, v50  }
0xd4: {  	v58 =	vld [tilespmem:s29+$0xAA0];
	[tilespmem:s29+$0xA30] =	vst v3;
	v3 =	vmul.f32 v53, v50  }
0xd5: {  	v1 =	vbroadcast v1, $0xF;
	v59 =	vld [tilespmem:s29+$0xAB0];
	[tilespmem:s29+$0xA40] =	vst v2;
	v2 =	vmul.f32 v54, v50  }
0xd6: {  	v60 =	vld [tilespmem:s29+$0xAC0];
	[tilespmem:s29+$0xA50] =	vst v3;
	v3 =	vmul.f32 v55, v50  }
0xd7: {  	v61 =	vld [tilespmem:s29+$0xAD0];
	[tilespmem:s29+$0xA60] =	vst v2;
	v2 =	vmul.f32 v56, v1  }
0xd8: {  	v62 =	vld [tilespmem:s29+$0xAE0];
	[tilespmem:s29+$0xA70] =	vst v3;
	v3 =	vmul.f32 v57, v1  }
0xd9: {  	v63 =	vld [tilespmem:s29+$0xAF0];
	[tilespmem:s29+$0xA80] =	vst v2;
	v2 =	vmul.f32 v58, v1  }
0xda: {  	[tilespmem:s29+$0xA90] =	vst v3;
	v3 =	vmul.f32 v59, v1  }
0xdb: {  	p1 =	sne.s32 s28, $0xB;
	[tilespmem:s29+$0xAA0] =	vst v2;
	v2 =	vmul.f32 v60, v1  }
.Ltmp1:
0xdc: {  	[tilespmem:s29+$0xAB0] =	vst v3;
	v3 =	vmul.f32 v61, v1;
	(pc) =	sbr.rel @p1 .LBB2_5-.Ltmp1, $4  }
0xdd: {  	[tilespmem:s29+$0xAC0] =	vst v2;
	v2 =	vmul.f32 v62, v1  }
0xde: {  	[tilespmem:s29+$0xAD0] =	vst v3;
	v1 =	vmul.f32 v63, v1  }
0xdf: {  	[tilespmem:s29+$0xAE0] =	vst v2  }
0xe0: {  	s28 =	sadd.s32 $0x1, s28;
	[tilespmem:s29+$0xAF0] =	vst v1  }
0xe1: {  	v1 =	vld [tilespmem:$0x2C0];
	_ =	sdelay $0x1  }
0xe2: {  	v2 =	vld [tilespmem:$0x6300]  }
0xe3: {  	v3 =	vld [tilespmem:$0x6310]  }
0xe4: {  	v4 =	vld [tilespmem:$0x6320]  }
0xe5: {  	v6 =	vld [tilespmem:$0x6330];
	v5 =	vbroadcast v1, $0x0  }
0xe6: {  	v7 =	vld [tilespmem:$0x6340]  }
0xe7: {  	v8 =	vld [tilespmem:$0x6350];
	v2 =	vmul.f32 v5, v2  }
0xe8: {  	v9 =	vld [tilespmem:$0x6360];
	v3 =	vmul.f32 v3, v5  }
0xe9: {  	v54 =	vld [tilespmem:$0x6370];
	[tilespmem:$0x6300] =	vst v2;
	v2 =	vmul.f32 v4, v5  }
0xea: {  	v55 =	vld [tilespmem:$0x6380];
	[tilespmem:$0x6310] =	vst v3;
	v3 =	vmul.f32 v6, v5  }
0xeb: {  	v56 =	vld [tilespmem:$0x6390];
	[tilespmem:$0x6320] =	vst v2;
	v2 =	vmul.f32 v7, v5  }
0xec: {  	v57 =	vld [tilespmem:$0x63A0];
	[tilespmem:$0x6330] =	vst v3;
	v3 =	vmul.f32 v8, v5  }
0xed: {  	v10 =	vld [tilespmem:$0x63B0];
	v58 =	vbroadcast v1, $0x1;
	[tilespmem:$0x6340] =	vst v2;
	v2 =	vmul.f32 v9, v5  }
0xee: {  	v59 =	vld [tilespmem:$0x63C0];
	[tilespmem:$0x6350] =	vst v3;
	v3 =	vmul.f32 v54, v5  }
0xef: {  	v60 =	vld [tilespmem:$0x63D0];
	[tilespmem:$0x6360] =	vst v2;
	v2 =	vmul.f32 v55, v58  }
0xf0: {  	v61 =	vld [tilespmem:$0x63E0];
	[tilespmem:$0x6370] =	vst v3;
	v3 =	vmul.f32 v56, v58  }
0xf1: {  	v62 =	vld [tilespmem:$0x63F0];
	[tilespmem:$0x6380] =	vst v2;
	v2 =	vmul.f32 v57, v58  }
0xf2: {  	v63 =	vld [tilespmem:$0x6400];
	[tilespmem:$0x6390] =	vst v3;
	v3 =	vmul.f32 v10, v58  }
0xf3: {  	v12 =	vld [tilespmem:$0x6410];
	[tilespmem:$0x63A0] =	vst v2;
	v2 =	vmul.f32 v59, v58  }
0xf4: {  	v13 =	vld [tilespmem:$0x6420];
	[tilespmem:$0x63B0] =	vst v3;
	v3 =	vmul.f32 v60, v58  }
0xf5: {  	v15 =	vld [tilespmem:$0x6430];
	v14 =	vbroadcast v1, $0x2;
	[tilespmem:$0x63C0] =	vst v2;
	v2 =	vmul.f32 v61, v58  }
0xf6: {  	v16 =	vld [tilespmem:$0x6440];
	[tilespmem:$0x63D0] =	vst v3;
	v3 =	vmul.f32 v62, v58  }
0xf7: {  	v17 =	vld [tilespmem:$0x6450];
	[tilespmem:$0x63E0] =	vst v2;
	v2 =	vmul.f32 v63, v14  }
0xf8: {  	v18 =	vld [tilespmem:$0x6460];
	[tilespmem:$0x63F0] =	vst v3;
	v3 =	vmul.f32 v12, v14  }
0xf9: {  	v19 =	vld [tilespmem:$0x6470];
	[tilespmem:$0x6400] =	vst v2;
	v2 =	vmul.f32 v13, v14  }
0xfa: {  	v20 =	vld [tilespmem:$0x6480];
	[tilespmem:$0x6410] =	vst v3;
	v3 =	vmul.f32 v15, v14  }
0xfb: {  	v21 =	vld [tilespmem:$0x6490];
	[tilespmem:$0x6420] =	vst v2;
	v2 =	vmul.f32 v16, v14  }
0xfc: {  	v22 =	vld [tilespmem:$0x64A0];
	[tilespmem:$0x6430] =	vst v3;
	v3 =	vmul.f32 v17, v14  }
0xfd: {  	v24 =	vld [tilespmem:$0x64B0];
	v23 =	vbroadcast v1, $0x3;
	[tilespmem:$0x6440] =	vst v2;
	v2 =	vmul.f32 v18, v14  }
0xfe: {  	v25 =	vld [tilespmem:$0x64C0];
	[tilespmem:$0x6450] =	vst v3;
	v3 =	vmul.f32 v19, v14  }
0xff: {  	v26 =	vld [tilespmem:$0x64D0];
	[tilespmem:$0x6460] =	vst v2;
	v2 =	vmul.f32 v20, v23  }
0x100: {  	v27 =	vld [tilespmem:$0x64E0];
	[tilespmem:$0x6470] =	vst v3;
	v3 =	vmul.f32 v21, v23  }
0x101: {  	v28 =	vld [tilespmem:$0x64F0];
	[tilespmem:$0x6480] =	vst v2;
	v2 =	vmul.f32 v22, v23  }
0x102: {  	v29 =	vld [tilespmem:$0x6500];
	[tilespmem:$0x6490] =	vst v3;
	v3 =	vmul.f32 v24, v23  }
0x103: {  	v30 =	vld [tilespmem:$0x6510];
	[tilespmem:$0x64A0] =	vst v2;
	v2 =	vmul.f32 v25, v23  }
0x104: {  	v31 =	vld [tilespmem:$0x6520];
	[tilespmem:$0x64B0] =	vst v3;
	v3 =	vmul.f32 v26, v23  }
0x105: {  	v33 =	vld [tilespmem:$0x6530];
	v32 =	vbroadcast v1, $0x4;
	[tilespmem:$0x64C0] =	vst v2;
	v2 =	vmul.f32 v27, v23  }
0x106: {  	v34 =	vld [tilespmem:$0x6540];
	[tilespmem:$0x64D0] =	vst v3;
	v3 =	vmul.f32 v28, v23  }
0x107: {  	v35 =	vld [tilespmem:$0x6550];
	[tilespmem:$0x64E0] =	vst v2;
	v2 =	vmul.f32 v29, v32  }
0x108: {  	v36 =	vld [tilespmem:$0x6560];
	[tilespmem:$0x64F0] =	vst v3;
	v3 =	vmul.f32 v30, v32  }
0x109: {  	v37 =	vld [tilespmem:$0x6570];
	[tilespmem:$0x6500] =	vst v2;
	v2 =	vmul.f32 v31, v32  }
0x10a: {  	v38 =	vld [tilespmem:$0x6580];
	[tilespmem:$0x6510] =	vst v3;
	v3 =	vmul.f32 v33, v32  }
0x10b: {  	v39 =	vld [tilespmem:$0x6590];
	[tilespmem:$0x6520] =	vst v2;
	v2 =	vmul.f32 v34, v32  }
0x10c: {  	v40 =	vld [tilespmem:$0x65A0];
	[tilespmem:$0x6530] =	vst v3;
	v3 =	vmul.f32 v35, v32  }
0x10d: {  	v42 =	vld [tilespmem:$0x65B0];
	v41 =	vbroadcast v1, $0x5;
	[tilespmem:$0x6540] =	vst v2;
	v2 =	vmul.f32 v36, v32  }
0x10e: {  	v43 =	vld [tilespmem:$0x65C0];
	[tilespmem:$0x6550] =	vst v3;
	v3 =	vmul.f32 v37, v32  }
0x10f: {  	v44 =	vld [tilespmem:$0x65D0];
	[tilespmem:$0x6560] =	vst v2;
	v2 =	vmul.f32 v38, v41  }
0x110: {  	v45 =	vld [tilespmem:$0x65E0];
	[tilespmem:$0x6570] =	vst v3;
	v3 =	vmul.f32 v39, v41  }
0x111: {  	v46 =	vld [tilespmem:$0x65F0];
	[tilespmem:$0x6580] =	vst v2;
	v2 =	vmul.f32 v40, v41  }
0x112: {  	v47 =	vld [tilespmem:$0x6600];
	[tilespmem:$0x6590] =	vst v3;
	v3 =	vmul.f32 v42, v41  }
0x113: {  	v48 =	vld [tilespmem:$0x6610];
	[tilespmem:$0x65A0] =	vst v2;
	v2 =	vmul.f32 v43, v41  }
0x114: {  	v49 =	vld [tilespmem:$0x6620];
	[tilespmem:$0x65B0] =	vst v3;
	v3 =	vmul.f32 v44, v41  }
0x115: {  	v51 =	vld [tilespmem:$0x6630];
	v50 =	vbroadcast v1, $0x6;
	[tilespmem:$0x65C0] =	vst v2;
	v2 =	vmul.f32 v45, v41  }
0x116: {  	v52 =	vld [tilespmem:$0x6640];
	[tilespmem:$0x65D0] =	vst v3;
	v3 =	vmul.f32 v46, v41  }
0x117: {  	v53 =	vld [tilespmem:$0x6650];
	[tilespmem:$0x65E0] =	vst v2;
	v2 =	vmul.f32 v47, v50  }
0x118: {  	v54 =	vld [tilespmem:$0x6660];
	[tilespmem:$0x65F0] =	vst v3;
	v3 =	vmul.f32 v48, v50  }
0x119: {  	v55 =	vld [tilespmem:$0x6670];
	[tilespmem:$0x6600] =	vst v2;
	v2 =	vmul.f32 v49, v50  }
0x11a: {  	v56 =	vld [tilespmem:$0x6680];
	[tilespmem:$0x6610] =	vst v3;
	v3 =	vmul.f32 v51, v50  }
0x11b: {  	v57 =	vld [tilespmem:$0x6690];
	[tilespmem:$0x6620] =	vst v2;
	v2 =	vmul.f32 v52, v50  }
0x11c: {  	v58 =	vld [tilespmem:$0x66A0];
	[tilespmem:$0x6630] =	vst v3;
	v3 =	vmul.f32 v53, v50  }
0x11d: {  	v1 =	vbroadcast v1, $0x7;
	v59 =	vld [tilespmem:$0x66B0];
	[tilespmem:$0x6640] =	vst v2;
	v2 =	vmul.f32 v54, v50  }
0x11e: {  	v60 =	vld [tilespmem:$0x66C0];
	[tilespmem:$0x6650] =	vst v3;
	v3 =	vmul.f32 v55, v50  }
0x11f: {  	v61 =	vld [tilespmem:$0x66D0];
	[tilespmem:$0x6660] =	vst v2;
	v2 =	vmul.f32 v56, v1  }
0x120: {  	v62 =	vld [tilespmem:$0x66E0];
	[tilespmem:$0x6670] =	vst v3;
	v3 =	vmul.f32 v57, v1  }
0x121: {  	v63 =	vld [tilespmem:$0x66F0];
	[tilespmem:$0x6680] =	vst v2;
	v2 =	vmul.f32 v58, v1  }
0x122: {  	[tilespmem:$0x6690] =	vst v3;
	v3 =	vmul.f32 v59, v1  }
0x123: {  	[tilespmem:$0x66A0] =	vst v2;
	v2 =	vmul.f32 v60, v1  }
0x124: {  	[tilespmem:$0x66B0] =	vst v3;
	v3 =	vmul.f32 v61, v1  }
0x125: {  	[tilespmem:$0x66C0] =	vst v2;
	v2 =	vmul.f32 v62, v1  }
0x126: {  	s26 =	sadd.s32 $0x1, s26;
	[tilespmem:$0x66D0] =	vst v3;
	v1 =	vmul.f32 v63, v1  }
0x127: {  	p1 =	sne.s32 s26, $0x32;
	[tilespmem:$0x66E0] =	vst v2  }
.Ltmp2:
0x128: {  	[tilespmem:$0x66F0] =	vst v1;
	(pc) =	sbr.rel @p1 .LBB2_4-.Ltmp2, $4  }
0x129: {  	[spmem:s6] =	stream.indirect.scatter.add.f32 [tilespmem:s23], [sflag:$0x2], $0x80, s20, s22, $0xb8;
	[tilespmem:$0x1D380] =	vst v63  }
0x12a: {  	_ =	swait.ge [sflag:s19], $0x6400  }
0x12b: {  	[sflag:s19] =	ssyncset.done $0x0  }
0x12c: {  	[sflag:s19] =	ssyncadd.s32 $0xFFFF9C00  }
0x12d: {  	s25 =	sshll.u32 @p0 s5, $0x6  }
0x12e: {  	[bflag:$0x0] =	sbarrier.arrive $0xFFFF;
	s26 =	sshrl.u32 @p0 s8, $0x3;
	s25 =	sor.u32 @p0 $0x1C02, s25  }
0x12f: {  	[hbm:s16], [sflag:s25] =	dma.local @p0 [spmem:s26], $0x2700  }
0x130: {  	s25 =	simm.s32 @p0 $0x2  }
0x131: {  	s7 =	sadd.s32 $0x1, s7;
	_ =	swait.ge @p0 [sflag:s25], $0x2700  }
0x132: {  	p1 =	sne.s32 s7, s17;
	[sflag:s25] =	ssyncset.done @p0 $0x0  }
0x133: {  	s26 =	simm.s32 @!p0 $0x1FC2;
	[sflag:s25] =	ssyncadd.s32 @p0 $0xFFFFD900;
	s25 =	sshrl.u32 @!p0 s8, $0x3  }
0x134: {  	[hbm:s16], [sflag:s26] =	dma.local @!p0 [spmem:s25], $0x2800  }
.Ltmp3:
0x135: {  	_ = 	snop;
	(pc) =	sbr.rel @p1 .LBB2_1-.Ltmp3, $4  }
0x136: {  	s25 =	simm.s32 @!p0 $0x2  }
0x137: {  	_ =	swait.ge @!p0 [sflag:s25], $0x2800  }
0x138: {  	[sflag:s25] =	ssyncset.done @!p0 $0x0  }
0x139: {  	[sflag:s25] =	ssyncadd.s32 @!p0 $0xFFFFD800  }
0x13a: {  	_ =	sfence.sel $0x180000  }
0x13b: {  	[bflag:$0x0] =	sbarrier.arrive $0xFFFF  }
0x13c: {  	p0 =	sne.s32 s5, $0x0;
	_ =	strace $0x90000047  }
0x13d: {  	s0 =	sadd.s32 @!p0 $0x100000, s0;
	[bflag:$0x2] =	sbarrier.arrive $0xFFFF  }
0x13e: {  	[sflag:s0] =	ssyncadd.tile.s32 @!p0 $0x1;
	_ =	shalt  }
.Lfunc_end2:
_tile_overlayer_lowered:
.L_overlay_start_2:
0x13f: {  	(tag) =	ssettag $0x2  }
0x140: {  	s0 =	rddreg [dreg:$0x0];
	s2 =	stileid.u32  }
0x141: {  	s1 =	rddreg [dreg:$0x1];
	p0 =	sne.s32 s2, $0x0  }
0x142: {  	s3 =	rddreg [dreg:$0x2];
	[bflag:$0x3] =	sbarrier.arrive $0xFFFF;
	s2 =	simm.s32 @!p0 $0x1C02  }
0x143: {  	[timem:s3], [sflag:s2] =	dma.local @!p0 [hbm:s0], s1  }
0x144: {  	s0 =	simm.s32 @!p0 $0x2  }
0x145: {  	_ =	swait.ge @!p0 [sflag:s0], s1  }
0x146: {  	s1 =	ssub.s32 @!p0 $0x0, s1;
	[sflag:s0] =	ssyncset.done @!p0 $0x0  }
0x147: {  	[sflag:s0] =	ssyncadd.s32 @!p0 s1  }
0x148: {  	[bflag:$0x3] =	sbarrier.arrive $0xFFFF  }
0x149: {  	_ =	shalt  }

</sc_bundles>
